<compile_context>
chip_gen: v7x
topology: tpu7x:2x2x1
jax: 0.10.2.dev20260603
libtpu: 0.0.44.dev20260713+nightly
codegen_flags: <defaults>
</compile_context>

<pallas_src>
import functools

import jax
import jax.numpy as jnp
from jax import lax
from jax.experimental import pallas as pl
from jax.experimental.pallas import tpu as pltpu
from jax.experimental.pallas import tpu_sc as plsc

_NC = 2
_NS = 16
_NW = _NC * _NS
_LW = 16


@functools.lru_cache(maxsize=None)
def _make_sc_segment(b, d, t, c):
    n = b * t
    bph = b // _NC
    nph = n // _NC
    rpt = n // _NW
    assert d == _NS * _LW and n % _NW == 0 and b % _NC == 0 and t % _LW == 0
    mesh = plsc.VectorSubcoreMesh(core_axis_name="c", subcore_axis_name="s")

    @functools.partial(
        pl.kernel,
        mesh=mesh,
        compiler_params=pltpu.CompilerParams(
            use_tc_tiling_on_sc=False, needs_layout_passes=False),
        out_type=(
            jax.ShapeDtypeStruct((_NC, d, c), jnp.float32),
            jax.ShapeDtypeStruct((_NW, c), jnp.float32),
            jax.ShapeDtypeStruct((_NW, _LW), jnp.float32),
        ),
        scratch_types=[
            pltpu.VMEM((nph,), jnp.int32),
            pltpu.VMEM((bph, _LW, t + 1), jnp.float32),
            pltpu.VMEM((_LW, c + 1), jnp.float32),
            pltpu.VMEM((_LW, c + 1), jnp.float32),
            pltpu.VMEM((_LW,), jnp.float32),
            pltpu.SemaphoreType.DMA,
        ] + [pltpu.SemaphoreType.DMA] * bph,
    )
    def sc_segment(feat_hbm, lab_hbm, s_out, cnt_out, sq_out,
                   idx_v, slab_v, acc_v, cnt_v, sq_v, sem_lab, *sem_slab):
        ci = lax.axis_index("c")
        si = lax.axis_index("s")
        wid = si * _NC + ci
        cp_lab = pltpu.async_copy(
            lab_hbm.at[pl.ds(ci * nph, nph)], idx_v, sem_lab)
        cp_slab = [
            pltpu.async_copy(
                feat_hbm.at[pl.ds(ci * bph + bb, 1), pl.ds(si * _LW, _LW), :],
                slab_v.at[pl.ds(bb, 1), :, pl.ds(0, t)], sem_slab[bb])
            for bb in range(bph)
        ]

        d_iota = lax.iota(jnp.int32, _LW)
        ones16 = jnp.full((_LW,), 1.0, jnp.float32)
        zeros16f = jnp.zeros((_LW,), jnp.float32)

        def z_body(k, _):
            for dd in range(_LW):
                acc_v[dd, pl.ds(k * _LW, _LW)] = zeros16f
            cnt_v[0, pl.ds(k * _LW, _LW)] = zeros16f
            return 0

        lax.fori_loop(0, c // _LW, z_body, 0)
        cp_lab.wait()

        def cnt_body(tt, _):
            labs = idx_v[pl.ds(si * rpt + tt * _LW, _LW)]
            cls = [jnp.full((_LW,), labs[j], jnp.int32) for j in range(_LW)]
            for j in range(_LW):
                plsc.addupdate_scatter(cnt_v, [d_iota, cls[j]], ones16)
            return 0

        lax.fori_loop(0, rpt // _LW, cnt_body, 0)

        sq = (zeros16f, zeros16f, zeros16f, zeros16f)
        for b_loc in range(bph):
            cp_slab[b_loc].wait()
            b_idx = jnp.full((_LW,), b_loc, jnp.int32)

            def t_body(tt, sq, b_idx=b_idx, b_loc=b_loc):
                labs = idx_v[pl.ds(b_loc * t + tt * _LW, _LW)]
                t_base = jnp.full((_LW,), tt * _LW, jnp.int32)
                vals = [plsc.load_gather(slab_v, [b_idx, d_iota, t_base + j])
                        for j in range(_LW)]
                cls = [jnp.full((_LW,), labs[j], jnp.int32)
                       for j in range(_LW)]
                for j in range(_LW):
                    plsc.addupdate_scatter(acc_v, [d_iota, cls[j]], vals[j])
                sq = list(sq)
                for j in range(_LW):
                    sq[j % 4] = sq[j % 4] + vals[j] * vals[j]
                return tuple(sq)

            sq = lax.fori_loop(0, t // _LW, t_body, sq)
        sq_v[...] = sq[0] + sq[1] + sq[2] + sq[3]

        pltpu.sync_copy(acc_v.at[:, pl.ds(0, c)],
                        s_out.at[ci, pl.ds(si * _LW, _LW), :])
        pltpu.sync_copy(cnt_v.at[0, pl.ds(0, c)], cnt_out.at[wid])
        pltpu.sync_copy(sq_v, sq_out.at[wid])

    return sc_segment


@functools.lru_cache(maxsize=None)
def _make_finish(b, d, t, c):
    n = b * t

    def body(sp_ref, cnt_ref, cen_ref, sq_ref, loss_ref, diff_ref):
        s = jnp.transpose(sp_ref[0] + sp_ref[1])
        counts = jnp.sum(cnt_ref[...], axis=1, keepdims=True)
        cen = cen_ref[...]
        diff_ref[...] = (counts * cen - s) / jnp.maximum(counts, 1.0)
        sumf2 = jnp.sum(sq_ref[...])
        cross = jnp.sum(s * cen)
        sumc2 = jnp.sum(counts * (cen * cen))
        loss = (sumf2 - 2.0 * cross + sumc2) / (n * d)
        loss_ref[...] = jnp.broadcast_to(loss, (1, 1))

    return pl.pallas_call(
        body,
        out_shape=(
            jax.ShapeDtypeStruct((1, 1), jnp.float32),
            jax.ShapeDtypeStruct((c, d), jnp.float32),
        ),
    )


def kernel(feature, centers, label):
    b, d, t = feature.shape
    c = centers.shape[0]
    lab = label.reshape(-1)
    s_part, cnt_part, sq_part = _make_sc_segment(b, d, t, c)(feature, lab)
    loss, difference = _make_finish(b, d, t, c)(
        s_part, jnp.transpose(cnt_part), centers, sq_part)
    return loss[0, 0], difference

# --- scband reference (transcript-rebuilt; emitter-appended) ---
"""Pipeline reference for scband-center-loss-59717225283874 (READ-ONLY COPY).

The authoritative reference and input builder live on the scoring server;
editing this copy changes nothing except your own understanding.
"""

import jax, jax.numpy as jnp
import numpy as np

B, D, T = 8, 256, 512
C = 1024


def setup_inputs(seed: int = 0) -> dict:
    key = jax.random.key(seed)
    k1, k2, k3 = jax.random.split(key, 3)
    feature = jax.random.normal(k1, (B, D, T), dtype=jnp.float32)
    label = jax.random.randint(k2, (B, T), 0, C, dtype=jnp.int32)
    centers = jax.random.normal(k3, (C, D), dtype=jnp.float32)
    return {"feature": feature, "centers": centers, "label": label}


def reference(feature, centers, label):
    num_classes, feat_dim = centers.shape
    # feature: (B, D, T) -> transpose(2,1) -> (B, T, D) -> reshape(-1, D)
    f = jnp.transpose(feature, (0, 2, 1)).reshape(-1, feature.shape[1])
    lab = label.reshape(-1)
    # centers.index_select(0, label)
    centers_batch = jnp.take(centers, lab, axis=0)
    # MSELoss (mean reduction)
    center_loss = jnp.mean((f - centers_batch) ** 2)
    diff = centers_batch - f
    # per-class accumulation: difference[i] += sum(diff[label==i]) for unique labels
    difference = jax.ops.segment_sum(diff, lab, num_segments=num_classes)
    # pairwise squared distances (computed in the original forward; its downstream
    # intra_dis is dead code and shape-inconsistent in torch, so it is not used).
    # Materialization-free equivalent of ((f[:,None,:] - centers[None,:,:])**2).sum(-1)
    distance_centers = (
        jnp.sum(f ** 2, axis=1, keepdims=True)
        + jnp.sum(centers ** 2, axis=1)[None, :]
        - 2.0 * (f @ centers.T)
    )
    _ = distance_centers  # unused in returned outputs, matches original returns
    appear_times = jnp.bincount(lab, length=num_classes)
    difference = difference / jnp.maximum(appear_times, 1)[:, None].astype(f.dtype)
    return center_loss, difference

if __name__ == "__main__":
    import jax
    _d = setup_inputs()
    print(jax.jit(kernel)(*tuple(_d.values())))

</pallas_src>

<mosaic_0001>
#map = affine_map<(d0, d1) -> (0, 0, 0)>
#map1 = affine_map<(d0, d1) -> (0)>
#map2 = affine_map<(d0, d1) -> (0, 0)>
module attributes {stable_mosaic.version = 14 : i64} {
  func.func @sc_segment(%arg0: i32, %arg1: i32, %arg2: memref<8x256x512xf32, #tpu.memory_space<hbm>>, %arg3: memref<4096xi32, #tpu.memory_space<hbm>>, %arg4: memref<2x256x1024xf32, #tpu.memory_space<hbm>>, %arg5: memref<32x1024xf32, #tpu.memory_space<hbm>>, %arg6: memref<32x16xf32, #tpu.memory_space<hbm>>, %arg7: memref<2048xi32, #tpu.memory_space<vmem>>, %arg8: memref<4x16x513xf32, #tpu.memory_space<vmem>>, %arg9: memref<16x1025xf32, #tpu.memory_space<vmem>>, %arg10: memref<16x1025xf32, #tpu.memory_space<vmem>>, %arg11: memref<16xf32, #tpu.memory_space<vmem>>, %arg12: memref<!tpu.dma_semaphore, #tpu.memory_space<semaphore_mem>>, %arg13: memref<!tpu.dma_semaphore, #tpu.memory_space<semaphore_mem>>, %arg14: memref<!tpu.dma_semaphore, #tpu.memory_space<semaphore_mem>>, %arg15: memref<!tpu.dma_semaphore, #tpu.memory_space<semaphore_mem>>, %arg16: memref<!tpu.dma_semaphore, #tpu.memory_space<semaphore_mem>>) attributes {dimension_semantics = [#tpu.dimension_semantics<core_parallel>, #tpu.dimension_semantics<subcore_parallel>], iteration_bounds = array<i64: 2, 16>, scalar_prefetch = 0 : i64, scratch_operands = 10 : i64, tpu.core_type = #tpu.core_type<sc_vector_subcore>, window_params = [{transform_indices = #map}, {transform_indices = #map1}, {transform_indices = #map}, {transform_indices = #map2}, {transform_indices = #map2}]} {
    %mul3A = arith.constant 2 : i32
    %mul3A_0 = arith.muli %arg1, %mul3A : i32
    %add3A = arith.addi %mul3A_0, %arg0 : i32
    %mul3A_1 = arith.constant 2048 : i32
    %mul3A_2 = arith.muli %arg0, %mul3A_1 : i32
    %dma_start3A = tpu.memref_slice %arg3[%mul3A_2] : memref<4096xi32, #tpu.memory_space<hbm>> -> memref<2048xi32, #tpu.memory_space<hbm>>
    %dma_start3A_3 = tpu.memref_slice %arg3[%mul3A_2] : memref<4096xi32, #tpu.memory_space<hbm>> -> memref<2048xi32, #tpu.memory_space<hbm>>
    tpu.enqueue_dma source(%dma_start3A_3 : memref<2048xi32, #tpu.memory_space<hbm>>) target(%arg7 : memref<2048xi32, #tpu.memory_space<vmem>>) target_semaphore(%arg12 : memref<!tpu.dma_semaphore, #tpu.memory_space<semaphore_mem>>)
    %mul3A_4 = arith.constant 4 : i32
    %mul3A_5 = arith.muli %arg0, %mul3A_4 : i32
    %add3A_6 = arith.constant 0 : i32
    %add3A_7 = arith.addi %mul3A_5, %add3A_6 : i32
    %mul3A_8 = arith.constant 16 : i32
    %mul3A_9 = arith.muli %arg1, %mul3A_8 : i32
    %dma_start3A_10 = arith.constant 0 : i32
    %dma_start3A_11 = arith.constant 0 : i32
    %dma_start3A_12 = arith.constant 0 : i32
    %dma_start3A_13 = tpu.memref_slice %arg8[%dma_start3A_10, %dma_start3A_11, %dma_start3A_12] : memref<4x16x513xf32, #tpu.memory_space<vmem>> -> memref<1x16x512xf32, #tpu.memory_space<vmem>>
    %dma_start3A_14 = arith.constant 0 : i32
    %dma_start3A_15 = tpu.memref_slice %arg2[%add3A_7, %mul3A_9, %dma_start3A_14] : memref<8x256x512xf32, #tpu.memory_space<hbm>> -> memref<1x16x512xf32, #tpu.memory_space<hbm>>
    %dma_start3A_16 = arith.constant 0 : i32
    %dma_start3A_17 = arith.constant 0 : i32
    %dma_start3A_18 = arith.constant 0 : i32
    %dma_start3A_19 = tpu.memref_slice %arg8[%dma_start3A_16, %dma_start3A_17, %dma_start3A_18] : memref<4x16x513xf32, #tpu.memory_space<vmem>> -> memref<1x16x512xf32, #tpu.memory_space<vmem>>
    %dma_start3A_20 = arith.constant 0 : i32
    %dma_start3A_21 = tpu.memref_slice %arg2[%add3A_7, %mul3A_9, %dma_start3A_20] : memref<8x256x512xf32, #tpu.memory_space<hbm>> -> memref<1x16x512xf32, #tpu.memory_space<hbm>>
    tpu.enqueue_dma source(%dma_start3A_21 : memref<1x16x512xf32, #tpu.memory_space<hbm>>) target(%dma_start3A_19 : memref<1x16x512xf32, #tpu.memory_space<vmem>>) target_semaphore(%arg13 : memref<!tpu.dma_semaphore, #tpu.memory_space<semaphore_mem>>)
    %mul3A_22 = arith.constant 4 : i32
    %mul3A_23 = arith.muli %arg0, %mul3A_22 : i32
    %add3A_24 = arith.constant 1 : i32
    %add3A_25 = arith.addi %mul3A_23, %add3A_24 : i32
    %mul3A_26 = arith.constant 16 : i32
    %mul3A_27 = arith.muli %arg1, %mul3A_26 : i32
    %dma_start3A_28 = arith.constant 1 : i32
    %dma_start3A_29 = arith.constant 0 : i32
    %dma_start3A_30 = arith.constant 0 : i32
    %dma_start3A_31 = tpu.memref_slice %arg8[%dma_start3A_28, %dma_start3A_29, %dma_start3A_30] : memref<4x16x513xf32, #tpu.memory_space<vmem>> -> memref<1x16x512xf32, #tpu.memory_space<vmem>>
    %dma_start3A_32 = arith.constant 0 : i32
    %dma_start3A_33 = tpu.memref_slice %arg2[%add3A_25, %mul3A_27, %dma_start3A_32] : memref<8x256x512xf32, #tpu.memory_space<hbm>> -> memref<1x16x512xf32, #tpu.memory_space<hbm>>
    %dma_start3A_34 = arith.constant 1 : i32
    %dma_start3A_35 = arith.constant 0 : i32
    %dma_start3A_36 = arith.constant 0 : i32
    %dma_start3A_37 = tpu.memref_slice %arg8[%dma_start3A_34, %dma_start3A_35, %dma_start3A_36] : memref<4x16x513xf32, #tpu.memory_space<vmem>> -> memref<1x16x512xf32, #tpu.memory_space<vmem>>
    %dma_start3A_38 = arith.constant 0 : i32
    %dma_start3A_39 = tpu.memref_slice %arg2[%add3A_25, %mul3A_27, %dma_start3A_38] : memref<8x256x512xf32, #tpu.memory_space<hbm>> -> memref<1x16x512xf32, #tpu.memory_space<hbm>>
    tpu.enqueue_dma source(%dma_start3A_39 : memref<1x16x512xf32, #tpu.memory_space<hbm>>) target(%dma_start3A_37 : memref<1x16x512xf32, #tpu.memory_space<vmem>>) target_semaphore(%arg14 : memref<!tpu.dma_semaphore, #tpu.memory_space<semaphore_mem>>)
    %mul3A_40 = arith.constant 4 : i32
    %mul3A_41 = arith.muli %arg0, %mul3A_40 : i32
    %add3A_42 = arith.constant 2 : i32
    %add3A_43 = arith.addi %mul3A_41, %add3A_42 : i32
    %mul3A_44 = arith.constant 16 : i32
    %mul3A_45 = arith.muli %arg1, %mul3A_44 : i32
    %dma_start3A_46 = arith.constant 2 : i32
    %dma_start3A_47 = arith.constant 0 : i32
    %dma_start3A_48 = arith.constant 0 : i32
    %dma_start3A_49 = tpu.memref_slice %arg8[%dma_start3A_46, %dma_start3A_47, %dma_start3A_48] : memref<4x16x513xf32, #tpu.memory_space<vmem>> -> memref<1x16x512xf32, #tpu.memory_space<vmem>>
    %dma_start3A_50 = arith.constant 0 : i32
    %dma_start3A_51 = tpu.memref_slice %arg2[%add3A_43, %mul3A_45, %dma_start3A_50] : memref<8x256x512xf32, #tpu.memory_space<hbm>> -> memref<1x16x512xf32, #tpu.memory_space<hbm>>
    %dma_start3A_52 = arith.constant 2 : i32
    %dma_start3A_53 = arith.constant 0 : i32
    %dma_start3A_54 = arith.constant 0 : i32
    %dma_start3A_55 = tpu.memref_slice %arg8[%dma_start3A_52, %dma_start3A_53, %dma_start3A_54] : memref<4x16x513xf32, #tpu.memory_space<vmem>> -> memref<1x16x512xf32, #tpu.memory_space<vmem>>
    %dma_start3A_56 = arith.constant 0 : i32
    %dma_start3A_57 = tpu.memref_slice %arg2[%add3A_43, %mul3A_45, %dma_start3A_56] : memref<8x256x512xf32, #tpu.memory_space<hbm>> -> memref<1x16x512xf32, #tpu.memory_space<hbm>>
    tpu.enqueue_dma source(%dma_start3A_57 : memref<1x16x512xf32, #tpu.memory_space<hbm>>) target(%dma_start3A_55 : memref<1x16x512xf32, #tpu.memory_space<vmem>>) target_semaphore(%arg15 : memref<!tpu.dma_semaphore, #tpu.memory_space<semaphore_mem>>)
    %mul3A_58 = arith.constant 4 : i32
    %mul3A_59 = arith.muli %arg0, %mul3A_58 : i32
    %add3A_60 = arith.constant 3 : i32
    %add3A_61 = arith.addi %mul3A_59, %add3A_60 : i32
    %mul3A_62 = arith.constant 16 : i32
    %mul3A_63 = arith.muli %arg1, %mul3A_62 : i32
    %dma_start3A_64 = arith.constant 3 : i32
    %dma_start3A_65 = arith.constant 0 : i32
    %dma_start3A_66 = arith.constant 0 : i32
    %dma_start3A_67 = tpu.memref_slice %arg8[%dma_start3A_64, %dma_start3A_65, %dma_start3A_66] : memref<4x16x513xf32, #tpu.memory_space<vmem>> -> memref<1x16x512xf32, #tpu.memory_space<vmem>>
    %dma_start3A_68 = arith.constant 0 : i32
    %dma_start3A_69 = tpu.memref_slice %arg2[%add3A_61, %mul3A_63, %dma_start3A_68] : memref<8x256x512xf32, #tpu.memory_space<hbm>> -> memref<1x16x512xf32, #tpu.memory_space<hbm>>
    %dma_start3A_70 = arith.constant 3 : i32
    %dma_start3A_71 = arith.constant 0 : i32
    %dma_start3A_72 = arith.constant 0 : i32
    %dma_start3A_73 = tpu.memref_slice %arg8[%dma_start3A_70, %dma_start3A_71, %dma_start3A_72] : memref<4x16x513xf32, #tpu.memory_space<vmem>> -> memref<1x16x512xf32, #tpu.memory_space<vmem>>
    %dma_start3A_74 = arith.constant 0 : i32
    %dma_start3A_75 = tpu.memref_slice %arg2[%add3A_61, %mul3A_63, %dma_start3A_74] : memref<8x256x512xf32, #tpu.memory_space<hbm>> -> memref<1x16x512xf32, #tpu.memory_space<hbm>>
    tpu.enqueue_dma source(%dma_start3A_75 : memref<1x16x512xf32, #tpu.memory_space<hbm>>) target(%dma_start3A_73 : memref<1x16x512xf32, #tpu.memory_space<vmem>>) target_semaphore(%arg16 : memref<!tpu.dma_semaphore, #tpu.memory_space<semaphore_mem>>)
    %iota3A = tpu.iota {dimensions = array<i32: 0>} : vector<16xi32>
    %broadcast_in_dim3A = arith.constant 1.000000e+00 : f32
    %broadcast_in_dim3A_76 = vector.broadcast %broadcast_in_dim3A : f32 to vector<16xf32>
    %broadcast_in_dim3A_77 = arith.constant 0.000000e+00 : f32
    %broadcast_in_dim3A_78 = vector.broadcast %broadcast_in_dim3A_77 : f32 to vector<16xf32>
    %scan3A = arith.constant 0 : i32
    %scan3A_79 = arith.constant 0 : i32
    %scan3A_80 = arith.constant 64 : i32
    %scan3A_81 = arith.addi %scan3A_79, %scan3A_80 : i32
    %scan3A_82 = arith.constant 1 : i32
    %scan3A_83 = scf.for %scan3A_179 = %scan3A_79 to %scan3A_81 step %scan3A_82 iter_args(%scan3A_180 = %scan3A) -> (i32)  : i32 {
      %mul3A_181 = arith.constant 16 : i32
      %mul3A_182 = arith.muli %scan3A_179, %mul3A_181 : i32
      %swap3A_183 = arith.constant 0 : i32
      %swap3A_184 = arith.index_cast %swap3A_183 : i32 to index
      %swap3A_185 = arith.index_cast %mul3A_182 : i32 to index
      %swap3A_186 = tpu.vector_load %arg9[%swap3A_184, %swap3A_185] {strides = array<i32>} : memref<16x1025xf32, #tpu.memory_space<vmem>>, vector<16xf32>,
      tpu.vector_store %arg9[%swap3A_184, %swap3A_185], %broadcast_in_dim3A_78 {strides = array<i32>} : memref<16x1025xf32, #tpu.memory_space<vmem>>, vector<16xf32>,
      %mul3A_187 = arith.constant 16 : i32
      %mul3A_188 = arith.muli %scan3A_179, %mul3A_187 : i32
      %swap3A_189 = arith.constant 1 : i32
      %swap3A_190 = arith.index_cast %swap3A_189 : i32 to index
      %swap3A_191 = arith.index_cast %mul3A_188 : i32 to index
      %swap3A_192 = tpu.vector_load %arg9[%swap3A_190, %swap3A_191] {strides = array<i32>} : memref<16x1025xf32, #tpu.memory_space<vmem>>, vector<16xf32>,
      tpu.vector_store %arg9[%swap3A_190, %swap3A_191], %broadcast_in_dim3A_78 {strides = array<i32>} : memref<16x1025xf32, #tpu.memory_space<vmem>>, vector<16xf32>,
      %mul3A_193 = arith.constant 16 : i32
      %mul3A_194 = arith.muli %scan3A_179, %mul3A_193 : i32
      %swap3A_195 = arith.constant 2 : i32
      %swap3A_196 = arith.index_cast %swap3A_195 : i32 to index
      %swap3A_197 = arith.index_cast %mul3A_194 : i32 to index
      %swap3A_198 = tpu.vector_load %arg9[%swap3A_196, %swap3A_197] {strides = array<i32>} : memref<16x1025xf32, #tpu.memory_space<vmem>>, vector<16xf32>,
      tpu.vector_store %arg9[%swap3A_196, %swap3A_197], %broadcast_in_dim3A_78 {strides = array<i32>} : memref<16x1025xf32, #tpu.memory_space<vmem>>, vector<16xf32>,
      %mul3A_199 = arith.constant 16 : i32
      %mul3A_200 = arith.muli %scan3A_179, %mul3A_199 : i32
      %swap3A_201 = arith.constant 3 : i32
      %swap3A_202 = arith.index_cast %swap3A_201 : i32 to index
      %swap3A_203 = arith.index_cast %mul3A_200 : i32 to index
      %swap3A_204 = tpu.vector_load %arg9[%swap3A_202, %swap3A_203] {strides = array<i32>} : memref<16x1025xf32, #tpu.memory_space<vmem>>, vector<16xf32>,
      tpu.vector_store %arg9[%swap3A_202, %swap3A_203], %broadcast_in_dim3A_78 {strides = array<i32>} : memref<16x1025xf32, #tpu.memory_space<vmem>>, vector<16xf32>,
      %mul3A_205 = arith.constant 16 : i32
      %mul3A_206 = arith.muli %scan3A_179, %mul3A_205 : i32
      %swap3A_207 = arith.constant 4 : i32
      %swap3A_208 = arith.index_cast %swap3A_207 : i32 to index
      %swap3A_209 = arith.index_cast %mul3A_206 : i32 to index
      %swap3A_210 = tpu.vector_load %arg9[%swap3A_208, %swap3A_209] {strides = array<i32>} : memref<16x1025xf32, #tpu.memory_space<vmem>>, vector<16xf32>,
      tpu.vector_store %arg9[%swap3A_208, %swap3A_209], %broadcast_in_dim3A_78 {strides = array<i32>} : memref<16x1025xf32, #tpu.memory_space<vmem>>, vector<16xf32>,
      %mul3A_211 = arith.constant 16 : i32
      %mul3A_212 = arith.muli %scan3A_179, %mul3A_211 : i32
      %swap3A_213 = arith.constant 5 : i32
      %swap3A_214 = arith.index_cast %swap3A_213 : i32 to index
      %swap3A_215 = arith.index_cast %mul3A_212 : i32 to index
      %swap3A_216 = tpu.vector_load %arg9[%swap3A_214, %swap3A_215] {strides = array<i32>} : memref<16x1025xf32, #tpu.memory_space<vmem>>, vector<16xf32>,
      tpu.vector_store %arg9[%swap3A_214, %swap3A_215], %broadcast_in_dim3A_78 {strides = array<i32>} : memref<16x1025xf32, #tpu.memory_space<vmem>>, vector<16xf32>,
      %mul3A_217 = arith.constant 16 : i32
      %mul3A_218 = arith.muli %scan3A_179, %mul3A_217 : i32
      %swap3A_219 = arith.constant 6 : i32
      %swap3A_220 = arith.index_cast %swap3A_219 : i32 to index
      %swap3A_221 = arith.index_cast %mul3A_218 : i32 to index
      %swap3A_222 = tpu.vector_load %arg9[%swap3A_220, %swap3A_221] {strides = array<i32>} : memref<16x1025xf32, #tpu.memory_space<vmem>>, vector<16xf32>,
      tpu.vector_store %arg9[%swap3A_220, %swap3A_221], %broadcast_in_dim3A_78 {strides = array<i32>} : memref<16x1025xf32, #tpu.memory_space<vmem>>, vector<16xf32>,
      %mul3A_223 = arith.constant 16 : i32
      %mul3A_224 = arith.muli %scan3A_179, %mul3A_223 : i32
      %swap3A_225 = arith.constant 7 : i32
      %swap3A_226 = arith.index_cast %swap3A_225 : i32 to index
      %swap3A_227 = arith.index_cast %mul3A_224 : i32 to index
      %swap3A_228 = tpu.vector_load %arg9[%swap3A_226, %swap3A_227] {strides = array<i32>} : memref<16x1025xf32, #tpu.memory_space<vmem>>, vector<16xf32>,
      tpu.vector_store %arg9[%swap3A_226, %swap3A_227], %broadcast_in_dim3A_78 {strides = array<i32>} : memref<16x1025xf32, #tpu.memory_space<vmem>>, vector<16xf32>,
      %mul3A_229 = arith.constant 16 : i32
      %mul3A_230 = arith.muli %scan3A_179, %mul3A_229 : i32
      %swap3A_231 = arith.constant 8 : i32
      %swap3A_232 = arith.index_cast %swap3A_231 : i32 to index
      %swap3A_233 = arith.index_cast %mul3A_230 : i32 to index
      %swap3A_234 = tpu.vector_load %arg9[%swap3A_232, %swap3A_233] {strides = array<i32>} : memref<16x1025xf32, #tpu.memory_space<vmem>>, vector<16xf32>,
      tpu.vector_store %arg9[%swap3A_232, %swap3A_233], %broadcast_in_dim3A_78 {strides = array<i32>} : memref<16x1025xf32, #tpu.memory_space<vmem>>, vector<16xf32>,
      %mul3A_235 = arith.constant 16 : i32
      %mul3A_236 = arith.muli %scan3A_179, %mul3A_235 : i32
      %swap3A_237 = arith.constant 9 : i32
      %swap3A_238 = arith.index_cast %swap3A_237 : i32 to index
      %swap3A_239 = arith.index_cast %mul3A_236 : i32 to index
      %swap3A_240 = tpu.vector_load %arg9[%swap3A_238, %swap3A_239] {strides = array<i32>} : memref<16x1025xf32, #tpu.memory_space<vmem>>, vector<16xf32>,
      tpu.vector_store %arg9[%swap3A_238, %swap3A_239], %broadcast_in_dim3A_78 {strides = array<i32>} : memref<16x1025xf32, #tpu.memory_space<vmem>>, vector<16xf32>,
      %mul3A_241 = arith.constant 16 : i32
      %mul3A_242 = arith.muli %scan3A_179, %mul3A_241 : i32
      %swap3A_243 = arith.constant 10 : i32
      %swap3A_244 = arith.index_cast %swap3A_243 : i32 to index
      %swap3A_245 = arith.index_cast %mul3A_242 : i32 to index
      %swap3A_246 = tpu.vector_load %arg9[%swap3A_244, %swap3A_245] {strides = array<i32>} : memref<16x1025xf32, #tpu.memory_space<vmem>>, vector<16xf32>,
      tpu.vector_store %arg9[%swap3A_244, %swap3A_245], %broadcast_in_dim3A_78 {strides = array<i32>} : memref<16x1025xf32, #tpu.memory_space<vmem>>, vector<16xf32>,
      %mul3A_247 = arith.constant 16 : i32
      %mul3A_248 = arith.muli %scan3A_179, %mul3A_247 : i32
      %swap3A_249 = arith.constant 11 : i32
      %swap3A_250 = arith.index_cast %swap3A_249 : i32 to index
      %swap3A_251 = arith.index_cast %mul3A_248 : i32 to index
      %swap3A_252 = tpu.vector_load %arg9[%swap3A_250, %swap3A_251] {strides = array<i32>} : memref<16x1025xf32, #tpu.memory_space<vmem>>, vector<16xf32>,
      tpu.vector_store %arg9[%swap3A_250, %swap3A_251], %broadcast_in_dim3A_78 {strides = array<i32>} : memref<16x1025xf32, #tpu.memory_space<vmem>>, vector<16xf32>,
      %mul3A_253 = arith.constant 16 : i32
      %mul3A_254 = arith.muli %scan3A_179, %mul3A_253 : i32
      %swap3A_255 = arith.constant 12 : i32
      %swap3A_256 = arith.index_cast %swap3A_255 : i32 to index
      %swap3A_257 = arith.index_cast %mul3A_254 : i32 to index
      %swap3A_258 = tpu.vector_load %arg9[%swap3A_256, %swap3A_257] {strides = array<i32>} : memref<16x1025xf32, #tpu.memory_space<vmem>>, vector<16xf32>,
      tpu.vector_store %arg9[%swap3A_256, %swap3A_257], %broadcast_in_dim3A_78 {strides = array<i32>} : memref<16x1025xf32, #tpu.memory_space<vmem>>, vector<16xf32>,
      %mul3A_259 = arith.constant 16 : i32
      %mul3A_260 = arith.muli %scan3A_179, %mul3A_259 : i32
      %swap3A_261 = arith.constant 13 : i32
      %swap3A_262 = arith.index_cast %swap3A_261 : i32 to index
      %swap3A_263 = arith.index_cast %mul3A_260 : i32 to index
      %swap3A_264 = tpu.vector_load %arg9[%swap3A_262, %swap3A_263] {strides = array<i32>} : memref<16x1025xf32, #tpu.memory_space<vmem>>, vector<16xf32>,
      tpu.vector_store %arg9[%swap3A_262, %swap3A_263], %broadcast_in_dim3A_78 {strides = array<i32>} : memref<16x1025xf32, #tpu.memory_space<vmem>>, vector<16xf32>,
      %mul3A_265 = arith.constant 16 : i32
      %mul3A_266 = arith.muli %scan3A_179, %mul3A_265 : i32
      %swap3A_267 = arith.constant 14 : i32
      %swap3A_268 = arith.index_cast %swap3A_267 : i32 to index
      %swap3A_269 = arith.index_cast %mul3A_266 : i32 to index
      %swap3A_270 = tpu.vector_load %arg9[%swap3A_268, %swap3A_269] {strides = array<i32>} : memref<16x1025xf32, #tpu.memory_space<vmem>>, vector<16xf32>,
      tpu.vector_store %arg9[%swap3A_268, %swap3A_269], %broadcast_in_dim3A_78 {strides = array<i32>} : memref<16x1025xf32, #tpu.memory_space<vmem>>, vector<16xf32>,
      %mul3A_271 = arith.constant 16 : i32
      %mul3A_272 = arith.muli %scan3A_179, %mul3A_271 : i32
      %swap3A_273 = arith.constant 15 : i32
      %swap3A_274 = arith.index_cast %swap3A_273 : i32 to index
      %swap3A_275 = arith.index_cast %mul3A_272 : i32 to index
      %swap3A_276 = tpu.vector_load %arg9[%swap3A_274, %swap3A_275] {strides = array<i32>} : memref<16x1025xf32, #tpu.memory_space<vmem>>, vector<16xf32>,
      tpu.vector_store %arg9[%swap3A_274, %swap3A_275], %broadcast_in_dim3A_78 {strides = array<i32>} : memref<16x1025xf32, #tpu.memory_space<vmem>>, vector<16xf32>,
      %mul3A_277 = arith.constant 16 : i32
      %mul3A_278 = arith.muli %scan3A_179, %mul3A_277 : i32
      %swap3A_279 = arith.constant 0 : i32
      %swap3A_280 = arith.index_cast %swap3A_279 : i32 to index
      %swap3A_281 = arith.index_cast %mul3A_278 : i32 to index
      %swap3A_282 = tpu.vector_load %arg10[%swap3A_280, %swap3A_281] {strides = array<i32>} : memref<16x1025xf32, #tpu.memory_space<vmem>>, vector<16xf32>,
      tpu.vector_store %arg10[%swap3A_280, %swap3A_281], %broadcast_in_dim3A_78 {strides = array<i32>} : memref<16x1025xf32, #tpu.memory_space<vmem>>, vector<16xf32>,
      %scan3A_283 = arith.constant 0 : i32
      scf.yield %scan3A_283 : i32
    }
    %scan3A_84 = arith.constant 64 : i32
    %dma_wait3A = tpu.memref_slice %arg3[%mul3A_2] : memref<4096xi32, #tpu.memory_space<hbm>> -> memref<2048xi32, #tpu.memory_space<hbm>>
    %dma_wait3A_85 = tpu.memref_slice %arg3[%mul3A_2] : memref<4096xi32, #tpu.memory_space<hbm>> -> memref<2048xi32, #tpu.memory_space<hbm>>
    tpu.wait_dma2 semaphore(%arg12 : memref<!tpu.dma_semaphore, #tpu.memory_space<semaphore_mem>>) src(%dma_wait3A_85 : memref<2048xi32, #tpu.memory_space<hbm>>) dst(%arg7 : memref<2048xi32, #tpu.memory_space<vmem>>)
    %scan3A_86 = arith.constant 0 : i32
    %scan3A_87 = arith.constant 0 : i32
    %scan3A_88 = arith.constant 8 : i32
    %scan3A_89 = arith.addi %scan3A_87, %scan3A_88 : i32
    %scan3A_90 = arith.constant 1 : i32
    %scan3A_91 = scf.for %scan3A_179 = %scan3A_87 to %scan3A_89 step %scan3A_90 iter_args(%scan3A_180 = %scan3A_86) -> (i32)  : i32 {
      %mul3A_181 = arith.constant 128 : i32
      %mul3A_182 = arith.muli %arg1, %mul3A_181 : i32
      %mul3A_183 = arith.constant 16 : i32
      %mul3A_184 = arith.muli %scan3A_179, %mul3A_183 : i32
      %add3A_185 = arith.addi %mul3A_182, %mul3A_184 : i32
      %get3A = arith.index_cast %add3A_185 : i32 to index
      %get3A_186 = tpu.vector_load %arg7[%get3A] {strides = array<i32>} : memref<2048xi32, #tpu.memory_space<vmem>>, vector<16xi32>,
      %slice3A = vector.extract_strided_slice %get3A_186 {offsets = [0], sizes = [1], strides = [1]} : vector<16xi32> to vector<1xi32>
      %squeeze3A = vector.extract %slice3A[0] : i32 from vector<1xi32>
      %broadcast_in_dim3A_187 = vector.broadcast %squeeze3A : i32 to vector<16xi32>
      %slice3A_188 = vector.extract_strided_slice %get3A_186 {offsets = [1], sizes = [1], strides = [1]} : vector<16xi32> to vector<1xi32>
      %squeeze3A_189 = vector.extract %slice3A_188[0] : i32 from vector<1xi32>
      %broadcast_in_dim3A_190 = vector.broadcast %squeeze3A_189 : i32 to vector<16xi32>
      %slice3A_191 = vector.extract_strided_slice %get3A_186 {offsets = [2], sizes = [1], strides = [1]} : vector<16xi32> to vector<1xi32>
      %squeeze3A_192 = vector.extract %slice3A_191[0] : i32 from vector<1xi32>
      %broadcast_in_dim3A_193 = vector.broadcast %squeeze3A_192 : i32 to vector<16xi32>
      %slice3A_194 = vector.extract_strided_slice %get3A_186 {offsets = [3], sizes = [1], strides = [1]} : vector<16xi32> to vector<1xi32>
      %squeeze3A_195 = vector.extract %slice3A_194[0] : i32 from vector<1xi32>
      %broadcast_in_dim3A_196 = vector.broadcast %squeeze3A_195 : i32 to vector<16xi32>
      %slice3A_197 = vector.extract_strided_slice %get3A_186 {offsets = [4], sizes = [1], strides = [1]} : vector<16xi32> to vector<1xi32>
      %squeeze3A_198 = vector.extract %slice3A_197[0] : i32 from vector<1xi32>
      %broadcast_in_dim3A_199 = vector.broadcast %squeeze3A_198 : i32 to vector<16xi32>
      %slice3A_200 = vector.extract_strided_slice %get3A_186 {offsets = [5], sizes = [1], strides = [1]} : vector<16xi32> to vector<1xi32>
      %squeeze3A_201 = vector.extract %slice3A_200[0] : i32 from vector<1xi32>
      %broadcast_in_dim3A_202 = vector.broadcast %squeeze3A_201 : i32 to vector<16xi32>
      %slice3A_203 = vector.extract_strided_slice %get3A_186 {offsets = [6], sizes = [1], strides = [1]} : vector<16xi32> to vector<1xi32>
      %squeeze3A_204 = vector.extract %slice3A_203[0] : i32 from vector<1xi32>
      %broadcast_in_dim3A_205 = vector.broadcast %squeeze3A_204 : i32 to vector<16xi32>
      %slice3A_206 = vector.extract_strided_slice %get3A_186 {offsets = [7], sizes = [1], strides = [1]} : vector<16xi32> to vector<1xi32>
      %squeeze3A_207 = vector.extract %slice3A_206[0] : i32 from vector<1xi32>
      %broadcast_in_dim3A_208 = vector.broadcast %squeeze3A_207 : i32 to vector<16xi32>
      %slice3A_209 = vector.extract_strided_slice %get3A_186 {offsets = [8], sizes = [1], strides = [1]} : vector<16xi32> to vector<1xi32>
      %squeeze3A_210 = vector.extract %slice3A_209[0] : i32 from vector<1xi32>
      %broadcast_in_dim3A_211 = vector.broadcast %squeeze3A_210 : i32 to vector<16xi32>
      %slice3A_212 = vector.extract_strided_slice %get3A_186 {offsets = [9], sizes = [1], strides = [1]} : vector<16xi32> to vector<1xi32>
      %squeeze3A_213 = vector.extract %slice3A_212[0] : i32 from vector<1xi32>
      %broadcast_in_dim3A_214 = vector.broadcast %squeeze3A_213 : i32 to vector<16xi32>
      %slice3A_215 = vector.extract_strided_slice %get3A_186 {offsets = [10], sizes = [1], strides = [1]} : vector<16xi32> to vector<1xi32>
      %squeeze3A_216 = vector.extract %slice3A_215[0] : i32 from vector<1xi32>
      %broadcast_in_dim3A_217 = vector.broadcast %squeeze3A_216 : i32 to vector<16xi32>
      %slice3A_218 = vector.extract_strided_slice %get3A_186 {offsets = [11], sizes = [1], strides = [1]} : vector<16xi32> to vector<1xi32>
      %squeeze3A_219 = vector.extract %slice3A_218[0] : i32 from vector<1xi32>
      %broadcast_in_dim3A_220 = vector.broadcast %squeeze3A_219 : i32 to vector<16xi32>
      %slice3A_221 = vector.extract_strided_slice %get3A_186 {offsets = [12], sizes = [1], strides = [1]} : vector<16xi32> to vector<1xi32>
      %squeeze3A_222 = vector.extract %slice3A_221[0] : i32 from vector<1xi32>
      %broadcast_in_dim3A_223 = vector.broadcast %squeeze3A_222 : i32 to vector<16xi32>
      %slice3A_224 = vector.extract_strided_slice %get3A_186 {offsets = [13], sizes = [1], strides = [1]} : vector<16xi32> to vector<1xi32>
      %squeeze3A_225 = vector.extract %slice3A_224[0] : i32 from vector<1xi32>
      %broadcast_in_dim3A_226 = vector.broadcast %squeeze3A_225 : i32 to vector<16xi32>
      %slice3A_227 = vector.extract_strided_slice %get3A_186 {offsets = [14], sizes = [1], strides = [1]} : vector<16xi32> to vector<1xi32>
      %squeeze3A_228 = vector.extract %slice3A_227[0] : i32 from vector<1xi32>
      %broadcast_in_dim3A_229 = vector.broadcast %squeeze3A_228 : i32 to vector<16xi32>
      %slice3A_230 = vector.extract_strided_slice %get3A_186 {offsets = [15], sizes = [1], strides = [1]} : vector<16xi32> to vector<1xi32>
      %squeeze3A_231 = vector.extract %slice3A_230[0] : i32 from vector<1xi32>
      %broadcast_in_dim3A_232 = vector.broadcast %squeeze3A_231 : i32 to vector<16xi32>
      tpu.vector_store_idx %arg10[%iota3A, %broadcast_in_dim3A_187], %broadcast_in_dim3A_76 {add = true} : memref<16x1025xf32, #tpu.memory_space<vmem>>[vector<16xi32>, vector<16xi32>], vector<16xf32>,
      tpu.vector_store_idx %arg10[%iota3A, %broadcast_in_dim3A_190], %broadcast_in_dim3A_76 {add = true} : memref<16x1025xf32, #tpu.memory_space<vmem>>[vector<16xi32>, vector<16xi32>], vector<16xf32>,
      tpu.vector_store_idx %arg10[%iota3A, %broadcast_in_dim3A_193], %broadcast_in_dim3A_76 {add = true} : memref<16x1025xf32, #tpu.memory_space<vmem>>[vector<16xi32>, vector<16xi32>], vector<16xf32>,
      tpu.vector_store_idx %arg10[%iota3A, %broadcast_in_dim3A_196], %broadcast_in_dim3A_76 {add = true} : memref<16x1025xf32, #tpu.memory_space<vmem>>[vector<16xi32>, vector<16xi32>], vector<16xf32>,
      tpu.vector_store_idx %arg10[%iota3A, %broadcast_in_dim3A_199], %broadcast_in_dim3A_76 {add = true} : memref<16x1025xf32, #tpu.memory_space<vmem>>[vector<16xi32>, vector<16xi32>], vector<16xf32>,
      tpu.vector_store_idx %arg10[%iota3A, %broadcast_in_dim3A_202], %broadcast_in_dim3A_76 {add = true} : memref<16x1025xf32, #tpu.memory_space<vmem>>[vector<16xi32>, vector<16xi32>], vector<16xf32>,
      tpu.vector_store_idx %arg10[%iota3A, %broadcast_in_dim3A_205], %broadcast_in_dim3A_76 {add = true} : memref<16x1025xf32, #tpu.memory_space<vmem>>[vector<16xi32>, vector<16xi32>], vector<16xf32>,
      tpu.vector_store_idx %arg10[%iota3A, %broadcast_in_dim3A_208], %broadcast_in_dim3A_76 {add = true} : memref<16x1025xf32, #tpu.memory_space<vmem>>[vector<16xi32>, vector<16xi32>], vector<16xf32>,
      tpu.vector_store_idx %arg10[%iota3A, %broadcast_in_dim3A_211], %broadcast_in_dim3A_76 {add = true} : memref<16x1025xf32, #tpu.memory_space<vmem>>[vector<16xi32>, vector<16xi32>], vector<16xf32>,
      tpu.vector_store_idx %arg10[%iota3A, %broadcast_in_dim3A_214], %broadcast_in_dim3A_76 {add = true} : memref<16x1025xf32, #tpu.memory_space<vmem>>[vector<16xi32>, vector<16xi32>], vector<16xf32>,
      tpu.vector_store_idx %arg10[%iota3A, %broadcast_in_dim3A_217], %broadcast_in_dim3A_76 {add = true} : memref<16x1025xf32, #tpu.memory_space<vmem>>[vector<16xi32>, vector<16xi32>], vector<16xf32>,
      tpu.vector_store_idx %arg10[%iota3A, %broadcast_in_dim3A_220], %broadcast_in_dim3A_76 {add = true} : memref<16x1025xf32, #tpu.memory_space<vmem>>[vector<16xi32>, vector<16xi32>], vector<16xf32>,
      tpu.vector_store_idx %arg10[%iota3A, %broadcast_in_dim3A_223], %broadcast_in_dim3A_76 {add = true} : memref<16x1025xf32, #tpu.memory_space<vmem>>[vector<16xi32>, vector<16xi32>], vector<16xf32>,
      tpu.vector_store_idx %arg10[%iota3A, %broadcast_in_dim3A_226], %broadcast_in_dim3A_76 {add = true} : memref<16x1025xf32, #tpu.memory_space<vmem>>[vector<16xi32>, vector<16xi32>], vector<16xf32>,
      tpu.vector_store_idx %arg10[%iota3A, %broadcast_in_dim3A_229], %broadcast_in_dim3A_76 {add = true} : memref<16x1025xf32, #tpu.memory_space<vmem>>[vector<16xi32>, vector<16xi32>], vector<16xf32>,
      tpu.vector_store_idx %arg10[%iota3A, %broadcast_in_dim3A_232], %broadcast_in_dim3A_76 {add = true} : memref<16x1025xf32, #tpu.memory_space<vmem>>[vector<16xi32>, vector<16xi32>], vector<16xf32>,
      %scan3A_233 = arith.constant 0 : i32
      scf.yield %scan3A_233 : i32
    }
    %scan3A_92 = arith.constant 8 : i32
    %dma_wait3A_93 = arith.constant 0 : i32
    %dma_wait3A_94 = arith.constant 0 : i32
    %dma_wait3A_95 = arith.constant 0 : i32
    %dma_wait3A_96 = tpu.memref_slice %arg8[%dma_wait3A_93, %dma_wait3A_94, %dma_wait3A_95] : memref<4x16x513xf32, #tpu.memory_space<vmem>> -> memref<1x16x512xf32, #tpu.memory_space<vmem>>
    %dma_wait3A_97 = arith.constant 0 : i32
    %dma_wait3A_98 = tpu.memref_slice %arg2[%add3A_7, %mul3A_9, %dma_wait3A_97] : memref<8x256x512xf32, #tpu.memory_space<hbm>> -> memref<1x16x512xf32, #tpu.memory_space<hbm>>
    %dma_wait3A_99 = arith.constant 0 : i32
    %dma_wait3A_100 = arith.constant 0 : i32
    %dma_wait3A_101 = arith.constant 0 : i32
    %dma_wait3A_102 = tpu.memref_slice %arg8[%dma_wait3A_99, %dma_wait3A_100, %dma_wait3A_101] : memref<4x16x513xf32, #tpu.memory_space<vmem>> -> memref<1x16x512xf32, #tpu.memory_space<vmem>>
    %dma_wait3A_103 = arith.constant 0 : i32
    %dma_wait3A_104 = tpu.memref_slice %arg2[%add3A_7, %mul3A_9, %dma_wait3A_103] : memref<8x256x512xf32, #tpu.memory_space<hbm>> -> memref<1x16x512xf32, #tpu.memory_space<hbm>>
    tpu.wait_dma2 semaphore(%arg13 : memref<!tpu.dma_semaphore, #tpu.memory_space<semaphore_mem>>) src(%dma_wait3A_104 : memref<1x16x512xf32, #tpu.memory_space<hbm>>) dst(%dma_wait3A_102 : memref<1x16x512xf32, #tpu.memory_space<vmem>>)
    %broadcast_in_dim3A_105 = arith.constant 0 : i32
    %broadcast_in_dim3A_106 = vector.broadcast %broadcast_in_dim3A_105 : i32 to vector<16xi32>
    %scan3A_107 = arith.constant 0 : i32
    %scan3A_108 = arith.constant 32 : i32
    %scan3A_109 = arith.addi %scan3A_107, %scan3A_108 : i32
    %scan3A_110 = arith.constant 1 : i32
    %scan3A_111:4 = scf.for %scan3A_179 = %scan3A_107 to %scan3A_109 step %scan3A_110 iter_args(%scan3A_180 = %broadcast_in_dim3A_78, %scan3A_181 = %broadcast_in_dim3A_78, %scan3A_182 = %broadcast_in_dim3A_78, %scan3A_183 = %broadcast_in_dim3A_78) -> (vector<16xf32>, vector<16xf32>, vector<16xf32>, vector<16xf32>)  : i32 {
      %mul3A_184 = arith.constant 16 : i32
      %mul3A_185 = arith.muli %scan3A_179, %mul3A_184 : i32
      %add3A_186 = arith.constant 0 : i32
      %add3A_187 = arith.addi %add3A_186, %mul3A_185 : i32
      %get3A = arith.index_cast %add3A_187 : i32 to index
      %get3A_188 = tpu.vector_load %arg7[%get3A] {strides = array<i32>} : memref<2048xi32, #tpu.memory_space<vmem>>, vector<16xi32>,
      %mul3A_189 = arith.constant 16 : i32
      %mul3A_190 = arith.muli %scan3A_179, %mul3A_189 : i32
      %broadcast_in_dim3A_191 = vector.broadcast %mul3A_190 : i32 to vector<16xi32>
      %add3A_192 = arith.constant 0 : i32
      %add3A_193 = vector.broadcast %add3A_192 : i32 to vector<16xi32>
      %add3A_194 = arith.addi %broadcast_in_dim3A_191, %add3A_193 : vector<16xi32>
      %gather3A = tpu.vector_load_idx %arg8[%broadcast_in_dim3A_106, %iota3A, %add3A_194] : memref<4x16x513xf32, #tpu.memory_space<vmem>>[vector<16xi32>, vector<16xi32>, vector<16xi32>], vector<16xf32>,
      %add3A_195 = arith.constant 1 : i32
      %add3A_196 = vector.broadcast %add3A_195 : i32 to vector<16xi32>
      %add3A_197 = arith.addi %broadcast_in_dim3A_191, %add3A_196 : vector<16xi32>
      %gather3A_198 = tpu.vector_load_idx %arg8[%broadcast_in_dim3A_106, %iota3A, %add3A_197] : memref<4x16x513xf32, #tpu.memory_space<vmem>>[vector<16xi32>, vector<16xi32>, vector<16xi32>], vector<16xf32>,
      %add3A_199 = arith.constant 2 : i32
      %add3A_200 = vector.broadcast %add3A_199 : i32 to vector<16xi32>
      %add3A_201 = arith.addi %broadcast_in_dim3A_191, %add3A_200 : vector<16xi32>
      %gather3A_202 = tpu.vector_load_idx %arg8[%broadcast_in_dim3A_106, %iota3A, %add3A_201] : memref<4x16x513xf32, #tpu.memory_space<vmem>>[vector<16xi32>, vector<16xi32>, vector<16xi32>], vector<16xf32>,
      %add3A_203 = arith.constant 3 : i32
      %add3A_204 = vector.broadcast %add3A_203 : i32 to vector<16xi32>
      %add3A_205 = arith.addi %broadcast_in_dim3A_191, %add3A_204 : vector<16xi32>
      %gather3A_206 = tpu.vector_load_idx %arg8[%broadcast_in_dim3A_106, %iota3A, %add3A_205] : memref<4x16x513xf32, #tpu.memory_space<vmem>>[vector<16xi32>, vector<16xi32>, vector<16xi32>], vector<16xf32>,
      %add3A_207 = arith.constant 4 : i32
      %add3A_208 = vector.broadcast %add3A_207 : i32 to vector<16xi32>
      %add3A_209 = arith.addi %broadcast_in_dim3A_191, %add3A_208 : vector<16xi32>
      %gather3A_210 = tpu.vector_load_idx %arg8[%broadcast_in_dim3A_106, %iota3A, %add3A_209] : memref<4x16x513xf32, #tpu.memory_space<vmem>>[vector<16xi32>, vector<16xi32>, vector<16xi32>], vector<16xf32>,
      %add3A_211 = arith.constant 5 : i32
      %add3A_212 = vector.broadcast %add3A_211 : i32 to vector<16xi32>
      %add3A_213 = arith.addi %broadcast_in_dim3A_191, %add3A_212 : vector<16xi32>
      %gather3A_214 = tpu.vector_load_idx %arg8[%broadcast_in_dim3A_106, %iota3A, %add3A_213] : memref<4x16x513xf32, #tpu.memory_space<vmem>>[vector<16xi32>, vector<16xi32>, vector<16xi32>], vector<16xf32>,
      %add3A_215 = arith.constant 6 : i32
      %add3A_216 = vector.broadcast %add3A_215 : i32 to vector<16xi32>
      %add3A_217 = arith.addi %broadcast_in_dim3A_191, %add3A_216 : vector<16xi32>
      %gather3A_218 = tpu.vector_load_idx %arg8[%broadcast_in_dim3A_106, %iota3A, %add3A_217] : memref<4x16x513xf32, #tpu.memory_space<vmem>>[vector<16xi32>, vector<16xi32>, vector<16xi32>], vector<16xf32>,
      %add3A_219 = arith.constant 7 : i32
      %add3A_220 = vector.broadcast %add3A_219 : i32 to vector<16xi32>
      %add3A_221 = arith.addi %broadcast_in_dim3A_191, %add3A_220 : vector<16xi32>
      %gather3A_222 = tpu.vector_load_idx %arg8[%broadcast_in_dim3A_106, %iota3A, %add3A_221] : memref<4x16x513xf32, #tpu.memory_space<vmem>>[vector<16xi32>, vector<16xi32>, vector<16xi32>], vector<16xf32>,
      %add3A_223 = arith.constant 8 : i32
      %add3A_224 = vector.broadcast %add3A_223 : i32 to vector<16xi32>
      %add3A_225 = arith.addi %broadcast_in_dim3A_191, %add3A_224 : vector<16xi32>
      %gather3A_226 = tpu.vector_load_idx %arg8[%broadcast_in_dim3A_106, %iota3A, %add3A_225] : memref<4x16x513xf32, #tpu.memory_space<vmem>>[vector<16xi32>, vector<16xi32>, vector<16xi32>], vector<16xf32>,
      %add3A_227 = arith.constant 9 : i32
      %add3A_228 = vector.broadcast %add3A_227 : i32 to vector<16xi32>
      %add3A_229 = arith.addi %broadcast_in_dim3A_191, %add3A_228 : vector<16xi32>
      %gather3A_230 = tpu.vector_load_idx %arg8[%broadcast_in_dim3A_106, %iota3A, %add3A_229] : memref<4x16x513xf32, #tpu.memory_space<vmem>>[vector<16xi32>, vector<16xi32>, vector<16xi32>], vector<16xf32>,
      %add3A_231 = arith.constant 10 : i32
      %add3A_232 = vector.broadcast %add3A_231 : i32 to vector<16xi32>
      %add3A_233 = arith.addi %broadcast_in_dim3A_191, %add3A_232 : vector<16xi32>
      %gather3A_234 = tpu.vector_load_idx %arg8[%broadcast_in_dim3A_106, %iota3A, %add3A_233] : memref<4x16x513xf32, #tpu.memory_space<vmem>>[vector<16xi32>, vector<16xi32>, vector<16xi32>], vector<16xf32>,
      %add3A_235 = arith.constant 11 : i32
      %add3A_236 = vector.broadcast %add3A_235 : i32 to vector<16xi32>
      %add3A_237 = arith.addi %broadcast_in_dim3A_191, %add3A_236 : vector<16xi32>
      %gather3A_238 = tpu.vector_load_idx %arg8[%broadcast_in_dim3A_106, %iota3A, %add3A_237] : memref<4x16x513xf32, #tpu.memory_space<vmem>>[vector<16xi32>, vector<16xi32>, vector<16xi32>], vector<16xf32>,
      %add3A_239 = arith.constant 12 : i32
      %add3A_240 = vector.broadcast %add3A_239 : i32 to vector<16xi32>
      %add3A_241 = arith.addi %broadcast_in_dim3A_191, %add3A_240 : vector<16xi32>
      %gather3A_242 = tpu.vector_load_idx %arg8[%broadcast_in_dim3A_106, %iota3A, %add3A_241] : memref<4x16x513xf32, #tpu.memory_space<vmem>>[vector<16xi32>, vector<16xi32>, vector<16xi32>], vector<16xf32>,
      %add3A_243 = arith.constant 13 : i32
      %add3A_244 = vector.broadcast %add3A_243 : i32 to vector<16xi32>
      %add3A_245 = arith.addi %broadcast_in_dim3A_191, %add3A_244 : vector<16xi32>
      %gather3A_246 = tpu.vector_load_idx %arg8[%broadcast_in_dim3A_106, %iota3A, %add3A_245] : memref<4x16x513xf32, #tpu.memory_space<vmem>>[vector<16xi32>, vector<16xi32>, vector<16xi32>], vector<16xf32>,
      %add3A_247 = arith.constant 14 : i32
      %add3A_248 = vector.broadcast %add3A_247 : i32 to vector<16xi32>
      %add3A_249 = arith.addi %broadcast_in_dim3A_191, %add3A_248 : vector<16xi32>
      %gather3A_250 = tpu.vector_load_idx %arg8[%broadcast_in_dim3A_106, %iota3A, %add3A_249] : memref<4x16x513xf32, #tpu.memory_space<vmem>>[vector<16xi32>, vector<16xi32>, vector<16xi32>], vector<16xf32>,
      %add3A_251 = arith.constant 15 : i32
      %add3A_252 = vector.broadcast %add3A_251 : i32 to vector<16xi32>
      %add3A_253 = arith.addi %broadcast_in_dim3A_191, %add3A_252 : vector<16xi32>
      %gather3A_254 = tpu.vector_load_idx %arg8[%broadcast_in_dim3A_106, %iota3A, %add3A_253] : memref<4x16x513xf32, #tpu.memory_space<vmem>>[vector<16xi32>, vector<16xi32>, vector<16xi32>], vector<16xf32>,
      %slice3A = vector.extract_strided_slice %get3A_188 {offsets = [0], sizes = [1], strides = [1]} : vector<16xi32> to vector<1xi32>
      %squeeze3A = vector.extract %slice3A[0] : i32 from vector<1xi32>
      %broadcast_in_dim3A_255 = vector.broadcast %squeeze3A : i32 to vector<16xi32>
      %slice3A_256 = vector.extract_strided_slice %get3A_188 {offsets = [1], sizes = [1], strides = [1]} : vector<16xi32> to vector<1xi32>
      %squeeze3A_257 = vector.extract %slice3A_256[0] : i32 from vector<1xi32>
      %broadcast_in_dim3A_258 = vector.broadcast %squeeze3A_257 : i32 to vector<16xi32>
      %slice3A_259 = vector.extract_strided_slice %get3A_188 {offsets = [2], sizes = [1], strides = [1]} : vector<16xi32> to vector<1xi32>
      %squeeze3A_260 = vector.extract %slice3A_259[0] : i32 from vector<1xi32>
      %broadcast_in_dim3A_261 = vector.broadcast %squeeze3A_260 : i32 to vector<16xi32>
      %slice3A_262 = vector.extract_strided_slice %get3A_188 {offsets = [3], sizes = [1], strides = [1]} : vector<16xi32> to vector<1xi32>
      %squeeze3A_263 = vector.extract %slice3A_262[0] : i32 from vector<1xi32>
      %broadcast_in_dim3A_264 = vector.broadcast %squeeze3A_263 : i32 to vector<16xi32>
      %slice3A_265 = vector.extract_strided_slice %get3A_188 {offsets = [4], sizes = [1], strides = [1]} : vector<16xi32> to vector<1xi32>
      %squeeze3A_266 = vector.extract %slice3A_265[0] : i32 from vector<1xi32>
      %broadcast_in_dim3A_267 = vector.broadcast %squeeze3A_266 : i32 to vector<16xi32>
      %slice3A_268 = vector.extract_strided_slice %get3A_188 {offsets = [5], sizes = [1], strides = [1]} : vector<16xi32> to vector<1xi32>
      %squeeze3A_269 = vector.extract %slice3A_268[0] : i32 from vector<1xi32>
      %broadcast_in_dim3A_270 = vector.broadcast %squeeze3A_269 : i32 to vector<16xi32>
      %slice3A_271 = vector.extract_strided_slice %get3A_188 {offsets = [6], sizes = [1], strides = [1]} : vector<16xi32> to vector<1xi32>
      %squeeze3A_272 = vector.extract %slice3A_271[0] : i32 from vector<1xi32>
      %broadcast_in_dim3A_273 = vector.broadcast %squeeze3A_272 : i32 to vector<16xi32>
      %slice3A_274 = vector.extract_strided_slice %get3A_188 {offsets = [7], sizes = [1], strides = [1]} : vector<16xi32> to vector<1xi32>
      %squeeze3A_275 = vector.extract %slice3A_274[0] : i32 from vector<1xi32>
      %broadcast_in_dim3A_276 = vector.broadcast %squeeze3A_275 : i32 to vector<16xi32>
      %slice3A_277 = vector.extract_strided_slice %get3A_188 {offsets = [8], sizes = [1], strides = [1]} : vector<16xi32> to vector<1xi32>
      %squeeze3A_278 = vector.extract %slice3A_277[0] : i32 from vector<1xi32>
      %broadcast_in_dim3A_279 = vector.broadcast %squeeze3A_278 : i32 to vector<16xi32>
      %slice3A_280 = vector.extract_strided_slice %get3A_188 {offsets = [9], sizes = [1], strides = [1]} : vector<16xi32> to vector<1xi32>
      %squeeze3A_281 = vector.extract %slice3A_280[0] : i32 from vector<1xi32>
      %broadcast_in_dim3A_282 = vector.broadcast %squeeze3A_281 : i32 to vector<16xi32>
      %slice3A_283 = vector.extract_strided_slice %get3A_188 {offsets = [10], sizes = [1], strides = [1]} : vector<16xi32> to vector<1xi32>
      %squeeze3A_284 = vector.extract %slice3A_283[0] : i32 from vector<1xi32>
      %broadcast_in_dim3A_285 = vector.broadcast %squeeze3A_284 : i32 to vector<16xi32>
      %slice3A_286 = vector.extract_strided_slice %get3A_188 {offsets = [11], sizes = [1], strides = [1]} : vector<16xi32> to vector<1xi32>
      %squeeze3A_287 = vector.extract %slice3A_286[0] : i32 from vector<1xi32>
      %broadcast_in_dim3A_288 = vector.broadcast %squeeze3A_287 : i32 to vector<16xi32>
      %slice3A_289 = vector.extract_strided_slice %get3A_188 {offsets = [12], sizes = [1], strides = [1]} : vector<16xi32> to vector<1xi32>
      %squeeze3A_290 = vector.extract %slice3A_289[0] : i32 from vector<1xi32>
      %broadcast_in_dim3A_291 = vector.broadcast %squeeze3A_290 : i32 to vector<16xi32>
      %slice3A_292 = vector.extract_strided_slice %get3A_188 {offsets = [13], sizes = [1], strides = [1]} : vector<16xi32> to vector<1xi32>
      %squeeze3A_293 = vector.extract %slice3A_292[0] : i32 from vector<1xi32>
      %broadcast_in_dim3A_294 = vector.broadcast %squeeze3A_293 : i32 to vector<16xi32>
      %slice3A_295 = vector.extract_strided_slice %get3A_188 {offsets = [14], sizes = [1], strides = [1]} : vector<16xi32> to vector<1xi32>
      %squeeze3A_296 = vector.extract %slice3A_295[0] : i32 from vector<1xi32>
      %broadcast_in_dim3A_297 = vector.broadcast %squeeze3A_296 : i32 to vector<16xi32>
      %slice3A_298 = vector.extract_strided_slice %get3A_188 {offsets = [15], sizes = [1], strides = [1]} : vector<16xi32> to vector<1xi32>
      %squeeze3A_299 = vector.extract %slice3A_298[0] : i32 from vector<1xi32>
      %broadcast_in_dim3A_300 = vector.broadcast %squeeze3A_299 : i32 to vector<16xi32>
      tpu.vector_store_idx %arg9[%iota3A, %broadcast_in_dim3A_255], %gather3A {add = true} : memref<16x1025xf32, #tpu.memory_space<vmem>>[vector<16xi32>, vector<16xi32>], vector<16xf32>,
      tpu.vector_store_idx %arg9[%iota3A, %broadcast_in_dim3A_258], %gather3A_198 {add = true} : memref<16x1025xf32, #tpu.memory_space<vmem>>[vector<16xi32>, vector<16xi32>], vector<16xf32>,
      tpu.vector_store_idx %arg9[%iota3A, %broadcast_in_dim3A_261], %gather3A_202 {add = true} : memref<16x1025xf32, #tpu.memory_space<vmem>>[vector<16xi32>, vector<16xi32>], vector<16xf32>,
      tpu.vector_store_idx %arg9[%iota3A, %broadcast_in_dim3A_264], %gather3A_206 {add = true} : memref<16x1025xf32, #tpu.memory_space<vmem>>[vector<16xi32>, vector<16xi32>], vector<16xf32>,
      tpu.vector_store_idx %arg9[%iota3A, %broadcast_in_dim3A_267], %gather3A_210 {add = true} : memref<16x1025xf32, #tpu.memory_space<vmem>>[vector<16xi32>, vector<16xi32>], vector<16xf32>,
      tpu.vector_store_idx %arg9[%iota3A, %broadcast_in_dim3A_270], %gather3A_214 {add = true} : memref<16x1025xf32, #tpu.memory_space<vmem>>[vector<16xi32>, vector<16xi32>], vector<16xf32>,
      tpu.vector_store_idx %arg9[%iota3A, %broadcast_in_dim3A_273], %gather3A_218 {add = true} : memref<16x1025xf32, #tpu.memory_space<vmem>>[vector<16xi32>, vector<16xi32>], vector<16xf32>,
      tpu.vector_store_idx %arg9[%iota3A, %broadcast_in_dim3A_276], %gather3A_222 {add = true} : memref<16x1025xf32, #tpu.memory_space<vmem>>[vector<16xi32>, vector<16xi32>], vector<16xf32>,
      tpu.vector_store_idx %arg9[%iota3A, %broadcast_in_dim3A_279], %gather3A_226 {add = true} : memref<16x1025xf32, #tpu.memory_space<vmem>>[vector<16xi32>, vector<16xi32>], vector<16xf32>,
      tpu.vector_store_idx %arg9[%iota3A, %broadcast_in_dim3A_282], %gather3A_230 {add = true} : memref<16x1025xf32, #tpu.memory_space<vmem>>[vector<16xi32>, vector<16xi32>], vector<16xf32>,
      tpu.vector_store_idx %arg9[%iota3A, %broadcast_in_dim3A_285], %gather3A_234 {add = true} : memref<16x1025xf32, #tpu.memory_space<vmem>>[vector<16xi32>, vector<16xi32>], vector<16xf32>,
      tpu.vector_store_idx %arg9[%iota3A, %broadcast_in_dim3A_288], %gather3A_238 {add = true} : memref<16x1025xf32, #tpu.memory_space<vmem>>[vector<16xi32>, vector<16xi32>], vector<16xf32>,
      tpu.vector_store_idx %arg9[%iota3A, %broadcast_in_dim3A_291], %gather3A_242 {add = true} : memref<16x1025xf32, #tpu.memory_space<vmem>>[vector<16xi32>, vector<16xi32>], vector<16xf32>,
      tpu.vector_store_idx %arg9[%iota3A, %broadcast_in_dim3A_294], %gather3A_246 {add = true} : memref<16x1025xf32, #tpu.memory_space<vmem>>[vector<16xi32>, vector<16xi32>], vector<16xf32>,
      tpu.vector_store_idx %arg9[%iota3A, %broadcast_in_dim3A_297], %gather3A_250 {add = true} : memref<16x1025xf32, #tpu.memory_space<vmem>>[vector<16xi32>, vector<16xi32>], vector<16xf32>,
      tpu.vector_store_idx %arg9[%iota3A, %broadcast_in_dim3A_300], %gather3A_254 {add = true} : memref<16x1025xf32, #tpu.memory_space<vmem>>[vector<16xi32>, vector<16xi32>], vector<16xf32>,
      %mul3A_301 = arith.mulf %gather3A, %gather3A : vector<16xf32>
      %add3A_302 = arith.addf %scan3A_180, %mul3A_301 : vector<16xf32>
      %mul3A_303 = arith.mulf %gather3A_198, %gather3A_198 : vector<16xf32>
      %add3A_304 = arith.addf %scan3A_181, %mul3A_303 : vector<16xf32>
      %mul3A_305 = arith.mulf %gather3A_202, %gather3A_202 : vector<16xf32>
      %add3A_306 = arith.addf %scan3A_182, %mul3A_305 : vector<16xf32>
      %mul3A_307 = arith.mulf %gather3A_206, %gather3A_206 : vector<16xf32>
      %add3A_308 = arith.addf %scan3A_183, %mul3A_307 : vector<16xf32>
      %mul3A_309 = arith.mulf %gather3A_210, %gather3A_210 : vector<16xf32>
      %add3A_310 = arith.addf %add3A_302, %mul3A_309 : vector<16xf32>
      %mul3A_311 = arith.mulf %gather3A_214, %gather3A_214 : vector<16xf32>
      %add3A_312 = arith.addf %add3A_304, %mul3A_311 : vector<16xf32>
      %mul3A_313 = arith.mulf %gather3A_218, %gather3A_218 : vector<16xf32>
      %add3A_314 = arith.addf %add3A_306, %mul3A_313 : vector<16xf32>
      %mul3A_315 = arith.mulf %gather3A_222, %gather3A_222 : vector<16xf32>
      %add3A_316 = arith.addf %add3A_308, %mul3A_315 : vector<16xf32>
      %mul3A_317 = arith.mulf %gather3A_226, %gather3A_226 : vector<16xf32>
      %add3A_318 = arith.addf %add3A_310, %mul3A_317 : vector<16xf32>
      %mul3A_319 = arith.mulf %gather3A_230, %gather3A_230 : vector<16xf32>
      %add3A_320 = arith.addf %add3A_312, %mul3A_319 : vector<16xf32>
      %mul3A_321 = arith.mulf %gather3A_234, %gather3A_234 : vector<16xf32>
      %add3A_322 = arith.addf %add3A_314, %mul3A_321 : vector<16xf32>
      %mul3A_323 = arith.mulf %gather3A_238, %gather3A_238 : vector<16xf32>
      %add3A_324 = arith.addf %add3A_316, %mul3A_323 : vector<16xf32>
      %mul3A_325 = arith.mulf %gather3A_242, %gather3A_242 : vector<16xf32>
      %add3A_326 = arith.addf %add3A_318, %mul3A_325 : vector<16xf32>
      %mul3A_327 = arith.mulf %gather3A_246, %gather3A_246 : vector<16xf32>
      %add3A_328 = arith.addf %add3A_320, %mul3A_327 : vector<16xf32>
      %mul3A_329 = arith.mulf %gather3A_250, %gather3A_250 : vector<16xf32>
      %add3A_330 = arith.addf %add3A_322, %mul3A_329 : vector<16xf32>
      %mul3A_331 = arith.mulf %gather3A_254, %gather3A_254 : vector<16xf32>
      %add3A_332 = arith.addf %add3A_324, %mul3A_331 : vector<16xf32>
      scf.yield %add3A_326, %add3A_328, %add3A_330, %add3A_332 : vector<16xf32>, vector<16xf32>, vector<16xf32>, vector<16xf32>
    }
    %scan3A_112 = arith.constant 32 : i32
    %dma_wait3A_113 = arith.constant 1 : i32
    %dma_wait3A_114 = arith.constant 0 : i32
    %dma_wait3A_115 = arith.constant 0 : i32
    %dma_wait3A_116 = tpu.memref_slice %arg8[%dma_wait3A_113, %dma_wait3A_114, %dma_wait3A_115] : memref<4x16x513xf32, #tpu.memory_space<vmem>> -> memref<1x16x512xf32, #tpu.memory_space<vmem>>
    %dma_wait3A_117 = arith.constant 0 : i32
    %dma_wait3A_118 = tpu.memref_slice %arg2[%add3A_25, %mul3A_27, %dma_wait3A_117] : memref<8x256x512xf32, #tpu.memory_space<hbm>> -> memref<1x16x512xf32, #tpu.memory_space<hbm>>
    %dma_wait3A_119 = arith.constant 1 : i32
    %dma_wait3A_120 = arith.constant 0 : i32
    %dma_wait3A_121 = arith.constant 0 : i32
    %dma_wait3A_122 = tpu.memref_slice %arg8[%dma_wait3A_119, %dma_wait3A_120, %dma_wait3A_121] : memref<4x16x513xf32, #tpu.memory_space<vmem>> -> memref<1x16x512xf32, #tpu.memory_space<vmem>>
    %dma_wait3A_123 = arith.constant 0 : i32
    %dma_wait3A_124 = tpu.memref_slice %arg2[%add3A_25, %mul3A_27, %dma_wait3A_123] : memref<8x256x512xf32, #tpu.memory_space<hbm>> -> memref<1x16x512xf32, #tpu.memory_space<hbm>>
    tpu.wait_dma2 semaphore(%arg14 : memref<!tpu.dma_semaphore, #tpu.memory_space<semaphore_mem>>) src(%dma_wait3A_124 : memref<1x16x512xf32, #tpu.memory_space<hbm>>) dst(%dma_wait3A_122 : memref<1x16x512xf32, #tpu.memory_space<vmem>>)
    %broadcast_in_dim3A_125 = arith.constant 1 : i32
    %broadcast_in_dim3A_126 = vector.broadcast %broadcast_in_dim3A_125 : i32 to vector<16xi32>
    %scan3A_127 = arith.constant 0 : i32
    %scan3A_128 = arith.constant 32 : i32
    %scan3A_129 = arith.addi %scan3A_127, %scan3A_128 : i32
    %scan3A_130 = arith.constant 1 : i32
    %scan3A_131:4 = scf.for %scan3A_179 = %scan3A_127 to %scan3A_129 step %scan3A_130 iter_args(%scan3A_180 = %scan3A_111#0, %scan3A_181 = %scan3A_111#1, %scan3A_182 = %scan3A_111#2, %scan3A_183 = %scan3A_111#3) -> (vector<16xf32>, vector<16xf32>, vector<16xf32>, vector<16xf32>)  : i32 {
      %mul3A_184 = arith.constant 16 : i32
      %mul3A_185 = arith.muli %scan3A_179, %mul3A_184 : i32
      %add3A_186 = arith.constant 512 : i32
      %add3A_187 = arith.addi %add3A_186, %mul3A_185 : i32
      %get3A = arith.index_cast %add3A_187 : i32 to index
      %get3A_188 = tpu.vector_load %arg7[%get3A] {strides = array<i32>} : memref<2048xi32, #tpu.memory_space<vmem>>, vector<16xi32>,
      %mul3A_189 = arith.constant 16 : i32
      %mul3A_190 = arith.muli %scan3A_179, %mul3A_189 : i32
      %broadcast_in_dim3A_191 = vector.broadcast %mul3A_190 : i32 to vector<16xi32>
      %add3A_192 = arith.constant 0 : i32
      %add3A_193 = vector.broadcast %add3A_192 : i32 to vector<16xi32>
      %add3A_194 = arith.addi %broadcast_in_dim3A_191, %add3A_193 : vector<16xi32>
      %gather3A = tpu.vector_load_idx %arg8[%broadcast_in_dim3A_126, %iota3A, %add3A_194] : memref<4x16x513xf32, #tpu.memory_space<vmem>>[vector<16xi32>, vector<16xi32>, vector<16xi32>], vector<16xf32>,
      %add3A_195 = arith.constant 1 : i32
      %add3A_196 = vector.broadcast %add3A_195 : i32 to vector<16xi32>
      %add3A_197 = arith.addi %broadcast_in_dim3A_191, %add3A_196 : vector<16xi32>
      %gather3A_198 = tpu.vector_load_idx %arg8[%broadcast_in_dim3A_126, %iota3A, %add3A_197] : memref<4x16x513xf32, #tpu.memory_space<vmem>>[vector<16xi32>, vector<16xi32>, vector<16xi32>], vector<16xf32>,
      %add3A_199 = arith.constant 2 : i32
      %add3A_200 = vector.broadcast %add3A_199 : i32 to vector<16xi32>
      %add3A_201 = arith.addi %broadcast_in_dim3A_191, %add3A_200 : vector<16xi32>
      %gather3A_202 = tpu.vector_load_idx %arg8[%broadcast_in_dim3A_126, %iota3A, %add3A_201] : memref<4x16x513xf32, #tpu.memory_space<vmem>>[vector<16xi32>, vector<16xi32>, vector<16xi32>], vector<16xf32>,
      %add3A_203 = arith.constant 3 : i32
      %add3A_204 = vector.broadcast %add3A_203 : i32 to vector<16xi32>
      %add3A_205 = arith.addi %broadcast_in_dim3A_191, %add3A_204 : vector<16xi32>
      %gather3A_206 = tpu.vector_load_idx %arg8[%broadcast_in_dim3A_126, %iota3A, %add3A_205] : memref<4x16x513xf32, #tpu.memory_space<vmem>>[vector<16xi32>, vector<16xi32>, vector<16xi32>], vector<16xf32>,
      %add3A_207 = arith.constant 4 : i32
      %add3A_208 = vector.broadcast %add3A_207 : i32 to vector<16xi32>
      %add3A_209 = arith.addi %broadcast_in_dim3A_191, %add3A_208 : vector<16xi32>
      %gather3A_210 = tpu.vector_load_idx %arg8[%broadcast_in_dim3A_126, %iota3A, %add3A_209] : memref<4x16x513xf32, #tpu.memory_space<vmem>>[vector<16xi32>, vector<16xi32>, vector<16xi32>], vector<16xf32>,
      %add3A_211 = arith.constant 5 : i32
      %add3A_212 = vector.broadcast %add3A_211 : i32 to vector<16xi32>
      %add3A_213 = arith.addi %broadcast_in_dim3A_191, %add3A_212 : vector<16xi32>
      %gather3A_214 = tpu.vector_load_idx %arg8[%broadcast_in_dim3A_126, %iota3A, %add3A_213] : memref<4x16x513xf32, #tpu.memory_space<vmem>>[vector<16xi32>, vector<16xi32>, vector<16xi32>], vector<16xf32>,
      %add3A_215 = arith.constant 6 : i32
      %add3A_216 = vector.broadcast %add3A_215 : i32 to vector<16xi32>
      %add3A_217 = arith.addi %broadcast_in_dim3A_191, %add3A_216 : vector<16xi32>
      %gather3A_218 = tpu.vector_load_idx %arg8[%broadcast_in_dim3A_126, %iota3A, %add3A_217] : memref<4x16x513xf32, #tpu.memory_space<vmem>>[vector<16xi32>, vector<16xi32>, vector<16xi32>], vector<16xf32>,
      %add3A_219 = arith.constant 7 : i32
      %add3A_220 = vector.broadcast %add3A_219 : i32 to vector<16xi32>
      %add3A_221 = arith.addi %broadcast_in_dim3A_191, %add3A_220 : vector<16xi32>
      %gather3A_222 = tpu.vector_load_idx %arg8[%broadcast_in_dim3A_126, %iota3A, %add3A_221] : memref<4x16x513xf32, #tpu.memory_space<vmem>>[vector<16xi32>, vector<16xi32>, vector<16xi32>], vector<16xf32>,
      %add3A_223 = arith.constant 8 : i32
      %add3A_224 = vector.broadcast %add3A_223 : i32 to vector<16xi32>
      %add3A_225 = arith.addi %broadcast_in_dim3A_191, %add3A_224 : vector<16xi32>
      %gather3A_226 = tpu.vector_load_idx %arg8[%broadcast_in_dim3A_126, %iota3A, %add3A_225] : memref<4x16x513xf32, #tpu.memory_space<vmem>>[vector<16xi32>, vector<16xi32>, vector<16xi32>], vector<16xf32>,
      %add3A_227 = arith.constant 9 : i32
      %add3A_228 = vector.broadcast %add3A_227 : i32 to vector<16xi32>
      %add3A_229 = arith.addi %broadcast_in_dim3A_191, %add3A_228 : vector<16xi32>
      %gather3A_230 = tpu.vector_load_idx %arg8[%broadcast_in_dim3A_126, %iota3A, %add3A_229] : memref<4x16x513xf32, #tpu.memory_space<vmem>>[vector<16xi32>, vector<16xi32>, vector<16xi32>], vector<16xf32>,
      %add3A_231 = arith.constant 10 : i32
      %add3A_232 = vector.broadcast %add3A_231 : i32 to vector<16xi32>
      %add3A_233 = arith.addi %broadcast_in_dim3A_191, %add3A_232 : vector<16xi32>
      %gather3A_234 = tpu.vector_load_idx %arg8[%broadcast_in_dim3A_126, %iota3A, %add3A_233] : memref<4x16x513xf32, #tpu.memory_space<vmem>>[vector<16xi32>, vector<16xi32>, vector<16xi32>], vector<16xf32>,
      %add3A_235 = arith.constant 11 : i32
      %add3A_236 = vector.broadcast %add3A_235 : i32 to vector<16xi32>
      %add3A_237 = arith.addi %broadcast_in_dim3A_191, %add3A_236 : vector<16xi32>
      %gather3A_238 = tpu.vector_load_idx %arg8[%broadcast_in_dim3A_126, %iota3A, %add3A_237] : memref<4x16x513xf32, #tpu.memory_space<vmem>>[vector<16xi32>, vector<16xi32>, vector<16xi32>], vector<16xf32>,
      %add3A_239 = arith.constant 12 : i32
      %add3A_240 = vector.broadcast %add3A_239 : i32 to vector<16xi32>
      %add3A_241 = arith.addi %broadcast_in_dim3A_191, %add3A_240 : vector<16xi32>
      %gather3A_242 = tpu.vector_load_idx %arg8[%broadcast_in_dim3A_126, %iota3A, %add3A_241] : memref<4x16x513xf32, #tpu.memory_space<vmem>>[vector<16xi32>, vector<16xi32>, vector<16xi32>], vector<16xf32>,
      %add3A_243 = arith.constant 13 : i32
      %add3A_244 = vector.broadcast %add3A_243 : i32 to vector<16xi32>
      %add3A_245 = arith.addi %broadcast_in_dim3A_191, %add3A_244 : vector<16xi32>
      %gather3A_246 = tpu.vector_load_idx %arg8[%broadcast_in_dim3A_126, %iota3A, %add3A_245] : memref<4x16x513xf32, #tpu.memory_space<vmem>>[vector<16xi32>, vector<16xi32>, vector<16xi32>], vector<16xf32>,
      %add3A_247 = arith.constant 14 : i32
      %add3A_248 = vector.broadcast %add3A_247 : i32 to vector<16xi32>
      %add3A_249 = arith.addi %broadcast_in_dim3A_191, %add3A_248 : vector<16xi32>
      %gather3A_250 = tpu.vector_load_idx %arg8[%broadcast_in_dim3A_126, %iota3A, %add3A_249] : memref<4x16x513xf32, #tpu.memory_space<vmem>>[vector<16xi32>, vector<16xi32>, vector<16xi32>], vector<16xf32>,
      %add3A_251 = arith.constant 15 : i32
      %add3A_252 = vector.broadcast %add3A_251 : i32 to vector<16xi32>
      %add3A_253 = arith.addi %broadcast_in_dim3A_191, %add3A_252 : vector<16xi32>
      %gather3A_254 = tpu.vector_load_idx %arg8[%broadcast_in_dim3A_126, %iota3A, %add3A_253] : memref<4x16x513xf32, #tpu.memory_space<vmem>>[vector<16xi32>, vector<16xi32>, vector<16xi32>], vector<16xf32>,
      %slice3A = vector.extract_strided_slice %get3A_188 {offsets = [0], sizes = [1], strides = [1]} : vector<16xi32> to vector<1xi32>
      %squeeze3A = vector.extract %slice3A[0] : i32 from vector<1xi32>
      %broadcast_in_dim3A_255 = vector.broadcast %squeeze3A : i32 to vector<16xi32>
      %slice3A_256 = vector.extract_strided_slice %get3A_188 {offsets = [1], sizes = [1], strides = [1]} : vector<16xi32> to vector<1xi32>
      %squeeze3A_257 = vector.extract %slice3A_256[0] : i32 from vector<1xi32>
      %broadcast_in_dim3A_258 = vector.broadcast %squeeze3A_257 : i32 to vector<16xi32>
      %slice3A_259 = vector.extract_strided_slice %get3A_188 {offsets = [2], sizes = [1], strides = [1]} : vector<16xi32> to vector<1xi32>
      %squeeze3A_260 = vector.extract %slice3A_259[0] : i32 from vector<1xi32>
      %broadcast_in_dim3A_261 = vector.broadcast %squeeze3A_260 : i32 to vector<16xi32>
      %slice3A_262 = vector.extract_strided_slice %get3A_188 {offsets = [3], sizes = [1], strides = [1]} : vector<16xi32> to vector<1xi32>
      %squeeze3A_263 = vector.extract %slice3A_262[0] : i32 from vector<1xi32>
      %broadcast_in_dim3A_264 = vector.broadcast %squeeze3A_263 : i32 to vector<16xi32>
      %slice3A_265 = vector.extract_strided_slice %get3A_188 {offsets = [4], sizes = [1], strides = [1]} : vector<16xi32> to vector<1xi32>
      %squeeze3A_266 = vector.extract %slice3A_265[0] : i32 from vector<1xi32>
      %broadcast_in_dim3A_267 = vector.broadcast %squeeze3A_266 : i32 to vector<16xi32>
      %slice3A_268 = vector.extract_strided_slice %get3A_188 {offsets = [5], sizes = [1], strides = [1]} : vector<16xi32> to vector<1xi32>
      %squeeze3A_269 = vector.extract %slice3A_268[0] : i32 from vector<1xi32>
      %broadcast_in_dim3A_270 = vector.broadcast %squeeze3A_269 : i32 to vector<16xi32>
      %slice3A_271 = vector.extract_strided_slice %get3A_188 {offsets = [6], sizes = [1], strides = [1]} : vector<16xi32> to vector<1xi32>
      %squeeze3A_272 = vector.extract %slice3A_271[0] : i32 from vector<1xi32>
      %broadcast_in_dim3A_273 = vector.broadcast %squeeze3A_272 : i32 to vector<16xi32>
      %slice3A_274 = vector.extract_strided_slice %get3A_188 {offsets = [7], sizes = [1], strides = [1]} : vector<16xi32> to vector<1xi32>
      %squeeze3A_275 = vector.extract %slice3A_274[0] : i32 from vector<1xi32>
      %broadcast_in_dim3A_276 = vector.broadcast %squeeze3A_275 : i32 to vector<16xi32>
      %slice3A_277 = vector.extract_strided_slice %get3A_188 {offsets = [8], sizes = [1], strides = [1]} : vector<16xi32> to vector<1xi32>
      %squeeze3A_278 = vector.extract %slice3A_277[0] : i32 from vector<1xi32>
      %broadcast_in_dim3A_279 = vector.broadcast %squeeze3A_278 : i32 to vector<16xi32>
      %slice3A_280 = vector.extract_strided_slice %get3A_188 {offsets = [9], sizes = [1], strides = [1]} : vector<16xi32> to vector<1xi32>
      %squeeze3A_281 = vector.extract %slice3A_280[0] : i32 from vector<1xi32>
      %broadcast_in_dim3A_282 = vector.broadcast %squeeze3A_281 : i32 to vector<16xi32>
      %slice3A_283 = vector.extract_strided_slice %get3A_188 {offsets = [10], sizes = [1], strides = [1]} : vector<16xi32> to vector<1xi32>
      %squeeze3A_284 = vector.extract %slice3A_283[0] : i32 from vector<1xi32>
      %broadcast_in_dim3A_285 = vector.broadcast %squeeze3A_284 : i32 to vector<16xi32>
      %slice3A_286 = vector.extract_strided_slice %get3A_188 {offsets = [11], sizes = [1], strides = [1]} : vector<16xi32> to vector<1xi32>
      %squeeze3A_287 = vector.extract %slice3A_286[0] : i32 from vector<1xi32>
      %broadcast_in_dim3A_288 = vector.broadcast %squeeze3A_287 : i32 to vector<16xi32>
      %slice3A_289 = vector.extract_strided_slice %get3A_188 {offsets = [12], sizes = [1], strides = [1]} : vector<16xi32> to vector<1xi32>
      %squeeze3A_290 = vector.extract %slice3A_289[0] : i32 from vector<1xi32>
      %broadcast_in_dim3A_291 = vector.broadcast %squeeze3A_290 : i32 to vector<16xi32>
      %slice3A_292 = vector.extract_strided_slice %get3A_188 {offsets = [13], sizes = [1], strides = [1]} : vector<16xi32> to vector<1xi32>
      %squeeze3A_293 = vector.extract %slice3A_292[0] : i32 from vector<1xi32>
      %broadcast_in_dim3A_294 = vector.broadcast %squeeze3A_293 : i32 to vector<16xi32>
      %slice3A_295 = vector.extract_strided_slice %get3A_188 {offsets = [14], sizes = [1], strides = [1]} : vector<16xi32> to vector<1xi32>
      %squeeze3A_296 = vector.extract %slice3A_295[0] : i32 from vector<1xi32>
      %broadcast_in_dim3A_297 = vector.broadcast %squeeze3A_296 : i32 to vector<16xi32>
      %slice3A_298 = vector.extract_strided_slice %get3A_188 {offsets = [15], sizes = [1], strides = [1]} : vector<16xi32> to vector<1xi32>
      %squeeze3A_299 = vector.extract %slice3A_298[0] : i32 from vector<1xi32>
      %broadcast_in_dim3A_300 = vector.broadcast %squeeze3A_299 : i32 to vector<16xi32>
      tpu.vector_store_idx %arg9[%iota3A, %broadcast_in_dim3A_255], %gather3A {add = true} : memref<16x1025xf32, #tpu.memory_space<vmem>>[vector<16xi32>, vector<16xi32>], vector<16xf32>,
      tpu.vector_store_idx %arg9[%iota3A, %broadcast_in_dim3A_258], %gather3A_198 {add = true} : memref<16x1025xf32, #tpu.memory_space<vmem>>[vector<16xi32>, vector<16xi32>], vector<16xf32>,
      tpu.vector_store_idx %arg9[%iota3A, %broadcast_in_dim3A_261], %gather3A_202 {add = true} : memref<16x1025xf32, #tpu.memory_space<vmem>>[vector<16xi32>, vector<16xi32>], vector<16xf32>,
      tpu.vector_store_idx %arg9[%iota3A, %broadcast_in_dim3A_264], %gather3A_206 {add = true} : memref<16x1025xf32, #tpu.memory_space<vmem>>[vector<16xi32>, vector<16xi32>], vector<16xf32>,
      tpu.vector_store_idx %arg9[%iota3A, %broadcast_in_dim3A_267], %gather3A_210 {add = true} : memref<16x1025xf32, #tpu.memory_space<vmem>>[vector<16xi32>, vector<16xi32>], vector<16xf32>,
      tpu.vector_store_idx %arg9[%iota3A, %broadcast_in_dim3A_270], %gather3A_214 {add = true} : memref<16x1025xf32, #tpu.memory_space<vmem>>[vector<16xi32>, vector<16xi32>], vector<16xf32>,
      tpu.vector_store_idx %arg9[%iota3A, %broadcast_in_dim3A_273], %gather3A_218 {add = true} : memref<16x1025xf32, #tpu.memory_space<vmem>>[vector<16xi32>, vector<16xi32>], vector<16xf32>,
      tpu.vector_store_idx %arg9[%iota3A, %broadcast_in_dim3A_276], %gather3A_222 {add = true} : memref<16x1025xf32, #tpu.memory_space<vmem>>[vector<16xi32>, vector<16xi32>], vector<16xf32>,
      tpu.vector_store_idx %arg9[%iota3A, %broadcast_in_dim3A_279], %gather3A_226 {add = true} : memref<16x1025xf32, #tpu.memory_space<vmem>>[vector<16xi32>, vector<16xi32>], vector<16xf32>,
      tpu.vector_store_idx %arg9[%iota3A, %broadcast_in_dim3A_282], %gather3A_230 {add = true} : memref<16x1025xf32, #tpu.memory_space<vmem>>[vector<16xi32>, vector<16xi32>], vector<16xf32>,
      tpu.vector_store_idx %arg9[%iota3A, %broadcast_in_dim3A_285], %gather3A_234 {add = true} : memref<16x1025xf32, #tpu.memory_space<vmem>>[vector<16xi32>, vector<16xi32>], vector<16xf32>,
      tpu.vector_store_idx %arg9[%iota3A, %broadcast_in_dim3A_288], %gather3A_238 {add = true} : memref<16x1025xf32, #tpu.memory_space<vmem>>[vector<16xi32>, vector<16xi32>], vector<16xf32>,
      tpu.vector_store_idx %arg9[%iota3A, %broadcast_in_dim3A_291], %gather3A_242 {add = true} : memref<16x1025xf32, #tpu.memory_space<vmem>>[vector<16xi32>, vector<16xi32>], vector<16xf32>,
      tpu.vector_store_idx %arg9[%iota3A, %broadcast_in_dim3A_294], %gather3A_246 {add = true} : memref<16x1025xf32, #tpu.memory_space<vmem>>[vector<16xi32>, vector<16xi32>], vector<16xf32>,
      tpu.vector_store_idx %arg9[%iota3A, %broadcast_in_dim3A_297], %gather3A_250 {add = true} : memref<16x1025xf32, #tpu.memory_space<vmem>>[vector<16xi32>, vector<16xi32>], vector<16xf32>,
      tpu.vector_store_idx %arg9[%iota3A, %broadcast_in_dim3A_300], %gather3A_254 {add = true} : memref<16x1025xf32, #tpu.memory_space<vmem>>[vector<16xi32>, vector<16xi32>], vector<16xf32>,
      %mul3A_301 = arith.mulf %gather3A, %gather3A : vector<16xf32>
      %add3A_302 = arith.addf %scan3A_180, %mul3A_301 : vector<16xf32>
      %mul3A_303 = arith.mulf %gather3A_198, %gather3A_198 : vector<16xf32>
      %add3A_304 = arith.addf %scan3A_181, %mul3A_303 : vector<16xf32>
      %mul3A_305 = arith.mulf %gather3A_202, %gather3A_202 : vector<16xf32>
      %add3A_306 = arith.addf %scan3A_182, %mul3A_305 : vector<16xf32>
      %mul3A_307 = arith.mulf %gather3A_206, %gather3A_206 : vector<16xf32>
      %add3A_308 = arith.addf %scan3A_183, %mul3A_307 : vector<16xf32>
      %mul3A_309 = arith.mulf %gather3A_210, %gather3A_210 : vector<16xf32>
      %add3A_310 = arith.addf %add3A_302, %mul3A_309 : vector<16xf32>
      %mul3A_311 = arith.mulf %gather3A_214, %gather3A_214 : vector<16xf32>
      %add3A_312 = arith.addf %add3A_304, %mul3A_311 : vector<16xf32>
      %mul3A_313 = arith.mulf %gather3A_218, %gather3A_218 : vector<16xf32>
      %add3A_314 = arith.addf %add3A_306, %mul3A_313 : vector<16xf32>
      %mul3A_315 = arith.mulf %gather3A_222, %gather3A_222 : vector<16xf32>
      %add3A_316 = arith.addf %add3A_308, %mul3A_315 : vector<16xf32>
      %mul3A_317 = arith.mulf %gather3A_226, %gather3A_226 : vector<16xf32>
      %add3A_318 = arith.addf %add3A_310, %mul3A_317 : vector<16xf32>
      %mul3A_319 = arith.mulf %gather3A_230, %gather3A_230 : vector<16xf32>
      %add3A_320 = arith.addf %add3A_312, %mul3A_319 : vector<16xf32>
      %mul3A_321 = arith.mulf %gather3A_234, %gather3A_234 : vector<16xf32>
      %add3A_322 = arith.addf %add3A_314, %mul3A_321 : vector<16xf32>
      %mul3A_323 = arith.mulf %gather3A_238, %gather3A_238 : vector<16xf32>
      %add3A_324 = arith.addf %add3A_316, %mul3A_323 : vector<16xf32>
      %mul3A_325 = arith.mulf %gather3A_242, %gather3A_242 : vector<16xf32>
      %add3A_326 = arith.addf %add3A_318, %mul3A_325 : vector<16xf32>
      %mul3A_327 = arith.mulf %gather3A_246, %gather3A_246 : vector<16xf32>
      %add3A_328 = arith.addf %add3A_320, %mul3A_327 : vector<16xf32>
      %mul3A_329 = arith.mulf %gather3A_250, %gather3A_250 : vector<16xf32>
      %add3A_330 = arith.addf %add3A_322, %mul3A_329 : vector<16xf32>
      %mul3A_331 = arith.mulf %gather3A_254, %gather3A_254 : vector<16xf32>
      %add3A_332 = arith.addf %add3A_324, %mul3A_331 : vector<16xf32>
      scf.yield %add3A_326, %add3A_328, %add3A_330, %add3A_332 : vector<16xf32>, vector<16xf32>, vector<16xf32>, vector<16xf32>
    }
    %scan3A_132 = arith.constant 32 : i32
    %dma_wait3A_133 = arith.constant 2 : i32
    %dma_wait3A_134 = arith.constant 0 : i32
    %dma_wait3A_135 = arith.constant 0 : i32
    %dma_wait3A_136 = tpu.memref_slice %arg8[%dma_wait3A_133, %dma_wait3A_134, %dma_wait3A_135] : memref<4x16x513xf32, #tpu.memory_space<vmem>> -> memref<1x16x512xf32, #tpu.memory_space<vmem>>
    %dma_wait3A_137 = arith.constant 0 : i32
    %dma_wait3A_138 = tpu.memref_slice %arg2[%add3A_43, %mul3A_45, %dma_wait3A_137] : memref<8x256x512xf32, #tpu.memory_space<hbm>> -> memref<1x16x512xf32, #tpu.memory_space<hbm>>
    %dma_wait3A_139 = arith.constant 2 : i32
    %dma_wait3A_140 = arith.constant 0 : i32
    %dma_wait3A_141 = arith.constant 0 : i32
    %dma_wait3A_142 = tpu.memref_slice %arg8[%dma_wait3A_139, %dma_wait3A_140, %dma_wait3A_141] : memref<4x16x513xf32, #tpu.memory_space<vmem>> -> memref<1x16x512xf32, #tpu.memory_space<vmem>>
    %dma_wait3A_143 = arith.constant 0 : i32
    %dma_wait3A_144 = tpu.memref_slice %arg2[%add3A_43, %mul3A_45, %dma_wait3A_143] : memref<8x256x512xf32, #tpu.memory_space<hbm>> -> memref<1x16x512xf32, #tpu.memory_space<hbm>>
    tpu.wait_dma2 semaphore(%arg15 : memref<!tpu.dma_semaphore, #tpu.memory_space<semaphore_mem>>) src(%dma_wait3A_144 : memref<1x16x512xf32, #tpu.memory_space<hbm>>) dst(%dma_wait3A_142 : memref<1x16x512xf32, #tpu.memory_space<vmem>>)
    %broadcast_in_dim3A_145 = arith.constant 2 : i32
    %broadcast_in_dim3A_146 = vector.broadcast %broadcast_in_dim3A_145 : i32 to vector<16xi32>
    %scan3A_147 = arith.constant 0 : i32
    %scan3A_148 = arith.constant 32 : i32
    %scan3A_149 = arith.addi %scan3A_147, %scan3A_148 : i32
    %scan3A_150 = arith.constant 1 : i32
    %scan3A_151:4 = scf.for %scan3A_179 = %scan3A_147 to %scan3A_149 step %scan3A_150 iter_args(%scan3A_180 = %scan3A_131#0, %scan3A_181 = %scan3A_131#1, %scan3A_182 = %scan3A_131#2, %scan3A_183 = %scan3A_131#3) -> (vector<16xf32>, vector<16xf32>, vector<16xf32>, vector<16xf32>)  : i32 {
      %mul3A_184 = arith.constant 16 : i32
      %mul3A_185 = arith.muli %scan3A_179, %mul3A_184 : i32
      %add3A_186 = arith.constant 1024 : i32
      %add3A_187 = arith.addi %add3A_186, %mul3A_185 : i32
      %get3A = arith.index_cast %add3A_187 : i32 to index
      %get3A_188 = tpu.vector_load %arg7[%get3A] {strides = array<i32>} : memref<2048xi32, #tpu.memory_space<vmem>>, vector<16xi32>,
      %mul3A_189 = arith.constant 16 : i32
      %mul3A_190 = arith.muli %scan3A_179, %mul3A_189 : i32
      %broadcast_in_dim3A_191 = vector.broadcast %mul3A_190 : i32 to vector<16xi32>
      %add3A_192 = arith.constant 0 : i32
      %add3A_193 = vector.broadcast %add3A_192 : i32 to vector<16xi32>
      %add3A_194 = arith.addi %broadcast_in_dim3A_191, %add3A_193 : vector<16xi32>
      %gather3A = tpu.vector_load_idx %arg8[%broadcast_in_dim3A_146, %iota3A, %add3A_194] : memref<4x16x513xf32, #tpu.memory_space<vmem>>[vector<16xi32>, vector<16xi32>, vector<16xi32>], vector<16xf32>,
      %add3A_195 = arith.constant 1 : i32
      %add3A_196 = vector.broadcast %add3A_195 : i32 to vector<16xi32>
      %add3A_197 = arith.addi %broadcast_in_dim3A_191, %add3A_196 : vector<16xi32>
      %gather3A_198 = tpu.vector_load_idx %arg8[%broadcast_in_dim3A_146, %iota3A, %add3A_197] : memref<4x16x513xf32, #tpu.memory_space<vmem>>[vector<16xi32>, vector<16xi32>, vector<16xi32>], vector<16xf32>,
      %add3A_199 = arith.constant 2 : i32
      %add3A_200 = vector.broadcast %add3A_199 : i32 to vector<16xi32>
      %add3A_201 = arith.addi %broadcast_in_dim3A_191, %add3A_200 : vector<16xi32>
      %gather3A_202 = tpu.vector_load_idx %arg8[%broadcast_in_dim3A_146, %iota3A, %add3A_201] : memref<4x16x513xf32, #tpu.memory_space<vmem>>[vector<16xi32>, vector<16xi32>, vector<16xi32>], vector<16xf32>,
      %add3A_203 = arith.constant 3 : i32
      %add3A_204 = vector.broadcast %add3A_203 : i32 to vector<16xi32>
      %add3A_205 = arith.addi %broadcast_in_dim3A_191, %add3A_204 : vector<16xi32>
      %gather3A_206 = tpu.vector_load_idx %arg8[%broadcast_in_dim3A_146, %iota3A, %add3A_205] : memref<4x16x513xf32, #tpu.memory_space<vmem>>[vector<16xi32>, vector<16xi32>, vector<16xi32>], vector<16xf32>,
      %add3A_207 = arith.constant 4 : i32
      %add3A_208 = vector.broadcast %add3A_207 : i32 to vector<16xi32>
      %add3A_209 = arith.addi %broadcast_in_dim3A_191, %add3A_208 : vector<16xi32>
      %gather3A_210 = tpu.vector_load_idx %arg8[%broadcast_in_dim3A_146, %iota3A, %add3A_209] : memref<4x16x513xf32, #tpu.memory_space<vmem>>[vector<16xi32>, vector<16xi32>, vector<16xi32>], vector<16xf32>,
      %add3A_211 = arith.constant 5 : i32
      %add3A_212 = vector.broadcast %add3A_211 : i32 to vector<16xi32>
      %add3A_213 = arith.addi %broadcast_in_dim3A_191, %add3A_212 : vector<16xi32>
      %gather3A_214 = tpu.vector_load_idx %arg8[%broadcast_in_dim3A_146, %iota3A, %add3A_213] : memref<4x16x513xf32, #tpu.memory_space<vmem>>[vector<16xi32>, vector<16xi32>, vector<16xi32>], vector<16xf32>,
      %add3A_215 = arith.constant 6 : i32
      %add3A_216 = vector.broadcast %add3A_215 : i32 to vector<16xi32>
      %add3A_217 = arith.addi %broadcast_in_dim3A_191, %add3A_216 : vector<16xi32>
      %gather3A_218 = tpu.vector_load_idx %arg8[%broadcast_in_dim3A_146, %iota3A, %add3A_217] : memref<4x16x513xf32, #tpu.memory_space<vmem>>[vector<16xi32>, vector<16xi32>, vector<16xi32>], vector<16xf32>,
      %add3A_219 = arith.constant 7 : i32
      %add3A_220 = vector.broadcast %add3A_219 : i32 to vector<16xi32>
      %add3A_221 = arith.addi %broadcast_in_dim3A_191, %add3A_220 : vector<16xi32>
      %gather3A_222 = tpu.vector_load_idx %arg8[%broadcast_in_dim3A_146, %iota3A, %add3A_221] : memref<4x16x513xf32, #tpu.memory_space<vmem>>[vector<16xi32>, vector<16xi32>, vector<16xi32>], vector<16xf32>,
      %add3A_223 = arith.constant 8 : i32
      %add3A_224 = vector.broadcast %add3A_223 : i32 to vector<16xi32>
      %add3A_225 = arith.addi %broadcast_in_dim3A_191, %add3A_224 : vector<16xi32>
      %gather3A_226 = tpu.vector_load_idx %arg8[%broadcast_in_dim3A_146, %iota3A, %add3A_225] : memref<4x16x513xf32, #tpu.memory_space<vmem>>[vector<16xi32>, vector<16xi32>, vector<16xi32>], vector<16xf32>,
      %add3A_227 = arith.constant 9 : i32
      %add3A_228 = vector.broadcast %add3A_227 : i32 to vector<16xi32>
      %add3A_229 = arith.addi %broadcast_in_dim3A_191, %add3A_228 : vector<16xi32>
      %gather3A_230 = tpu.vector_load_idx %arg8[%broadcast_in_dim3A_146, %iota3A, %add3A_229] : memref<4x16x513xf32, #tpu.memory_space<vmem>>[vector<16xi32>, vector<16xi32>, vector<16xi32>], vector<16xf32>,
      %add3A_231 = arith.constant 10 : i32
      %add3A_232 = vector.broadcast %add3A_231 : i32 to vector<16xi32>
      %add3A_233 = arith.addi %broadcast_in_dim3A_191, %add3A_232 : vector<16xi32>
      %gather3A_234 = tpu.vector_load_idx %arg8[%broadcast_in_dim3A_146, %iota3A, %add3A_233] : memref<4x16x513xf32, #tpu.memory_space<vmem>>[vector<16xi32>, vector<16xi32>, vector<16xi32>], vector<16xf32>,
      %add3A_235 = arith.constant 11 : i32
      %add3A_236 = vector.broadcast %add3A_235 : i32 to vector<16xi32>
      %add3A_237 = arith.addi %broadcast_in_dim3A_191, %add3A_236 : vector<16xi32>
      %gather3A_238 = tpu.vector_load_idx %arg8[%broadcast_in_dim3A_146, %iota3A, %add3A_237] : memref<4x16x513xf32, #tpu.memory_space<vmem>>[vector<16xi32>, vector<16xi32>, vector<16xi32>], vector<16xf32>,
      %add3A_239 = arith.constant 12 : i32
      %add3A_240 = vector.broadcast %add3A_239 : i32 to vector<16xi32>
      %add3A_241 = arith.addi %broadcast_in_dim3A_191, %add3A_240 : vector<16xi32>
      %gather3A_242 = tpu.vector_load_idx %arg8[%broadcast_in_dim3A_146, %iota3A, %add3A_241] : memref<4x16x513xf32, #tpu.memory_space<vmem>>[vector<16xi32>, vector<16xi32>, vector<16xi32>], vector<16xf32>,
      %add3A_243 = arith.constant 13 : i32
      %add3A_244 = vector.broadcast %add3A_243 : i32 to vector<16xi32>
      %add3A_245 = arith.addi %broadcast_in_dim3A_191, %add3A_244 : vector<16xi32>
      %gather3A_246 = tpu.vector_load_idx %arg8[%broadcast_in_dim3A_146, %iota3A, %add3A_245] : memref<4x16x513xf32, #tpu.memory_space<vmem>>[vector<16xi32>, vector<16xi32>, vector<16xi32>], vector<16xf32>,
      %add3A_247 = arith.constant 14 : i32
      %add3A_248 = vector.broadcast %add3A_247 : i32 to vector<16xi32>
      %add3A_249 = arith.addi %broadcast_in_dim3A_191, %add3A_248 : vector<16xi32>
      %gather3A_250 = tpu.vector_load_idx %arg8[%broadcast_in_dim3A_146, %iota3A, %add3A_249] : memref<4x16x513xf32, #tpu.memory_space<vmem>>[vector<16xi32>, vector<16xi32>, vector<16xi32>], vector<16xf32>,
      %add3A_251 = arith.constant 15 : i32
      %add3A_252 = vector.broadcast %add3A_251 : i32 to vector<16xi32>
      %add3A_253 = arith.addi %broadcast_in_dim3A_191, %add3A_252 : vector<16xi32>
      %gather3A_254 = tpu.vector_load_idx %arg8[%broadcast_in_dim3A_146, %iota3A, %add3A_253] : memref<4x16x513xf32, #tpu.memory_space<vmem>>[vector<16xi32>, vector<16xi32>, vector<16xi32>], vector<16xf32>,
      %slice3A = vector.extract_strided_slice %get3A_188 {offsets = [0], sizes = [1], strides = [1]} : vector<16xi32> to vector<1xi32>
      %squeeze3A = vector.extract %slice3A[0] : i32 from vector<1xi32>
      %broadcast_in_dim3A_255 = vector.broadcast %squeeze3A : i32 to vector<16xi32>
      %slice3A_256 = vector.extract_strided_slice %get3A_188 {offsets = [1], sizes = [1], strides = [1]} : vector<16xi32> to vector<1xi32>
      %squeeze3A_257 = vector.extract %slice3A_256[0] : i32 from vector<1xi32>
      %broadcast_in_dim3A_258 = vector.broadcast %squeeze3A_257 : i32 to vector<16xi32>
      %slice3A_259 = vector.extract_strided_slice %get3A_188 {offsets = [2], sizes = [1], strides = [1]} : vector<16xi32> to vector<1xi32>
      %squeeze3A_260 = vector.extract %slice3A_259[0] : i32 from vector<1xi32>
      %broadcast_in_dim3A_261 = vector.broadcast %squeeze3A_260 : i32 to vector<16xi32>
      %slice3A_262 = vector.extract_strided_slice %get3A_188 {offsets = [3], sizes = [1], strides = [1]} : vector<16xi32> to vector<1xi32>
      %squeeze3A_263 = vector.extract %slice3A_262[0] : i32 from vector<1xi32>
      %broadcast_in_dim3A_264 = vector.broadcast %squeeze3A_263 : i32 to vector<16xi32>
      %slice3A_265 = vector.extract_strided_slice %get3A_188 {offsets = [4], sizes = [1], strides = [1]} : vector<16xi32> to vector<1xi32>
      %squeeze3A_266 = vector.extract %slice3A_265[0] : i32 from vector<1xi32>
      %broadcast_in_dim3A_267 = vector.broadcast %squeeze3A_266 : i32 to vector<16xi32>
      %slice3A_268 = vector.extract_strided_slice %get3A_188 {offsets = [5], sizes = [1], strides = [1]} : vector<16xi32> to vector<1xi32>
      %squeeze3A_269 = vector.extract %slice3A_268[0] : i32 from vector<1xi32>
      %broadcast_in_dim3A_270 = vector.broadcast %squeeze3A_269 : i32 to vector<16xi32>
      %slice3A_271 = vector.extract_strided_slice %get3A_188 {offsets = [6], sizes = [1], strides = [1]} : vector<16xi32> to vector<1xi32>
      %squeeze3A_272 = vector.extract %slice3A_271[0] : i32 from vector<1xi32>
      %broadcast_in_dim3A_273 = vector.broadcast %squeeze3A_272 : i32 to vector<16xi32>
      %slice3A_274 = vector.extract_strided_slice %get3A_188 {offsets = [7], sizes = [1], strides = [1]} : vector<16xi32> to vector<1xi32>
      %squeeze3A_275 = vector.extract %slice3A_274[0] : i32 from vector<1xi32>
      %broadcast_in_dim3A_276 = vector.broadcast %squeeze3A_275 : i32 to vector<16xi32>
      %slice3A_277 = vector.extract_strided_slice %get3A_188 {offsets = [8], sizes = [1], strides = [1]} : vector<16xi32> to vector<1xi32>
      %squeeze3A_278 = vector.extract %slice3A_277[0] : i32 from vector<1xi32>
      %broadcast_in_dim3A_279 = vector.broadcast %squeeze3A_278 : i32 to vector<16xi32>
      %slice3A_280 = vector.extract_strided_slice %get3A_188 {offsets = [9], sizes = [1], strides = [1]} : vector<16xi32> to vector<1xi32>
      %squeeze3A_281 = vector.extract %slice3A_280[0] : i32 from vector<1xi32>
      %broadcast_in_dim3A_282 = vector.broadcast %squeeze3A_281 : i32 to vector<16xi32>
      %slice3A_283 = vector.extract_strided_slice %get3A_188 {offsets = [10], sizes = [1], strides = [1]} : vector<16xi32> to vector<1xi32>
      %squeeze3A_284 = vector.extract %slice3A_283[0] : i32 from vector<1xi32>
      %broadcast_in_dim3A_285 = vector.broadcast %squeeze3A_284 : i32 to vector<16xi32>
      %slice3A_286 = vector.extract_strided_slice %get3A_188 {offsets = [11], sizes = [1], strides = [1]} : vector<16xi32> to vector<1xi32>
      %squeeze3A_287 = vector.extract %slice3A_286[0] : i32 from vector<1xi32>
      %broadcast_in_dim3A_288 = vector.broadcast %squeeze3A_287 : i32 to vector<16xi32>
      %slice3A_289 = vector.extract_strided_slice %get3A_188 {offsets = [12], sizes = [1], strides = [1]} : vector<16xi32> to vector<1xi32>
      %squeeze3A_290 = vector.extract %slice3A_289[0] : i32 from vector<1xi32>
      %broadcast_in_dim3A_291 = vector.broadcast %squeeze3A_290 : i32 to vector<16xi32>
      %slice3A_292 = vector.extract_strided_slice %get3A_188 {offsets = [13], sizes = [1], strides = [1]} : vector<16xi32> to vector<1xi32>
      %squeeze3A_293 = vector.extract %slice3A_292[0] : i32 from vector<1xi32>
      %broadcast_in_dim3A_294 = vector.broadcast %squeeze3A_293 : i32 to vector<16xi32>
      %slice3A_295 = vector.extract_strided_slice %get3A_188 {offsets = [14], sizes = [1], strides = [1]} : vector<16xi32> to vector<1xi32>
      %squeeze3A_296 = vector.extract %slice3A_295[0] : i32 from vector<1xi32>
      %broadcast_in_dim3A_297 = vector.broadcast %squeeze3A_296 : i32 to vector<16xi32>
      %slice3A_298 = vector.extract_strided_slice %get3A_188 {offsets = [15], sizes = [1], strides = [1]} : vector<16xi32> to vector<1xi32>
      %squeeze3A_299 = vector.extract %slice3A_298[0] : i32 from vector<1xi32>
      %broadcast_in_dim3A_300 = vector.broadcast %squeeze3A_299 : i32 to vector<16xi32>
      tpu.vector_store_idx %arg9[%iota3A, %broadcast_in_dim3A_255], %gather3A {add = true} : memref<16x1025xf32, #tpu.memory_space<vmem>>[vector<16xi32>, vector<16xi32>], vector<16xf32>,
      tpu.vector_store_idx %arg9[%iota3A, %broadcast_in_dim3A_258], %gather3A_198 {add = true} : memref<16x1025xf32, #tpu.memory_space<vmem>>[vector<16xi32>, vector<16xi32>], vector<16xf32>,
      tpu.vector_store_idx %arg9[%iota3A, %broadcast_in_dim3A_261], %gather3A_202 {add = true} : memref<16x1025xf32, #tpu.memory_space<vmem>>[vector<16xi32>, vector<16xi32>], vector<16xf32>,
      tpu.vector_store_idx %arg9[%iota3A, %broadcast_in_dim3A_264], %gather3A_206 {add = true} : memref<16x1025xf32, #tpu.memory_space<vmem>>[vector<16xi32>, vector<16xi32>], vector<16xf32>,
      tpu.vector_store_idx %arg9[%iota3A, %broadcast_in_dim3A_267], %gather3A_210 {add = true} : memref<16x1025xf32, #tpu.memory_space<vmem>>[vector<16xi32>, vector<16xi32>], vector<16xf32>,
      tpu.vector_store_idx %arg9[%iota3A, %broadcast_in_dim3A_270], %gather3A_214 {add = true} : memref<16x1025xf32, #tpu.memory_space<vmem>>[vector<16xi32>, vector<16xi32>], vector<16xf32>,
      tpu.vector_store_idx %arg9[%iota3A, %broadcast_in_dim3A_273], %gather3A_218 {add = true} : memref<16x1025xf32, #tpu.memory_space<vmem>>[vector<16xi32>, vector<16xi32>], vector<16xf32>,
      tpu.vector_store_idx %arg9[%iota3A, %broadcast_in_dim3A_276], %gather3A_222 {add = true} : memref<16x1025xf32, #tpu.memory_space<vmem>>[vector<16xi32>, vector<16xi32>], vector<16xf32>,
      tpu.vector_store_idx %arg9[%iota3A, %broadcast_in_dim3A_279], %gather3A_226 {add = true} : memref<16x1025xf32, #tpu.memory_space<vmem>>[vector<16xi32>, vector<16xi32>], vector<16xf32>,
      tpu.vector_store_idx %arg9[%iota3A, %broadcast_in_dim3A_282], %gather3A_230 {add = true} : memref<16x1025xf32, #tpu.memory_space<vmem>>[vector<16xi32>, vector<16xi32>], vector<16xf32>,
      tpu.vector_store_idx %arg9[%iota3A, %broadcast_in_dim3A_285], %gather3A_234 {add = true} : memref<16x1025xf32, #tpu.memory_space<vmem>>[vector<16xi32>, vector<16xi32>], vector<16xf32>,
      tpu.vector_store_idx %arg9[%iota3A, %broadcast_in_dim3A_288], %gather3A_238 {add = true} : memref<16x1025xf32, #tpu.memory_space<vmem>>[vector<16xi32>, vector<16xi32>], vector<16xf32>,
      tpu.vector_store_idx %arg9[%iota3A, %broadcast_in_dim3A_291], %gather3A_242 {add = true} : memref<16x1025xf32, #tpu.memory_space<vmem>>[vector<16xi32>, vector<16xi32>], vector<16xf32>,
      tpu.vector_store_idx %arg9[%iota3A, %broadcast_in_dim3A_294], %gather3A_246 {add = true} : memref<16x1025xf32, #tpu.memory_space<vmem>>[vector<16xi32>, vector<16xi32>], vector<16xf32>,
      tpu.vector_store_idx %arg9[%iota3A, %broadcast_in_dim3A_297], %gather3A_250 {add = true} : memref<16x1025xf32, #tpu.memory_space<vmem>>[vector<16xi32>, vector<16xi32>], vector<16xf32>,
      tpu.vector_store_idx %arg9[%iota3A, %broadcast_in_dim3A_300], %gather3A_254 {add = true} : memref<16x1025xf32, #tpu.memory_space<vmem>>[vector<16xi32>, vector<16xi32>], vector<16xf32>,
      %mul3A_301 = arith.mulf %gather3A, %gather3A : vector<16xf32>
      %add3A_302 = arith.addf %scan3A_180, %mul3A_301 : vector<16xf32>
      %mul3A_303 = arith.mulf %gather3A_198, %gather3A_198 : vector<16xf32>
      %add3A_304 = arith.addf %scan3A_181, %mul3A_303 : vector<16xf32>
      %mul3A_305 = arith.mulf %gather3A_202, %gather3A_202 : vector<16xf32>
      %add3A_306 = arith.addf %scan3A_182, %mul3A_305 : vector<16xf32>
      %mul3A_307 = arith.mulf %gather3A_206, %gather3A_206 : vector<16xf32>
      %add3A_308 = arith.addf %scan3A_183, %mul3A_307 : vector<16xf32>
      %mul3A_309 = arith.mulf %gather3A_210, %gather3A_210 : vector<16xf32>
      %add3A_310 = arith.addf %add3A_302, %mul3A_309 : vector<16xf32>
      %mul3A_311 = arith.mulf %gather3A_214, %gather3A_214 : vector<16xf32>
      %add3A_312 = arith.addf %add3A_304, %mul3A_311 : vector<16xf32>
      %mul3A_313 = arith.mulf %gather3A_218, %gather3A_218 : vector<16xf32>
      %add3A_314 = arith.addf %add3A_306, %mul3A_313 : vector<16xf32>
      %mul3A_315 = arith.mulf %gather3A_222, %gather3A_222 : vector<16xf32>
      %add3A_316 = arith.addf %add3A_308, %mul3A_315 : vector<16xf32>
      %mul3A_317 = arith.mulf %gather3A_226, %gather3A_226 : vector<16xf32>
      %add3A_318 = arith.addf %add3A_310, %mul3A_317 : vector<16xf32>
      %mul3A_319 = arith.mulf %gather3A_230, %gather3A_230 : vector<16xf32>
      %add3A_320 = arith.addf %add3A_312, %mul3A_319 : vector<16xf32>
      %mul3A_321 = arith.mulf %gather3A_234, %gather3A_234 : vector<16xf32>
      %add3A_322 = arith.addf %add3A_314, %mul3A_321 : vector<16xf32>
      %mul3A_323 = arith.mulf %gather3A_238, %gather3A_238 : vector<16xf32>
      %add3A_324 = arith.addf %add3A_316, %mul3A_323 : vector<16xf32>
      %mul3A_325 = arith.mulf %gather3A_242, %gather3A_242 : vector<16xf32>
      %add3A_326 = arith.addf %add3A_318, %mul3A_325 : vector<16xf32>
      %mul3A_327 = arith.mulf %gather3A_246, %gather3A_246 : vector<16xf32>
      %add3A_328 = arith.addf %add3A_320, %mul3A_327 : vector<16xf32>
      %mul3A_329 = arith.mulf %gather3A_250, %gather3A_250 : vector<16xf32>
      %add3A_330 = arith.addf %add3A_322, %mul3A_329 : vector<16xf32>
      %mul3A_331 = arith.mulf %gather3A_254, %gather3A_254 : vector<16xf32>
      %add3A_332 = arith.addf %add3A_324, %mul3A_331 : vector<16xf32>
      scf.yield %add3A_326, %add3A_328, %add3A_330, %add3A_332 : vector<16xf32>, vector<16xf32>, vector<16xf32>, vector<16xf32>
    }
    %scan3A_152 = arith.constant 32 : i32
    %dma_wait3A_153 = arith.constant 3 : i32
    %dma_wait3A_154 = arith.constant 0 : i32
    %dma_wait3A_155 = arith.constant 0 : i32
    %dma_wait3A_156 = tpu.memref_slice %arg8[%dma_wait3A_153, %dma_wait3A_154, %dma_wait3A_155] : memref<4x16x513xf32, #tpu.memory_space<vmem>> -> memref<1x16x512xf32, #tpu.memory_space<vmem>>
    %dma_wait3A_157 = arith.constant 0 : i32
    %dma_wait3A_158 = tpu.memref_slice %arg2[%add3A_61, %mul3A_63, %dma_wait3A_157] : memref<8x256x512xf32, #tpu.memory_space<hbm>> -> memref<1x16x512xf32, #tpu.memory_space<hbm>>
    %dma_wait3A_159 = arith.constant 3 : i32
    %dma_wait3A_160 = arith.constant 0 : i32
    %dma_wait3A_161 = arith.constant 0 : i32
    %dma_wait3A_162 = tpu.memref_slice %arg8[%dma_wait3A_159, %dma_wait3A_160, %dma_wait3A_161] : memref<4x16x513xf32, #tpu.memory_space<vmem>> -> memref<1x16x512xf32, #tpu.memory_space<vmem>>
    %dma_wait3A_163 = arith.constant 0 : i32
    %dma_wait3A_164 = tpu.memref_slice %arg2[%add3A_61, %mul3A_63, %dma_wait3A_163] : memref<8x256x512xf32, #tpu.memory_space<hbm>> -> memref<1x16x512xf32, #tpu.memory_space<hbm>>
    tpu.wait_dma2 semaphore(%arg16 : memref<!tpu.dma_semaphore, #tpu.memory_space<semaphore_mem>>) src(%dma_wait3A_164 : memref<1x16x512xf32, #tpu.memory_space<hbm>>) dst(%dma_wait3A_162 : memref<1x16x512xf32, #tpu.memory_space<vmem>>)
    %broadcast_in_dim3A_165 = arith.constant 3 : i32
    %broadcast_in_dim3A_166 = vector.broadcast %broadcast_in_dim3A_165 : i32 to vector<16xi32>
    %scan3A_167 = arith.constant 0 : i32
    %scan3A_168 = arith.constant 32 : i32
    %scan3A_169 = arith.addi %scan3A_167, %scan3A_168 : i32
    %scan3A_170 = arith.constant 1 : i32
    %scan3A_171:4 = scf.for %scan3A_179 = %scan3A_167 to %scan3A_169 step %scan3A_170 iter_args(%scan3A_180 = %scan3A_151#0, %scan3A_181 = %scan3A_151#1, %scan3A_182 = %scan3A_151#2, %scan3A_183 = %scan3A_151#3) -> (vector<16xf32>, vector<16xf32>, vector<16xf32>, vector<16xf32>)  : i32 {
      %mul3A_184 = arith.constant 16 : i32
      %mul3A_185 = arith.muli %scan3A_179, %mul3A_184 : i32
      %add3A_186 = arith.constant 1536 : i32
      %add3A_187 = arith.addi %add3A_186, %mul3A_185 : i32
      %get3A = arith.index_cast %add3A_187 : i32 to index
      %get3A_188 = tpu.vector_load %arg7[%get3A] {strides = array<i32>} : memref<2048xi32, #tpu.memory_space<vmem>>, vector<16xi32>,
      %mul3A_189 = arith.constant 16 : i32
      %mul3A_190 = arith.muli %scan3A_179, %mul3A_189 : i32
      %broadcast_in_dim3A_191 = vector.broadcast %mul3A_190 : i32 to vector<16xi32>
      %add3A_192 = arith.constant 0 : i32
      %add3A_193 = vector.broadcast %add3A_192 : i32 to vector<16xi32>
      %add3A_194 = arith.addi %broadcast_in_dim3A_191, %add3A_193 : vector<16xi32>
      %gather3A = tpu.vector_load_idx %arg8[%broadcast_in_dim3A_166, %iota3A, %add3A_194] : memref<4x16x513xf32, #tpu.memory_space<vmem>>[vector<16xi32>, vector<16xi32>, vector<16xi32>], vector<16xf32>,
      %add3A_195 = arith.constant 1 : i32
      %add3A_196 = vector.broadcast %add3A_195 : i32 to vector<16xi32>
      %add3A_197 = arith.addi %broadcast_in_dim3A_191, %add3A_196 : vector<16xi32>
      %gather3A_198 = tpu.vector_load_idx %arg8[%broadcast_in_dim3A_166, %iota3A, %add3A_197] : memref<4x16x513xf32, #tpu.memory_space<vmem>>[vector<16xi32>, vector<16xi32>, vector<16xi32>], vector<16xf32>,
      %add3A_199 = arith.constant 2 : i32
      %add3A_200 = vector.broadcast %add3A_199 : i32 to vector<16xi32>
      %add3A_201 = arith.addi %broadcast_in_dim3A_191, %add3A_200 : vector<16xi32>
      %gather3A_202 = tpu.vector_load_idx %arg8[%broadcast_in_dim3A_166, %iota3A, %add3A_201] : memref<4x16x513xf32, #tpu.memory_space<vmem>>[vector<16xi32>, vector<16xi32>, vector<16xi32>], vector<16xf32>,
      %add3A_203 = arith.constant 3 : i32
      %add3A_204 = vector.broadcast %add3A_203 : i32 to vector<16xi32>
      %add3A_205 = arith.addi %broadcast_in_dim3A_191, %add3A_204 : vector<16xi32>
      %gather3A_206 = tpu.vector_load_idx %arg8[%broadcast_in_dim3A_166, %iota3A, %add3A_205] : memref<4x16x513xf32, #tpu.memory_space<vmem>>[vector<16xi32>, vector<16xi32>, vector<16xi32>], vector<16xf32>,
      %add3A_207 = arith.constant 4 : i32
      %add3A_208 = vector.broadcast %add3A_207 : i32 to vector<16xi32>
      %add3A_209 = arith.addi %broadcast_in_dim3A_191, %add3A_208 : vector<16xi32>
      %gather3A_210 = tpu.vector_load_idx %arg8[%broadcast_in_dim3A_166, %iota3A, %add3A_209] : memref<4x16x513xf32, #tpu.memory_space<vmem>>[vector<16xi32>, vector<16xi32>, vector<16xi32>], vector<16xf32>,
      %add3A_211 = arith.constant 5 : i32
      %add3A_212 = vector.broadcast %add3A_211 : i32 to vector<16xi32>
      %add3A_213 = arith.addi %broadcast_in_dim3A_191, %add3A_212 : vector<16xi32>
      %gather3A_214 = tpu.vector_load_idx %arg8[%broadcast_in_dim3A_166, %iota3A, %add3A_213] : memref<4x16x513xf32, #tpu.memory_space<vmem>>[vector<16xi32>, vector<16xi32>, vector<16xi32>], vector<16xf32>,
      %add3A_215 = arith.constant 6 : i32
      %add3A_216 = vector.broadcast %add3A_215 : i32 to vector<16xi32>
      %add3A_217 = arith.addi %broadcast_in_dim3A_191, %add3A_216 : vector<16xi32>
      %gather3A_218 = tpu.vector_load_idx %arg8[%broadcast_in_dim3A_166, %iota3A, %add3A_217] : memref<4x16x513xf32, #tpu.memory_space<vmem>>[vector<16xi32>, vector<16xi32>, vector<16xi32>], vector<16xf32>,
      %add3A_219 = arith.constant 7 : i32
      %add3A_220 = vector.broadcast %add3A_219 : i32 to vector<16xi32>
      %add3A_221 = arith.addi %broadcast_in_dim3A_191, %add3A_220 : vector<16xi32>
      %gather3A_222 = tpu.vector_load_idx %arg8[%broadcast_in_dim3A_166, %iota3A, %add3A_221] : memref<4x16x513xf32, #tpu.memory_space<vmem>>[vector<16xi32>, vector<16xi32>, vector<16xi32>], vector<16xf32>,
      %add3A_223 = arith.constant 8 : i32
      %add3A_224 = vector.broadcast %add3A_223 : i32 to vector<16xi32>
      %add3A_225 = arith.addi %broadcast_in_dim3A_191, %add3A_224 : vector<16xi32>
      %gather3A_226 = tpu.vector_load_idx %arg8[%broadcast_in_dim3A_166, %iota3A, %add3A_225] : memref<4x16x513xf32, #tpu.memory_space<vmem>>[vector<16xi32>, vector<16xi32>, vector<16xi32>], vector<16xf32>,
      %add3A_227 = arith.constant 9 : i32
      %add3A_228 = vector.broadcast %add3A_227 : i32 to vector<16xi32>
      %add3A_229 = arith.addi %broadcast_in_dim3A_191, %add3A_228 : vector<16xi32>
      %gather3A_230 = tpu.vector_load_idx %arg8[%broadcast_in_dim3A_166, %iota3A, %add3A_229] : memref<4x16x513xf32, #tpu.memory_space<vmem>>[vector<16xi32>, vector<16xi32>, vector<16xi32>], vector<16xf32>,
      %add3A_231 = arith.constant 10 : i32
      %add3A_232 = vector.broadcast %add3A_231 : i32 to vector<16xi32>
      %add3A_233 = arith.addi %broadcast_in_dim3A_191, %add3A_232 : vector<16xi32>
      %gather3A_234 = tpu.vector_load_idx %arg8[%broadcast_in_dim3A_166, %iota3A, %add3A_233] : memref<4x16x513xf32, #tpu.memory_space<vmem>>[vector<16xi32>, vector<16xi32>, vector<16xi32>], vector<16xf32>,
      %add3A_235 = arith.constant 11 : i32
      %add3A_236 = vector.broadcast %add3A_235 : i32 to vector<16xi32>
      %add3A_237 = arith.addi %broadcast_in_dim3A_191, %add3A_236 : vector<16xi32>
      %gather3A_238 = tpu.vector_load_idx %arg8[%broadcast_in_dim3A_166, %iota3A, %add3A_237] : memref<4x16x513xf32, #tpu.memory_space<vmem>>[vector<16xi32>, vector<16xi32>, vector<16xi32>], vector<16xf32>,
      %add3A_239 = arith.constant 12 : i32
      %add3A_240 = vector.broadcast %add3A_239 : i32 to vector<16xi32>
      %add3A_241 = arith.addi %broadcast_in_dim3A_191, %add3A_240 : vector<16xi32>
      %gather3A_242 = tpu.vector_load_idx %arg8[%broadcast_in_dim3A_166, %iota3A, %add3A_241] : memref<4x16x513xf32, #tpu.memory_space<vmem>>[vector<16xi32>, vector<16xi32>, vector<16xi32>], vector<16xf32>,
      %add3A_243 = arith.constant 13 : i32
      %add3A_244 = vector.broadcast %add3A_243 : i32 to vector<16xi32>
      %add3A_245 = arith.addi %broadcast_in_dim3A_191, %add3A_244 : vector<16xi32>
      %gather3A_246 = tpu.vector_load_idx %arg8[%broadcast_in_dim3A_166, %iota3A, %add3A_245] : memref<4x16x513xf32, #tpu.memory_space<vmem>>[vector<16xi32>, vector<16xi32>, vector<16xi32>], vector<16xf32>,
      %add3A_247 = arith.constant 14 : i32
      %add3A_248 = vector.broadcast %add3A_247 : i32 to vector<16xi32>
      %add3A_249 = arith.addi %broadcast_in_dim3A_191, %add3A_248 : vector<16xi32>
      %gather3A_250 = tpu.vector_load_idx %arg8[%broadcast_in_dim3A_166, %iota3A, %add3A_249] : memref<4x16x513xf32, #tpu.memory_space<vmem>>[vector<16xi32>, vector<16xi32>, vector<16xi32>], vector<16xf32>,
      %add3A_251 = arith.constant 15 : i32
      %add3A_252 = vector.broadcast %add3A_251 : i32 to vector<16xi32>
      %add3A_253 = arith.addi %broadcast_in_dim3A_191, %add3A_252 : vector<16xi32>
      %gather3A_254 = tpu.vector_load_idx %arg8[%broadcast_in_dim3A_166, %iota3A, %add3A_253] : memref<4x16x513xf32, #tpu.memory_space<vmem>>[vector<16xi32>, vector<16xi32>, vector<16xi32>], vector<16xf32>,
      %slice3A = vector.extract_strided_slice %get3A_188 {offsets = [0], sizes = [1], strides = [1]} : vector<16xi32> to vector<1xi32>
      %squeeze3A = vector.extract %slice3A[0] : i32 from vector<1xi32>
      %broadcast_in_dim3A_255 = vector.broadcast %squeeze3A : i32 to vector<16xi32>
      %slice3A_256 = vector.extract_strided_slice %get3A_188 {offsets = [1], sizes = [1], strides = [1]} : vector<16xi32> to vector<1xi32>
      %squeeze3A_257 = vector.extract %slice3A_256[0] : i32 from vector<1xi32>
      %broadcast_in_dim3A_258 = vector.broadcast %squeeze3A_257 : i32 to vector<16xi32>
      %slice3A_259 = vector.extract_strided_slice %get3A_188 {offsets = [2], sizes = [1], strides = [1]} : vector<16xi32> to vector<1xi32>
      %squeeze3A_260 = vector.extract %slice3A_259[0] : i32 from vector<1xi32>
      %broadcast_in_dim3A_261 = vector.broadcast %squeeze3A_260 : i32 to vector<16xi32>
      %slice3A_262 = vector.extract_strided_slice %get3A_188 {offsets = [3], sizes = [1], strides = [1]} : vector<16xi32> to vector<1xi32>
      %squeeze3A_263 = vector.extract %slice3A_262[0] : i32 from vector<1xi32>
      %broadcast_in_dim3A_264 = vector.broadcast %squeeze3A_263 : i32 to vector<16xi32>
      %slice3A_265 = vector.extract_strided_slice %get3A_188 {offsets = [4], sizes = [1], strides = [1]} : vector<16xi32> to vector<1xi32>
      %squeeze3A_266 = vector.extract %slice3A_265[0] : i32 from vector<1xi32>
      %broadcast_in_dim3A_267 = vector.broadcast %squeeze3A_266 : i32 to vector<16xi32>
      %slice3A_268 = vector.extract_strided_slice %get3A_188 {offsets = [5], sizes = [1], strides = [1]} : vector<16xi32> to vector<1xi32>
      %squeeze3A_269 = vector.extract %slice3A_268[0] : i32 from vector<1xi32>
      %broadcast_in_dim3A_270 = vector.broadcast %squeeze3A_269 : i32 to vector<16xi32>
      %slice3A_271 = vector.extract_strided_slice %get3A_188 {offsets = [6], sizes = [1], strides = [1]} : vector<16xi32> to vector<1xi32>
      %squeeze3A_272 = vector.extract %slice3A_271[0] : i32 from vector<1xi32>
      %broadcast_in_dim3A_273 = vector.broadcast %squeeze3A_272 : i32 to vector<16xi32>
      %slice3A_274 = vector.extract_strided_slice %get3A_188 {offsets = [7], sizes = [1], strides = [1]} : vector<16xi32> to vector<1xi32>
      %squeeze3A_275 = vector.extract %slice3A_274[0] : i32 from vector<1xi32>
      %broadcast_in_dim3A_276 = vector.broadcast %squeeze3A_275 : i32 to vector<16xi32>
      %slice3A_277 = vector.extract_strided_slice %get3A_188 {offsets = [8], sizes = [1], strides = [1]} : vector<16xi32> to vector<1xi32>
      %squeeze3A_278 = vector.extract %slice3A_277[0] : i32 from vector<1xi32>
      %broadcast_in_dim3A_279 = vector.broadcast %squeeze3A_278 : i32 to vector<16xi32>
      %slice3A_280 = vector.extract_strided_slice %get3A_188 {offsets = [9], sizes = [1], strides = [1]} : vector<16xi32> to vector<1xi32>
      %squeeze3A_281 = vector.extract %slice3A_280[0] : i32 from vector<1xi32>
      %broadcast_in_dim3A_282 = vector.broadcast %squeeze3A_281 : i32 to vector<16xi32>
      %slice3A_283 = vector.extract_strided_slice %get3A_188 {offsets = [10], sizes = [1], strides = [1]} : vector<16xi32> to vector<1xi32>
      %squeeze3A_284 = vector.extract %slice3A_283[0] : i32 from vector<1xi32>
      %broadcast_in_dim3A_285 = vector.broadcast %squeeze3A_284 : i32 to vector<16xi32>
      %slice3A_286 = vector.extract_strided_slice %get3A_188 {offsets = [11], sizes = [1], strides = [1]} : vector<16xi32> to vector<1xi32>
      %squeeze3A_287 = vector.extract %slice3A_286[0] : i32 from vector<1xi32>
      %broadcast_in_dim3A_288 = vector.broadcast %squeeze3A_287 : i32 to vector<16xi32>
      %slice3A_289 = vector.extract_strided_slice %get3A_188 {offsets = [12], sizes = [1], strides = [1]} : vector<16xi32> to vector<1xi32>
      %squeeze3A_290 = vector.extract %slice3A_289[0] : i32 from vector<1xi32>
      %broadcast_in_dim3A_291 = vector.broadcast %squeeze3A_290 : i32 to vector<16xi32>
      %slice3A_292 = vector.extract_strided_slice %get3A_188 {offsets = [13], sizes = [1], strides = [1]} : vector<16xi32> to vector<1xi32>
      %squeeze3A_293 = vector.extract %slice3A_292[0] : i32 from vector<1xi32>
      %broadcast_in_dim3A_294 = vector.broadcast %squeeze3A_293 : i32 to vector<16xi32>
      %slice3A_295 = vector.extract_strided_slice %get3A_188 {offsets = [14], sizes = [1], strides = [1]} : vector<16xi32> to vector<1xi32>
      %squeeze3A_296 = vector.extract %slice3A_295[0] : i32 from vector<1xi32>
      %broadcast_in_dim3A_297 = vector.broadcast %squeeze3A_296 : i32 to vector<16xi32>
      %slice3A_298 = vector.extract_strided_slice %get3A_188 {offsets = [15], sizes = [1], strides = [1]} : vector<16xi32> to vector<1xi32>
      %squeeze3A_299 = vector.extract %slice3A_298[0] : i32 from vector<1xi32>
      %broadcast_in_dim3A_300 = vector.broadcast %squeeze3A_299 : i32 to vector<16xi32>
      tpu.vector_store_idx %arg9[%iota3A, %broadcast_in_dim3A_255], %gather3A {add = true} : memref<16x1025xf32, #tpu.memory_space<vmem>>[vector<16xi32>, vector<16xi32>], vector<16xf32>,
      tpu.vector_store_idx %arg9[%iota3A, %broadcast_in_dim3A_258], %gather3A_198 {add = true} : memref<16x1025xf32, #tpu.memory_space<vmem>>[vector<16xi32>, vector<16xi32>], vector<16xf32>,
      tpu.vector_store_idx %arg9[%iota3A, %broadcast_in_dim3A_261], %gather3A_202 {add = true} : memref<16x1025xf32, #tpu.memory_space<vmem>>[vector<16xi32>, vector<16xi32>], vector<16xf32>,
      tpu.vector_store_idx %arg9[%iota3A, %broadcast_in_dim3A_264], %gather3A_206 {add = true} : memref<16x1025xf32, #tpu.memory_space<vmem>>[vector<16xi32>, vector<16xi32>], vector<16xf32>,
      tpu.vector_store_idx %arg9[%iota3A, %broadcast_in_dim3A_267], %gather3A_210 {add = true} : memref<16x1025xf32, #tpu.memory_space<vmem>>[vector<16xi32>, vector<16xi32>], vector<16xf32>,
      tpu.vector_store_idx %arg9[%iota3A, %broadcast_in_dim3A_270], %gather3A_214 {add = true} : memref<16x1025xf32, #tpu.memory_space<vmem>>[vector<16xi32>, vector<16xi32>], vector<16xf32>,
      tpu.vector_store_idx %arg9[%iota3A, %broadcast_in_dim3A_273], %gather3A_218 {add = true} : memref<16x1025xf32, #tpu.memory_space<vmem>>[vector<16xi32>, vector<16xi32>], vector<16xf32>,
      tpu.vector_store_idx %arg9[%iota3A, %broadcast_in_dim3A_276], %gather3A_222 {add = true} : memref<16x1025xf32, #tpu.memory_space<vmem>>[vector<16xi32>, vector<16xi32>], vector<16xf32>,
      tpu.vector_store_idx %arg9[%iota3A, %broadcast_in_dim3A_279], %gather3A_226 {add = true} : memref<16x1025xf32, #tpu.memory_space<vmem>>[vector<16xi32>, vector<16xi32>], vector<16xf32>,
      tpu.vector_store_idx %arg9[%iota3A, %broadcast_in_dim3A_282], %gather3A_230 {add = true} : memref<16x1025xf32, #tpu.memory_space<vmem>>[vector<16xi32>, vector<16xi32>], vector<16xf32>,
      tpu.vector_store_idx %arg9[%iota3A, %broadcast_in_dim3A_285], %gather3A_234 {add = true} : memref<16x1025xf32, #tpu.memory_space<vmem>>[vector<16xi32>, vector<16xi32>], vector<16xf32>,
      tpu.vector_store_idx %arg9[%iota3A, %broadcast_in_dim3A_288], %gather3A_238 {add = true} : memref<16x1025xf32, #tpu.memory_space<vmem>>[vector<16xi32>, vector<16xi32>], vector<16xf32>,
      tpu.vector_store_idx %arg9[%iota3A, %broadcast_in_dim3A_291], %gather3A_242 {add = true} : memref<16x1025xf32, #tpu.memory_space<vmem>>[vector<16xi32>, vector<16xi32>], vector<16xf32>,
      tpu.vector_store_idx %arg9[%iota3A, %broadcast_in_dim3A_294], %gather3A_246 {add = true} : memref<16x1025xf32, #tpu.memory_space<vmem>>[vector<16xi32>, vector<16xi32>], vector<16xf32>,
      tpu.vector_store_idx %arg9[%iota3A, %broadcast_in_dim3A_297], %gather3A_250 {add = true} : memref<16x1025xf32, #tpu.memory_space<vmem>>[vector<16xi32>, vector<16xi32>], vector<16xf32>,
      tpu.vector_store_idx %arg9[%iota3A, %broadcast_in_dim3A_300], %gather3A_254 {add = true} : memref<16x1025xf32, #tpu.memory_space<vmem>>[vector<16xi32>, vector<16xi32>], vector<16xf32>,
      %mul3A_301 = arith.mulf %gather3A, %gather3A : vector<16xf32>
      %add3A_302 = arith.addf %scan3A_180, %mul3A_301 : vector<16xf32>
      %mul3A_303 = arith.mulf %gather3A_198, %gather3A_198 : vector<16xf32>
      %add3A_304 = arith.addf %scan3A_181, %mul3A_303 : vector<16xf32>
      %mul3A_305 = arith.mulf %gather3A_202, %gather3A_202 : vector<16xf32>
      %add3A_306 = arith.addf %scan3A_182, %mul3A_305 : vector<16xf32>
      %mul3A_307 = arith.mulf %gather3A_206, %gather3A_206 : vector<16xf32>
      %add3A_308 = arith.addf %scan3A_183, %mul3A_307 : vector<16xf32>
      %mul3A_309 = arith.mulf %gather3A_210, %gather3A_210 : vector<16xf32>
      %add3A_310 = arith.addf %add3A_302, %mul3A_309 : vector<16xf32>
      %mul3A_311 = arith.mulf %gather3A_214, %gather3A_214 : vector<16xf32>
      %add3A_312 = arith.addf %add3A_304, %mul3A_311 : vector<16xf32>
      %mul3A_313 = arith.mulf %gather3A_218, %gather3A_218 : vector<16xf32>
      %add3A_314 = arith.addf %add3A_306, %mul3A_313 : vector<16xf32>
      %mul3A_315 = arith.mulf %gather3A_222, %gather3A_222 : vector<16xf32>
      %add3A_316 = arith.addf %add3A_308, %mul3A_315 : vector<16xf32>
      %mul3A_317 = arith.mulf %gather3A_226, %gather3A_226 : vector<16xf32>
      %add3A_318 = arith.addf %add3A_310, %mul3A_317 : vector<16xf32>
      %mul3A_319 = arith.mulf %gather3A_230, %gather3A_230 : vector<16xf32>
      %add3A_320 = arith.addf %add3A_312, %mul3A_319 : vector<16xf32>
      %mul3A_321 = arith.mulf %gather3A_234, %gather3A_234 : vector<16xf32>
      %add3A_322 = arith.addf %add3A_314, %mul3A_321 : vector<16xf32>
      %mul3A_323 = arith.mulf %gather3A_238, %gather3A_238 : vector<16xf32>
      %add3A_324 = arith.addf %add3A_316, %mul3A_323 : vector<16xf32>
      %mul3A_325 = arith.mulf %gather3A_242, %gather3A_242 : vector<16xf32>
      %add3A_326 = arith.addf %add3A_318, %mul3A_325 : vector<16xf32>
      %mul3A_327 = arith.mulf %gather3A_246, %gather3A_246 : vector<16xf32>
      %add3A_328 = arith.addf %add3A_320, %mul3A_327 : vector<16xf32>
      %mul3A_329 = arith.mulf %gather3A_250, %gather3A_250 : vector<16xf32>
      %add3A_330 = arith.addf %add3A_322, %mul3A_329 : vector<16xf32>
      %mul3A_331 = arith.mulf %gather3A_254, %gather3A_254 : vector<16xf32>
      %add3A_332 = arith.addf %add3A_324, %mul3A_331 : vector<16xf32>
      scf.yield %add3A_326, %add3A_328, %add3A_330, %add3A_332 : vector<16xf32>, vector<16xf32>, vector<16xf32>, vector<16xf32>
    }
    %scan3A_172 = arith.constant 32 : i32
    %add3A_173 = arith.addf %scan3A_171#0, %scan3A_171#1 : vector<16xf32>
    %add3A_174 = arith.addf %add3A_173, %scan3A_171#2 : vector<16xf32>
    %add3A_175 = arith.addf %add3A_174, %scan3A_171#3 : vector<16xf32>
    %swap3A = arith.constant 0 : index
    %swap3A_176 = tpu.vector_load %arg11[%swap3A] {strides = array<i32>} : memref<16xf32, #tpu.memory_space<vmem>>, vector<16xf32>,
    tpu.vector_store %arg11[%swap3A], %add3A_175 {strides = array<i32>} : memref<16xf32, #tpu.memory_space<vmem>>, vector<16xf32>,
    %mul3A_177 = arith.constant 16 : i32
    %mul3A_178 = arith.muli %arg1, %mul3A_177 : i32
    "tpu.region"() ({
      %run_scoped3A_179 = tpu.sem_alloc : memref<!tpu.dma_semaphore, #tpu.memory_space<semaphore_mem>>
      %dma_start3A_180 = arith.constant 0 : i32
      %dma_start3A_181 = arith.constant 0 : i32
      %dma_start3A_182 = tpu.memref_slice %arg9[%dma_start3A_180, %dma_start3A_181] : memref<16x1025xf32, #tpu.memory_space<vmem>> -> memref<16x1024xf32, #tpu.memory_space<vmem>>
      %dma_start3A_183 = arith.constant 0 : i32
      %dma_start3A_184 = tpu.memref_slice %arg4[%arg0, %mul3A_178, %dma_start3A_183] : memref<2x256x1024xf32, #tpu.memory_space<hbm>> -> memref<1x16x1024xf32, #tpu.memory_space<hbm>>
      %dma_start3A_185 = tpu.memref_squeeze %dma_start3A_184 : memref<1x16x1024xf32, #tpu.memory_space<hbm>> -> memref<16x1024xf32, #tpu.memory_space<hbm>>
      %dma_start3A_186 = arith.constant 0 : i32
      %dma_start3A_187 = tpu.memref_slice %arg4[%arg0, %mul3A_178, %dma_start3A_186] : memref<2x256x1024xf32, #tpu.memory_space<hbm>> -> memref<1x16x1024xf32, #tpu.memory_space<hbm>>
      %dma_start3A_188 = tpu.memref_squeeze %dma_start3A_187 : memref<1x16x1024xf32, #tpu.memory_space<hbm>> -> memref<16x1024xf32, #tpu.memory_space<hbm>>
      %dma_start3A_189 = arith.constant 0 : i32
      %dma_start3A_190 = arith.constant 0 : i32
      %dma_start3A_191 = tpu.memref_slice %arg9[%dma_start3A_189, %dma_start3A_190] : memref<16x1025xf32, #tpu.memory_space<vmem>> -> memref<16x1024xf32, #tpu.memory_space<vmem>>
      tpu.enqueue_dma source(%dma_start3A_191 : memref<16x1024xf32, #tpu.memory_space<vmem>>) target(%dma_start3A_188 : memref<16x1024xf32, #tpu.memory_space<hbm>>) target_semaphore(%run_scoped3A_179 : memref<!tpu.dma_semaphore, #tpu.memory_space<semaphore_mem>>)
      %dma_wait3A_192 = arith.constant 0 : i32
      %dma_wait3A_193 = arith.constant 0 : i32
      %dma_wait3A_194 = tpu.memref_slice %arg9[%dma_wait3A_192, %dma_wait3A_193] : memref<16x1025xf32, #tpu.memory_space<vmem>> -> memref<16x1024xf32, #tpu.memory_space<vmem>>
      %dma_wait3A_195 = arith.constant 0 : i32
      %dma_wait3A_196 = tpu.memref_slice %arg4[%arg0, %mul3A_178, %dma_wait3A_195] : memref<2x256x1024xf32, #tpu.memory_space<hbm>> -> memref<1x16x1024xf32, #tpu.memory_space<hbm>>
      %dma_wait3A_197 = tpu.memref_squeeze %dma_wait3A_196 : memref<1x16x1024xf32, #tpu.memory_space<hbm>> -> memref<16x1024xf32, #tpu.memory_space<hbm>>
      %dma_wait3A_198 = arith.constant 0 : i32
      %dma_wait3A_199 = tpu.memref_slice %arg4[%arg0, %mul3A_178, %dma_wait3A_198] : memref<2x256x1024xf32, #tpu.memory_space<hbm>> -> memref<1x16x1024xf32, #tpu.memory_space<hbm>>
      %dma_wait3A_200 = tpu.memref_squeeze %dma_wait3A_199 : memref<1x16x1024xf32, #tpu.memory_space<hbm>> -> memref<16x1024xf32, #tpu.memory_space<hbm>>
      %dma_wait3A_201 = arith.constant 0 : i32
      %dma_wait3A_202 = arith.constant 0 : i32
      %dma_wait3A_203 = tpu.memref_slice %arg9[%dma_wait3A_201, %dma_wait3A_202] : memref<16x1025xf32, #tpu.memory_space<vmem>> -> memref<16x1024xf32, #tpu.memory_space<vmem>>
      tpu.wait_dma2 semaphore(%run_scoped3A_179 : memref<!tpu.dma_semaphore, #tpu.memory_space<semaphore_mem>>) src(%dma_wait3A_203 : memref<16x1024xf32, #tpu.memory_space<vmem>>) dst(%dma_wait3A_200 : memref<16x1024xf32, #tpu.memory_space<hbm>>)
      tpu.yield
    }) : () -> ()
    %run_scoped3A = arith.constant 0 : i32
    "tpu.region"() ({
      %run_scoped3A_179 = tpu.sem_alloc : memref<!tpu.dma_semaphore, #tpu.memory_space<semaphore_mem>>
      %dma_start3A_180 = arith.constant 0 : i32
      %dma_start3A_181 = tpu.memref_slice %arg10[%run_scoped3A, %dma_start3A_180] : memref<16x1025xf32, #tpu.memory_space<vmem>> -> memref<1x1024xf32, #tpu.memory_space<vmem>>
      %dma_start3A_182 = tpu.memref_squeeze %dma_start3A_181 : memref<1x1024xf32, #tpu.memory_space<vmem>> -> memref<1024xf32, #tpu.memory_space<vmem>>
      %dma_start3A_183 = arith.constant 0 : i32
      %dma_start3A_184 = tpu.memref_slice %arg5[%add3A, %dma_start3A_183] : memref<32x1024xf32, #tpu.memory_space<hbm>> -> memref<1x1024xf32, #tpu.memory_space<hbm>>
      %dma_start3A_185 = tpu.memref_squeeze %dma_start3A_184 : memref<1x1024xf32, #tpu.memory_space<hbm>> -> memref<1024xf32, #tpu.memory_space<hbm>>
      %dma_start3A_186 = arith.constant 0 : i32
      %dma_start3A_187 = tpu.memref_slice %arg5[%add3A, %dma_start3A_186] : memref<32x1024xf32, #tpu.memory_space<hbm>> -> memref<1x1024xf32, #tpu.memory_space<hbm>>
      %dma_start3A_188 = tpu.memref_squeeze %dma_start3A_187 : memref<1x1024xf32, #tpu.memory_space<hbm>> -> memref<1024xf32, #tpu.memory_space<hbm>>
      %dma_start3A_189 = arith.constant 0 : i32
      %dma_start3A_190 = tpu.memref_slice %arg10[%run_scoped3A, %dma_start3A_189] : memref<16x1025xf32, #tpu.memory_space<vmem>> -> memref<1x1024xf32, #tpu.memory_space<vmem>>
      %dma_start3A_191 = tpu.memref_squeeze %dma_start3A_190 : memref<1x1024xf32, #tpu.memory_space<vmem>> -> memref<1024xf32, #tpu.memory_space<vmem>>
      tpu.enqueue_dma source(%dma_start3A_191 : memref<1024xf32, #tpu.memory_space<vmem>>) target(%dma_start3A_188 : memref<1024xf32, #tpu.memory_space<hbm>>) target_semaphore(%run_scoped3A_179 : memref<!tpu.dma_semaphore, #tpu.memory_space<semaphore_mem>>)
      %dma_wait3A_192 = arith.constant 0 : i32
      %dma_wait3A_193 = tpu.memref_slice %arg10[%run_scoped3A, %dma_wait3A_192] : memref<16x1025xf32, #tpu.memory_space<vmem>> -> memref<1x1024xf32, #tpu.memory_space<vmem>>
      %dma_wait3A_194 = tpu.memref_squeeze %dma_wait3A_193 : memref<1x1024xf32, #tpu.memory_space<vmem>> -> memref<1024xf32, #tpu.memory_space<vmem>>
      %dma_wait3A_195 = arith.constant 0 : i32
      %dma_wait3A_196 = tpu.memref_slice %arg5[%add3A, %dma_wait3A_195] : memref<32x1024xf32, #tpu.memory_space<hbm>> -> memref<1x1024xf32, #tpu.memory_space<hbm>>
      %dma_wait3A_197 = tpu.memref_squeeze %dma_wait3A_196 : memref<1x1024xf32, #tpu.memory_space<hbm>> -> memref<1024xf32, #tpu.memory_space<hbm>>
      %dma_wait3A_198 = arith.constant 0 : i32
      %dma_wait3A_199 = tpu.memref_slice %arg5[%add3A, %dma_wait3A_198] : memref<32x1024xf32, #tpu.memory_space<hbm>> -> memref<1x1024xf32, #tpu.memory_space<hbm>>
      %dma_wait3A_200 = tpu.memref_squeeze %dma_wait3A_199 : memref<1x1024xf32, #tpu.memory_space<hbm>> -> memref<1024xf32, #tpu.memory_space<hbm>>
      %dma_wait3A_201 = arith.constant 0 : i32
      %dma_wait3A_202 = tpu.memref_slice %arg10[%run_scoped3A, %dma_wait3A_201] : memref<16x1025xf32, #tpu.memory_space<vmem>> -> memref<1x1024xf32, #tpu.memory_space<vmem>>
      %dma_wait3A_203 = tpu.memref_squeeze %dma_wait3A_202 : memref<1x1024xf32, #tpu.memory_space<vmem>> -> memref<1024xf32, #tpu.memory_space<vmem>>
      tpu.wait_dma2 semaphore(%run_scoped3A_179 : memref<!tpu.dma_semaphore, #tpu.memory_space<semaphore_mem>>) src(%dma_wait3A_203 : memref<1024xf32, #tpu.memory_space<vmem>>) dst(%dma_wait3A_200 : memref<1024xf32, #tpu.memory_space<hbm>>)
      tpu.yield
    }) : () -> ()
    "tpu.region"() ({
      %run_scoped3A_179 = tpu.sem_alloc : memref<!tpu.dma_semaphore, #tpu.memory_space<semaphore_mem>>
      %dma_start3A_180 = arith.constant 0 : i32
      %dma_start3A_181 = tpu.memref_slice %arg6[%add3A, %dma_start3A_180] : memref<32x16xf32, #tpu.memory_space<hbm>> -> memref<1x16xf32, #tpu.memory_space<hbm>>
      %dma_start3A_182 = tpu.memref_squeeze %dma_start3A_181 : memref<1x16xf32, #tpu.memory_space<hbm>> -> memref<16xf32, #tpu.memory_space<hbm>>
      %dma_start3A_183 = arith.constant 0 : i32
      %dma_start3A_184 = tpu.memref_slice %arg6[%add3A, %dma_start3A_183] : memref<32x16xf32, #tpu.memory_space<hbm>> -> memref<1x16xf32, #tpu.memory_space<hbm>>
      %dma_start3A_185 = tpu.memref_squeeze %dma_start3A_184 : memref<1x16xf32, #tpu.memory_space<hbm>> -> memref<16xf32, #tpu.memory_space<hbm>>
      tpu.enqueue_dma source(%arg11 : memref<16xf32, #tpu.memory_space<vmem>>) target(%dma_start3A_185 : memref<16xf32, #tpu.memory_space<hbm>>) target_semaphore(%run_scoped3A_179 : memref<!tpu.dma_semaphore, #tpu.memory_space<semaphore_mem>>)
      %dma_wait3A_186 = arith.constant 0 : i32
      %dma_wait3A_187 = tpu.memref_slice %arg6[%add3A, %dma_wait3A_186] : memref<32x16xf32, #tpu.memory_space<hbm>> -> memref<1x16xf32, #tpu.memory_space<hbm>>
      %dma_wait3A_188 = tpu.memref_squeeze %dma_wait3A_187 : memref<1x16xf32, #tpu.memory_space<hbm>> -> memref<16xf32, #tpu.memory_space<hbm>>
      %dma_wait3A_189 = arith.constant 0 : i32
      %dma_wait3A_190 = tpu.memref_slice %arg6[%add3A, %dma_wait3A_189] : memref<32x16xf32, #tpu.memory_space<hbm>> -> memref<1x16xf32, #tpu.memory_space<hbm>>
      %dma_wait3A_191 = tpu.memref_squeeze %dma_wait3A_190 : memref<1x16xf32, #tpu.memory_space<hbm>> -> memref<16xf32, #tpu.memory_space<hbm>>
      tpu.wait_dma2 semaphore(%run_scoped3A_179 : memref<!tpu.dma_semaphore, #tpu.memory_space<semaphore_mem>>) src(%arg11 : memref<16xf32, #tpu.memory_space<vmem>>) dst(%dma_wait3A_191 : memref<16xf32, #tpu.memory_space<hbm>>)
      tpu.yield
    }) : () -> ()
    return
  }
}

module attributes {stable_mosaic.version = 14 : i64} {
  func.func @body(%arg0: memref<2x256x1024xf32, #tpu.memory_space<vmem>>, %arg1: memref<1024x32xf32, #tpu.memory_space<vmem>>, %arg2: memref<1024x256xf32, #tpu.memory_space<vmem>>, %arg3: memref<32x16xf32, #tpu.memory_space<vmem>>, %arg4: memref<1x1xf32, #tpu.memory_space<vmem>>, %arg5: memref<1024x256xf32, #tpu.memory_space<vmem>>) attributes {dimension_semantics = [], scalar_prefetch = 0 : i64, scratch_operands = 0 : i64, tpu.core_type = #tpu.core_type<tc>} {
    %get3A = arith.constant 0 : index
    %get3A_0 = arith.constant 0 : index
    %get3A_1 = arith.constant 0 : index
    %get3A_2 = vector.load %arg0[%get3A, %get3A_0, %get3A_1] : memref<2x256x1024xf32, #tpu.memory_space<vmem>>, vector<1x256x1024xf32>
    %get3A_3 = vector.shape_cast %get3A_2 : vector<1x256x1024xf32> to vector<256x1024xf32>
    %get3A_4 = arith.constant 1 : index
    %get3A_5 = arith.constant 0 : index
    %get3A_6 = arith.constant 0 : index
    %get3A_7 = vector.load %arg0[%get3A_4, %get3A_5, %get3A_6] : memref<2x256x1024xf32, #tpu.memory_space<vmem>>, vector<1x256x1024xf32>
    %get3A_8 = vector.shape_cast %get3A_7 : vector<1x256x1024xf32> to vector<256x1024xf32>
    %add3A = arith.addf %get3A_3, %get3A_8 : vector<256x1024xf32>
    %transpose3A = tpu.transpose %add3A, [1, 0] : vector<256x1024xf32> -> vector<1024x256xf32>
    %get3A_9 = arith.constant 0 : index
    %get3A_10 = arith.constant 0 : index
    %get3A_11 = vector.load %arg1[%get3A_9, %get3A_10] : memref<1024x32xf32, #tpu.memory_space<vmem>>, vector<1024x32xf32>
    %reduce_sum3A = arith.constant dense<0.000000e+00> : vector<1024xf32>
    %reduce_sum3A_12 = vector.multi_reduction <add>, %get3A_11, %reduce_sum3A [1] : vector<1024x32xf32> to vector<1024xf32>
    %broadcast_in_dim3A = vector.shape_cast %reduce_sum3A_12 : vector<1024xf32> to vector<1024x1xf32>
    %get3A_13 = arith.constant 0 : index
    %get3A_14 = arith.constant 0 : index
    %get3A_15 = vector.load %arg2[%get3A_13, %get3A_14] : memref<1024x256xf32, #tpu.memory_space<vmem>>, vector<1024x256xf32>
    %mul3A = vector.broadcast %broadcast_in_dim3A : vector<1024x1xf32> to vector<1024x256xf32>
    %mul3A_16 = arith.mulf %mul3A, %get3A_15 : vector<1024x256xf32>
    %sub3A = arith.subf %mul3A_16, %transpose3A : vector<1024x256xf32>
    %max3A = arith.constant 1.000000e+00 : f32
    %max3A_17 = vector.broadcast %max3A : f32 to vector<1024x1xf32>
    %max3A_18 = arith.maximumf %broadcast_in_dim3A, %max3A_17 : vector<1024x1xf32>
    %div3A = vector.broadcast %max3A_18 : vector<1024x1xf32> to vector<1024x256xf32>
    %div3A_19 = arith.divf %sub3A, %div3A : vector<1024x256xf32>
    %swap3A = arith.constant 0 : index
    %swap3A_20 = arith.constant 0 : index
    %swap3A_21 = vector.load %arg5[%swap3A, %swap3A_20] : memref<1024x256xf32, #tpu.memory_space<vmem>>, vector<1024x256xf32>
    tpu.vector_store %arg5[%swap3A, %swap3A_20], %div3A_19 {strides = array<i32>} : memref<1024x256xf32, #tpu.memory_space<vmem>>, vector<1024x256xf32>,
    %get3A_22 = arith.constant 0 : index
    %get3A_23 = arith.constant 0 : index
    %get3A_24 = vector.load %arg3[%get3A_22, %get3A_23] : memref<32x16xf32, #tpu.memory_space<vmem>>, vector<32x16xf32>
    %reduce_sum3A_25 = vector.shape_cast %get3A_24 : vector<32x16xf32> to vector<1x32x16xf32>
    %reduce_sum3A_26 = arith.constant dense<0.000000e+00> : vector<1xf32>
    %reduce_sum3A_27 = vector.multi_reduction <add>, %reduce_sum3A_25, %reduce_sum3A_26 [1, 2] : vector<1x32x16xf32> to vector<1xf32>
    %reduce_sum3A_28 = vector.shape_cast %reduce_sum3A_27 : vector<1xf32> to vector<1x1x1xf32>
    %reduce_sum3A_29 = vector.extract %reduce_sum3A_28[0, 0, 0] : f32 from vector<1x1x1xf32>
    %mul3A_30 = arith.mulf %transpose3A, %get3A_15 : vector<1024x256xf32>
    %reduce_sum3A_31 = vector.shape_cast %mul3A_30 : vector<1024x256xf32> to vector<1x1024x256xf32>
    %reduce_sum3A_32 = arith.constant dense<0.000000e+00> : vector<1xf32>
    %reduce_sum3A_33 = vector.multi_reduction <add>, %reduce_sum3A_31, %reduce_sum3A_32 [1, 2] : vector<1x1024x256xf32> to vector<1xf32>
    %reduce_sum3A_34 = vector.shape_cast %reduce_sum3A_33 : vector<1xf32> to vector<1x1x1xf32>
    %reduce_sum3A_35 = vector.extract %reduce_sum3A_34[0, 0, 0] : f32 from vector<1x1x1xf32>
    %mul3A_36 = arith.mulf %get3A_15, %get3A_15 : vector<1024x256xf32>
    %mul3A_37 = vector.broadcast %broadcast_in_dim3A : vector<1024x1xf32> to vector<1024x256xf32>
    %mul3A_38 = arith.mulf %mul3A_37, %mul3A_36 : vector<1024x256xf32>
    %reduce_sum3A_39 = vector.shape_cast %mul3A_38 : vector<1024x256xf32> to vector<1x1024x256xf32>
    %reduce_sum3A_40 = arith.constant dense<0.000000e+00> : vector<1xf32>
    %reduce_sum3A_41 = vector.multi_reduction <add>, %reduce_sum3A_39, %reduce_sum3A_40 [1, 2] : vector<1x1024x256xf32> to vector<1xf32>
    %reduce_sum3A_42 = vector.shape_cast %reduce_sum3A_41 : vector<1xf32> to vector<1x1x1xf32>
    %reduce_sum3A_43 = vector.extract %reduce_sum3A_42[0, 0, 0] : f32 from vector<1x1x1xf32>
    %mul3A_44 = arith.constant 2.000000e+00 : f32
    %mul3A_45 = arith.mulf %mul3A_44, %reduce_sum3A_35 : f32
    %sub3A_46 = arith.subf %reduce_sum3A_29, %mul3A_45 : f32
    %add3A_47 = arith.addf %sub3A_46, %reduce_sum3A_43 : f32
    %div3A_48 = arith.constant 0x49800000 : f32
    %div3A_49 = arith.divf %add3A_47, %div3A_48 : f32
    %broadcast_in_dim3A_50 = vector.broadcast %div3A_49 : f32 to vector<1x1xf32>
    %swap3A_51 = arith.constant 0 : index
    %swap3A_52 = arith.constant 0 : index
    %swap3A_53 = vector.load %arg4[%swap3A_51, %swap3A_52] : memref<1x1xf32, #tpu.memory_space<vmem>>, vector<1x1xf32>
    tpu.vector_store %arg4[%swap3A_51, %swap3A_52], %broadcast_in_dim3A_50 {strides = array<i32>} : memref<1x1xf32, #tpu.memory_space<vmem>>, vector<1x1xf32>,
    return
  }
}

</mosaic_0001>

<sc_bundles>
// kernel: kernel.4.cloned.1.call-start
scs
__scs_entry_jumppad:
0x0: {  	(pc) =	sbr.rel $0x88, $3  }
0x1: {  	(tag) =	ssettag $0x0;
	lr =	simm.s32 $0x1  }
0x2: {  	[smem:$0x3F9E] =	sst lr;
	_ =	strace $0xD0000000  }
0x3: {  	_ = 	snop  }
0x4: {  	_ = 	snop  }
0x5: {  	_ = 	snop  }
0x6: {  	_ = 	snop  }
0x7: {  	_ = 	snop  }
__scs_overlays_trampoline_lowered:
0x8: {  	[smem:$0x3FAD] =	sst s0  }
0x9: {  	[smem:$0x3FAE] =	sst s1  }
0xa: {  	[smem:$0x3FAF] =	sst s2  }
0xb: {  	[smem:$0x3FB0] =	sst s3  }
0xc: {  	[smem:$0x3FB1] =	sst s4  }
0xd: {  	[smem:$0x3FB2] =	sst s5  }
0xe: {  	[smem:$0x3FB3] =	sst s6  }
0xf: {  	[smem:$0x3FB4] =	sst s7  }
0x10: {  	[smem:$0x3FB5] =	sst s8  }
0x11: {  	[smem:$0x3FB6] =	sst s9;
	s0 =	simm.s32 @!p0 $0x0  }
0x12: {  	s1 =	sld [smem:$0x3F9C];
	s0 =	simm.s32 @p0 $0x1  }
0x13: {  	[smem:$0x3FB7] =	sst s0;
	s0 =	simm.s32 @!p1 $0x0  }
0x14: {  	s2 =	sld [smem:$0x3F9B];
	s0 =	simm.s32 @p1 $0x1  }
0x15: {  	[smem:$0x3FB8] =	sst s0;
	s0 =	simm.s32 @!p2 $0x0  }
0x16: {  	s3 =	sld [smem:$0x3FDB];
	s0 =	simm.s32 @p2 $0x1  }
0x17: {  	s4 =	simm.s32 $0x1BF5;
	[smem:$0x3FBA] =	sst s0  }
0x18: {  	s0 =	sld [smem:$0x3F9D];
	_ =	swait.ge [sflag:s4], $0x0  }
0x19: {  	s7 =	sld [smem:$0x3F9E]  }
0x1a: {  	s8 =	sadd.s32 $0xFFFFE003, lr  }
0x1b: {  	s9 =	sadd.s32 $0xFFFFFEF7, lr;
	s5 =	simm.s32 $0xFFFFFFFF;
	p2 =	slt.u32 s8, $0xFFFFF086  }
0x1c: {  	p1 =	slt.u32 s9, $0xF7A;
	s5 =	simm.s32 @!p2 $0x0  }
0x1d: {  	s5 =	simm.s32 @p1 $0x1;
	p0 =	seq.s32 s7, s2  }
0x1e: {  	s7 =	smul.u32 @!p0 $0xF7A, s2;
	p2 =	seq.s32 @!p0 s5, $0x0  }
0x1f: {  	s9 =	smul.u32 $0xF7A, s1;
	s8 =	simm.s32 @!p0 $0x1BF5;
	p2 =	por !p2, p0  }
0x20: {  	[sflag:s8] =	ssyncset.s32 @!p0 $0xFFFFF086;
	s6 =	sadd.s32 @!p0 s3, s7;
	s7 =	simm.s32 @!p0 $0x108  }
0x21: {  	s3 =	sadd.s32 s3, s9;
	s6 =	sadd.s32 @!p0 $0x88, s6;
	s7 =	simm.s32 @p2 $0x1082  }
0x22: {  	[simem:s7], [sflag:s8] =	dma.local @!p0 [hbm:s6], $0xF7A  }
0x23: {  	s9 =	sor.u32 $0xD0000000, s2;
	s6 =	simm.s32 $0x108;
	_ =	swait.ge @!p0 [sflag:s8], $0x0  }
0x24: {  	s3 =	sadd.s32 $0x88, s3;
	s6 =	simm.s32 @!p1 $0x1082;
	[sflag:s4] =	ssyncset.s32 $0xFFFFF086  }
0x25: {  	[simem:s6], [sflag:s4] =	dma.local [hbm:s3], $0xF7A  }
0x26: {  	[smem:$0x3F9E] =	sst s1;
	(tag) =	ssettag s2;
	_ =	strace s9  }
0x27: {  	s1 =	sld [smem:$0x3FAE]  }
0x28: {  	s2 =	sld [smem:$0x3FAF]  }
0x29: {  	s4 =	sld [smem:$0x3FB1]  }
0x2a: {  	p0 =	seq.s32 s5, $0x0;
	s5 =	sld [smem:$0x3FB2]  }
0x2b: {  	s6 =	sld [smem:$0x3FB3]  }
0x2c: {  	s7 =	sld [smem:$0x3FB4]  }
0x2d: {  	s3 =	simm.s32 $0x108;
	s8 =	sld [smem:$0x3FB5]  }
0x2e: {  	s3 =	simm.s32 @!p0 $0x1082;
	s9 =	sld [smem:$0x3FB6]  }
0x2f: {  	lr =	sadd.s32 s0, s3;
	s0 =	sld [smem:$0x3FAD]  }
0x30: {  	s3 =	sld [smem:$0x3FB0]  }
0x31: {  	[smem:$0x3FB9] =	sst s10  }
0x32: {  	s10 =	sld [smem:$0x3FB7];
	_ =	sdelay $0x3  }
0x33: {  	p0 =	seq.s32 s10, $0x1;
	s10 =	sld [smem:$0x3FB9];
	_ =	sdelay $0x3  }
0x34: {  	[smem:$0x3FB9] =	sst s10  }
0x35: {  	s10 =	sld [smem:$0x3FB8];
	_ =	sdelay $0x3  }
0x36: {  	p1 =	seq.s32 s10, $0x1;
	s10 =	sld [smem:$0x3FB9];
	_ =	sdelay $0x3  }
0x37: {  	[smem:$0x3FB9] =	sst s10  }
0x38: {  	s10 =	sld [smem:$0x3FBA]  }
0x39: {  	_ = 	snop;
	(pc) =	sbr.ind lr, $3  }
0x3a: {  	_ = 	snop  }
0x3b: {  	_ = 	snop  }
0x3c: {  	p2 =	seq.s32 s10, $0x1;
	s10 =	sld [smem:$0x3FB9]  }
0x3d: {  	_ =	shalt  }
0x3e: {  	_ =	shalt  }
0x3f: {  	_ =	shalt  }
0x40: {  	_ =	shalt  }
0x41: {  	_ =	shalt  }
0x42: {  	_ =	shalt  }
0x43: {  	_ =	shalt  }
0x44: {  	_ =	shalt  }
0x45: {  	_ =	shalt  }
0x46: {  	_ =	shalt  }
0x47: {  	_ =	shalt  }
0x48: {  	_ =	shalt  }
0x49: {  	_ =	shalt  }
0x4a: {  	_ =	shalt  }
0x4b: {  	_ =	shalt  }
0x4c: {  	_ =	shalt  }
0x4d: {  	_ =	shalt  }
0x4e: {  	_ =	shalt  }
0x4f: {  	_ =	shalt  }
0x50: {  	_ =	shalt  }
0x51: {  	_ =	shalt  }
0x52: {  	_ =	shalt  }
0x53: {  	_ =	shalt  }
0x54: {  	_ =	shalt  }
0x55: {  	_ =	shalt  }
0x56: {  	_ =	shalt  }
0x57: {  	_ =	shalt  }
0x58: {  	_ =	shalt  }
0x59: {  	_ =	shalt  }
0x5a: {  	_ =	shalt  }
0x5b: {  	_ =	shalt  }
0x5c: {  	_ =	shalt  }
0x5d: {  	_ =	shalt  }
0x5e: {  	_ =	shalt  }
0x5f: {  	_ =	shalt  }
0x60: {  	_ =	shalt  }
0x61: {  	_ =	shalt  }
0x62: {  	_ =	shalt  }
0x63: {  	_ =	shalt  }
0x64: {  	_ =	shalt  }
0x65: {  	_ =	shalt  }
0x66: {  	_ =	shalt  }
0x67: {  	_ =	shalt  }
0x68: {  	_ =	shalt  }
0x69: {  	_ =	shalt  }
0x6a: {  	_ =	shalt  }
0x6b: {  	_ =	shalt  }
0x6c: {  	_ =	shalt  }
0x6d: {  	_ =	shalt  }
0x6e: {  	_ =	shalt  }
0x6f: {  	_ =	shalt  }
0x70: {  	_ =	shalt  }
0x71: {  	_ =	shalt  }
0x72: {  	_ =	shalt  }
0x73: {  	_ =	shalt  }
0x74: {  	_ =	shalt  }
0x75: {  	_ =	shalt  }
0x76: {  	_ =	shalt  }
0x77: {  	_ =	shalt  }
0x78: {  	_ =	shalt  }
0x79: {  	_ =	shalt  }
0x7a: {  	_ =	shalt  }
0x7b: {  	_ =	shalt  }
0x7c: {  	_ =	shalt  }
0x7d: {  	_ =	shalt  }
0x7e: {  	_ =	shalt  }
0x7f: {  	_ =	shalt  }
0x80: {  	_ =	shalt  }
0x81: {  	_ =	shalt  }
0x82: {  	_ =	shalt  }
0x83: {  	_ =	shalt  }
0x84: {  	_ =	shalt  }
0x85: {  	_ =	shalt  }
0x86: {  	_ =	shalt  }
0x87: {  	_ =	shalt  }
.Lfunc_end0:
.L_simem_size_0:
called_computation_lowered:
.L_overlay_start_0:
0x88: {  	s2 =	sld [smem:$0x3FD9]  }
0x89: {  	s3 =	sld [smem:$0x3FFE];
	_ =	sdelay $0x1  }
0x8a: {  	s1 =	srdreg.scid  }
0x8b: {  	s0 =	sand.u32 $0x1, s1  }
0x8c: {  	s14 =	sshll.u32 s0, $0xA;
	s2 =	sadd.s32 s3, s2  }
0x8d: {  	s2 =	sadd.s32 s2, s14  }
0x8e: {  	[smem:$0x3FC5] =	sst s2  }
0x8f: {  	_ = 	snop  }
0x90: {  	s2 =	sld [smem:$0x3FD0];
	_ =	sdelay $0x2  }
0x91: {  	s15 =	simm.s32 $0xA;
	s4 =	simm.s32 $0x10  }
0x92: {  	[smem:s4], [sflag:s15] =	dma.local [hbm:s2], $0x1  }
0x93: {  	_ =	swait.eq [sflag:s15], $0x1  }
0x94: {  	[sflag:s15] =	ssyncset.done $0x0  }
0x95: {  	[sflag:s15] =	ssyncadd.s32 $0xFFFFFFFF  }
0x96: {  	s16 =	sld [smem:$0x11];
	(tm) =	ssettm $0x1  }
0x97: {  	s17 =	sld [smem:$0x3FFB];
	_ =	sdelay $0x3  }
0x98: {  	_ =	strace s17  }
0x99: {  	s3 =	sld [smem:$0x3FFC];
	_ =	sdelay $0x3  }
0x9a: {  	_ =	strace s3  }
0x9b: {  	s3 =	sld [smem:$0x3FFD];
	_ =	sdelay $0x3  }
0x9c: {  	_ =	strace s3  }
0x9d: {  	_ =	strace $0x8FFFFFFF  }
0x9e: {  	s18 =	sld [smem:$0x3FDB];
	_ =	sdelay $0x1  }
0x9f: {  	s19 =	simm.s32 $_scs_section_size  }
0xa0: {  	s5 =	simm.s32 $_size__tile_overlayer_lowered;
	s6 =	simm.s32 $_tile_overlayer_lowered  }
0xa1: {  	s22 =	simm.s32 $0x1BFF;
	s21 =	sshll.u32 s6, $0x1;
	s3 =	sadd.s32 s19, s18  }
0xa2: {  	s7 =	simm.s32 $0x0;
	s20 =	sshll.u32 s5, $0x1;
	s5 =	sadd.s32 s21, s3  }
0xa3: {  	[timem:s7], [sflag:s22] =	dma.local [hbm:s5], s20  }
0xa4: {  	_ =	swait.ge [sflag:s22], s20  }
0xa5: {  	s4 =	ssub.s32 $0x0, s20;
	[sflag:s22] =	ssyncset.done $0x0  }
0xa6: {  	[sflag:s22] =	ssyncadd.s32 s4;
	_ =	sdelay $0x1  }
0xa7: {  	s23 =	simm.s32 $0x1B8B  }
0xa8: {  	_ =	swait.ge [sflag:s23], $0x1  }
0xa9: {  	[sflag:s23] =	ssyncset.done $0x0  }
0xaa: {  	s25 =	simm.s32 $0x1B8E;
	s24 =	sld [smem:$0x3FFE];
	[sflag:s23] =	ssyncadd.s32 $0xFFFFFFFF  }
0xab: {  	s26 =	simm.s32 $execute0_lowered;
	[smem:$0x3FD2] =	sst s25  }
0xac: {  	s5 =	sshll.u32 s26, $0x1;
	_ =	strace $0x80000046;
	[dreg:$0x1] =	wrdreg $0xFFFFFFFF  }
0xad: {  	s28 =	simm.s32 $_size_execute0_lowered;
	s3 =	sadd.s32 s3, s5;
	[dreg:$0x0] =	wrdreg $0x0  }
0xae: {  	s5 =	sshll.u32 s28, $0x1;
	[dreg:$0x2] =	wrdreg s3  }
0xaf: {  	[dreg:$0x3] =	wrdreg s5  }
0xb0: {  	[dreg:$0x4] =	wrdreg $0xC0  }
0xb1: {  	_ =	task [dreg:s7], $0x5FFFF  }
0xb2: {  	[dreg:$0x1] =	wrdreg $0xFFFFFFFF  }
0xb3: {  	[dreg:$0x0] =	wrdreg $0x60  }
0xb4: {  	[dreg:$0x2] =	wrdreg s24  }
0xb5: {  	[dreg:$0x3] =	wrdreg s16  }
0xb6: {  	[dreg:$0x4] =	wrdreg $0x9  }
0xb7: {  	_ =	task.clear_ibuf [dreg:s7], $0x5FFFF;
	_ =	strace $0x90000046  }
0xb8: {  	s29 =	simm.s32 $0x9;
	_ =	strace $0x80000048  }
0xb9: {  	_ =	swait.ge [sflag:s29], $0x1  }
0xba: {  	[sflag:s29] =	ssyncadd.s32 $0xFFFFFFFF  }
0xbb: {  	_ =	strace $0x90000048  }
0xbc: {  	_ =	sfence  }
0xbd: {  	s30 =	sld [smem:$0x0];
	_ =	sdelay $0x2  }
0xbe: {  	s31 =	sshll.u32 s1, $0xD;
	s1 =	sshrl.u32 s1, $0x2  }
0xbf: {  	s3 =	sand.u32 $0x4000, s31;
	s1 =	sadd.s32 s1, s30  }
0xc0: {  	s0 =	sor.u32 s3, s0;
	s1 =	sshll.u32 s1, $0x11  }
0xc1: {  	s0 =	sor.u32 s1, s0  }
0xc2: {  	s0 =	sadd.s32 $0x8F2B, s0  }
0xc3: {  	[sflag:s0] =	ssyncadd.remote.s32 $0x1  }
0xc4: {  	_ =	sfence.sel $0xFFFF  }
0xc5: {  	[dreg:$0x0] =	wrdreg $0xFFFFFFFF;
	(pc) =	sbr.abs _section_cstart, $3  }
0xc6: {  	[dreg:$0x1] =	wrdreg $0xFFFFFFFF  }
0xc7: {  	_ =	task.clear_ibuf [dreg:s7], $0x2FFFF;
	_ =	strace $0x9FFFFFFF  }
0xc8: {  	(tm) =	ssettm $0x7FFFFFFF  }
0xc9: {  	_ =	shalt  }
tec
execute0_lowered:
.L_overlay_start_1:
0x0: {  	(tag) =	ssettag $0x1  }
0x1: {  	s0 =	rddreg [dreg:$0x0]  }
0x2: {  	s1 =	rddreg [dreg:$0x1];
	s3 =	srdreg.scid  }
0x3: {  	s2 =	simm.s32 $0x0;
	s14 =	stileid.u32;
	s3 =	sand.u32 $0x1, s3  }
0x4: {  	[smem:$0x7FF] =	sst s2;
	s5 =	sshll.u32 s14, $0xA;
	s20 =	sshll.u32 s14, $0x1  }
0x5: {  	s7 =	sshll.u32 s14, $0xB;
	s4 =	sshll.u32 s3, $0x10;
	_ =	strace $0x80000047  }
0x6: {  	s19 =	sshll.u32 s3, $0x8;
	s6 =	ssub.s32 $0x2, s3;
	s4 =	sor.u32 s5, s4  }
0x7: {  	s7 =	sadd.s32 s7, s0;
	s13 =	sadd.s32 s4, s0;
	s4 =	sadd.s32 s19, s0  }
0x8: {  	s5 =	sor.u32 s3, s20;
	s9 =	sshrl.u32 s6, $0x1;
	s4 =	sadd.s32 $0x1000, s4  }
0x9: {  	s3 =	sshll.u32 s3, $0xF;
	s21 =	sadd.s32 $0x1200, s13;
	[dreg:$0x3] =	wrdreg s4  }
0xa: {  	s8 =	sshll.u32 s5, $0x1;
	s22 =	sadd.s32 $0x5200, s13;
	[dreg:$0x4] =	wrdreg s21  }
0xb: {  	s6 =	ssub.s32 s6, s9;
	s23 =	sadd.s32 $0x9200, s13;
	[dreg:$0x5] =	wrdreg s22  }
0xc: {  	v0 =	vlaneseq.u32;
	s25 =	sshll.u32 s5, $0x7;
	s24 =	sadd.s32 $0xD200, s13;
	[dreg:$0x6] =	wrdreg s23  }
0xd: {  	v40 =	vmul.u32 $0x208, v0;
	s3 =	sadd.s32 s3, s7;
	s1 =	sadd.s32 s1, s25;
	[dreg:$0x7] =	wrdreg s24  }
0xe: {  	s0 =	sadd.s32 s8, s0;
	s26 =	smax.u32 s6, $0x1;
	[dreg:$0x8] =	wrdreg s1  }
0xf: {  	v1 =	vadd.s32 $0x2085, v40;
	[tilespmem:$0x1FE00] =	vst v40;
	s8 =	sadd.s32 $0x21200, s3;
	s3 =	sadd.s32 $0x1280, s13;
	[dreg:$0xa] =	wrdreg s26  }
0x10: {  	v6 =	vadd.s32 $0x4100, v40;
	[tilespmem:$0x1FCF0] =	vst v1;
	s5 =	sadd.s32 $0x1300, s13;
	[dreg:$0xc] =	wrdreg s3  }
0x11: {  	v41 =	vor.u32 $0x1, v40;
	[tilespmem:$0x1FD00] =	vst v6;
	s6 =	sadd.s32 $0x1340, s13;
	[dreg:$0xe] =	wrdreg s5  }
0x12: {  	v42 =	vor.u32 $0x2, v40;
	[tilespmem:$0x1FE20] =	vst v41;
	s7 =	sadd.s32 $0x1380, s13;
	[dreg:$0xf] =	wrdreg s6  }
0x13: {  	v34 =	vor.u32 $0x3, v40;
	[tilespmem:$0x1FE30] =	vst v42;
	s9 =	sadd.s32 $0x13C0, s13;
	[dreg:$0x10] =	wrdreg s7  }
0x14: {  	v35 =	vor.u32 $0x4, v40;
	[tilespmem:$0x1FE40] =	vst v34;
	s10 =	sadd.s32 $0x1400, s13;
	[dreg:$0x11] =	wrdreg s9  }
0x15: {  	v36 =	vor.u32 $0x5, v40;
	[tilespmem:$0x1FE50] =	vst v35;
	s11 =	sadd.s32 $0x1440, s13;
	[dreg:$0x12] =	wrdreg s10  }
0x16: {  	v37 =	vor.u32 $0x6, v40;
	[tilespmem:$0x1FE60] =	vst v36;
	s12 =	sadd.s32 $0x1480, s13;
	[dreg:$0x13] =	wrdreg s11  }
0x17: {  	v38 =	vor.u32 $0x7, v40;
	[tilespmem:$0x1FE70] =	vst v37;
	s15 =	sadd.s32 $0x14C0, s13;
	[dreg:$0x14] =	wrdreg s12  }
0x18: {  	v39 =	vadd.s32 $0x8, v40;
	[tilespmem:$0x1FE80] =	vst v38;
	s16 =	sadd.s32 $0x1500, s13;
	[dreg:$0x15] =	wrdreg s15  }
0x19: {  	v33 =	vadd.s32 $0x9, v40;
	[tilespmem:$0x1FE90] =	vst v39;
	s17 =	sadd.s32 $0x1540, s13;
	[dreg:$0x16] =	wrdreg s16  }
0x1a: {  	v32 =	vadd.s32 $0xA, v40;
	[tilespmem:$0x1FEA0] =	vst v33;
	s18 =	sadd.s32 $0x1580, s13;
	[dreg:$0x17] =	wrdreg s17  }
0x1b: {  	v43 =	vadd.s32 $0xB, v40;
	[tilespmem:$0x1FEB0] =	vst v32;
	s19 =	sadd.s32 $0x15C0, s13;
	[dreg:$0x18] =	wrdreg s18  }
0x1c: {  	v44 =	vadd.s32 $0xC, v40;
	[tilespmem:$0x1FEC0] =	vst v43;
	s20 =	sadd.s32 $0x5240, s13;
	[dreg:$0x19] =	wrdreg s19  }
0x1d: {  	v45 =	vadd.s32 $0xD, v40;
	[tilespmem:$0x1FED0] =	vst v44;
	s25 =	sadd.s32 $0x5380, s13;
	[dreg:$0x1a] =	wrdreg s20  }
0x1e: {  	v46 =	vadd.s32 $0xE, v40;
	[tilespmem:$0x1FEE0] =	vst v45;
	s0 =	sadd.s32 $0x31200, s0;
	[dreg:$0x1f] =	wrdreg s25  }
0x1f: {  	v47 =	vadd.s32 $0xF, v40;
	[tilespmem:$0x1FEF0] =	vst v46;
	s1 =	sadd.s32 $0x1240, s13;
	[dreg:$0x9] =	wrdreg s0  }
0x20: {  	v48 =	vadd.s32 $0x2080, v40;
	[tilespmem:$0x1FF00] =	vst v47;
	s4 =	sadd.s32 $0x12C0, s13;
	[dreg:$0xb] =	wrdreg s1  }
0x21: {  	v49 =	vadd.s32 $0x2081, v40;
	[tilespmem:$0x1FF10] =	vst v48;
	s21 =	sadd.s32 $0x5280, s13;
	[dreg:$0xd] =	wrdreg s4  }
0x22: {  	v50 =	vadd.s32 $0x2082, v40;
	[tilespmem:$0x1FF20] =	vst v49;
	s22 =	sadd.s32 $0x52C0, s13;
	[dreg:$0x1b] =	wrdreg s21  }
0x23: {  	v63 =	vadd.s32 $0x2083, v40;
	[tilespmem:$0x1FF30] =	vst v50;
	s23 =	sadd.s32 $0x5300, s13;
	[dreg:$0x1c] =	wrdreg s22  }
0x24: {  	v3 =	vmul.u32 $0x408, v0;
	v0 =	vadd.s32 $0x2084, v40;
	[tilespmem:$0x1FF40] =	vst v63;
	s24 =	sadd.s32 $0x5340, s13;
	[dreg:$0x1d] =	wrdreg s23  }
0x25: {  	v5 =	vadd.s32 $0x2087, v40;
	[tilespmem:$0x1FF50] =	vst v0;
	s26 =	sadd.s32 $0x53C0, s13;
	[dreg:$0x1e] =	wrdreg s24  }
0x26: {  	v7 =	vadd.s32 $0x2088, v40;
	[tilespmem:$0x1FF70] =	vst v5;
	s3 =	sadd.s32 $0x5440, s13;
	[smem:$0x7E7] =	sst s26  }
0x27: {  	v8 =	vadd.s32 $0x2089, v40;
	[tilespmem:$0x1FF80] =	vst v7;
	s5 =	sadd.s32 $0x54C0, s13;
	[smem:$0x7E9] =	sst s3  }
0x28: {  	v9 =	vadd.s32 $0x208A, v40;
	[tilespmem:$0x1FF90] =	vst v8;
	s6 =	sadd.s32 $0x5500, s13;
	[smem:$0x7EB] =	sst s5  }
0x29: {  	v10 =	vadd.s32 $0x208B, v40;
	[tilespmem:$0x1FFA0] =	vst v9;
	s7 =	sadd.s32 $0x5540, s13;
	[smem:$0x7EC] =	sst s6  }
0x2a: {  	v11 =	vadd.s32 $0x208C, v40;
	[tilespmem:$0x1FFB0] =	vst v10;
	s9 =	sadd.s32 $0x5580, s13;
	[smem:$0x7ED] =	sst s7  }
0x2b: {  	v51 =	vadd.s32 $0x208D, v40;
	[tilespmem:$0x1FFC0] =	vst v11;
	s10 =	sadd.s32 $0x55C0, s13;
	[smem:$0x7EE] =	sst s9  }
0x2c: {  	v13 =	vadd.s32 $0x208E, v40;
	[tilespmem:$0x1FFD0] =	vst v51;
	s28 =	sadd.s32 $0x95C0, s13;
	s11 =	sadd.s32 $0x9240, s13;
	[smem:$0x7EF] =	sst s10  }
0x2d: {  	v12 =	vadd.s32 $0x208F, v40;
	[tilespmem:$0x1FFE0] =	vst v13;
	s29 =	sadd.s32 $0xD240, s13;
	s12 =	sadd.s32 $0x9280, s13;
	[smem:$0x7F0] =	sst s11  }
0x2e: {  	v6 =	vadd.s32 $0x4101, v40;
	[tilespmem:$0x1FFF0] =	vst v12;
	s30 =	sadd.s32 $0xD280, s13;
	s15 =	sadd.s32 $0x92C0, s13;
	[smem:$0x7F1] =	sst s12  }
0x2f: {  	v1 =	vadd.s32 $0x2086, v40;
	s31 =	sadd.s32 $0xD2C0, s13;
	[tilespmem:$0x1FD10] =	vst v6;
	s16 =	sadd.s32 $0x9300, s13;
	[smem:$0x7F2] =	sst s15  }
0x30: {  	v6 =	vadd.s32 $0x4102, v40;
	[tilespmem:$0x1FF60] =	vst v1;
	s17 =	sadd.s32 $0x9340, s13;
	s18 =	sadd.s32 $0x9380, s13;
	[smem:$0x7F3] =	sst s16  }
0x31: {  	s19 =	sadd.s32 $0x93C0, s13;
	s20 =	sadd.s32 $0x9400, s13;
	[tilespmem:$0x1FD20] =	vst v6;
	v6 =	vadd.s32 $0x4103, v40;
	[smem:$0x7F4] =	sst s17  }
0x32: {  	s25 =	sadd.s32 $0x9540, s13;
	s1 =	sadd.s32 $0x5400, s13;
	[smem:$0x7F5] =	sst s18;
	[tilespmem:$0x1FD30] =	vst v6;
	v6 =	vadd.s32 $0x4104, v40  }
0x33: {  	s4 =	sadd.s32 $0x5480, s13;
	[smem:$0x7F6] =	sst s19;
	s15 =	sshll.u32 s14, $0x7;
	[tilespmem:$0x1FD40] =	vst v6;
	v6 =	vadd.s32 $0x4105, v40  }
0x34: {  	[smem:$0x7F7] =	sst s20;
	s21 =	sadd.s32 $0x9440, s13;
	s22 =	sadd.s32 $0x9480, s13;
	v19 =	vmov s15;
	[tilespmem:$0x1FD50] =	vst v6  }
0x35: {  	s23 =	sadd.s32 $0x94C0, s13;
	s24 =	sadd.s32 $0x9500, s13;
	[smem:$0x7FC] =	sst s25;
	v6 =	vadd.s32 $0x4106, v40;
	[tilespmem:$0x1FE10] =	vst v19  }
0x36: {  	s26 =	sadd.s32 $0x9580, s13;
	s0 =	sadd.s32 $0xD300, s13;
	s3 =	sadd.s32 $0xD380, s13;
	[tilespmem:$0x1FD60] =	vst v6;
	v6 =	vadd.s32 $0x4107, v40  }
0x37: {  	s5 =	sadd.s32 $0xD400, s13;
	s6 =	sadd.s32 $0xD440, s13;
	[smem:$0x7E8] =	sst s1;
	[tilespmem:$0x1FD70] =	vst v6;
	v6 =	vadd.s32 $0x4108, v40  }
0x38: {  	s7 =	sadd.s32 $0xD480, s13;
	s9 =	sadd.s32 $0xD4C0, s13;
	[smem:$0x7EA] =	sst s4;
	[tilespmem:$0x1FD80] =	vst v6;
	v6 =	vadd.s32 $0x4109, v40  }
0x39: {  	s10 =	sadd.s32 $0xD500, s13;
	s11 =	sadd.s32 $0xD540, s13;
	[smem:$0x7F8] =	sst s21;
	[tilespmem:$0x1FD90] =	vst v6;
	v6 =	vadd.s32 $0x410A, v40  }
0x3a: {  	s12 =	sadd.s32 $0xD580, s13;
	s14 =	simm.s32 $0x800;
	[smem:$0x7F9] =	sst s22;
	[tilespmem:$0x1FDA0] =	vst v6;
	v6 =	vadd.s32 $0x410B, v40  }
0x3b: {  	s16 =	simm.s32 $0xCA80;
	s17 =	simm.s32 $0x2;
	[smem:$0x7FA] =	sst s23;
	[tilespmem:$0x1FDB0] =	vst v6;
	v6 =	vadd.s32 $0x410C, v40  }
0x3c: {  	s18 =	simm.s32 $0x8A00;
	s19 =	simm.s32 $0x3;
	[smem:$0x7FB] =	sst s24;
	[tilespmem:$0x1FDC0] =	vst v6;
	v6 =	vadd.s32 $0x410D, v40  }
0x3d: {  	s20 =	simm.s32 $0x4;
	[smem:$0x7FD] =	sst s26;
	s1 =	sadd.s32 $0xD340, s13;
	[tilespmem:$0x1FDD0] =	vst v6;
	v6 =	vadd.s32 $0x410E, v40  }
0x3e: {  	s4 =	sadd.s32 $0xD3C0, s13;
	s13 =	sadd.s32 $0xD5C0, s13;
	s15 =	simm.s32 $0x1;
	[tilespmem:$0x1FDE0] =	vst v6;
	v6 =	vadd.s32 $0x410F, v40  }
0x3f: {  	v2 =	vimm.f32 $0.0e+00;
	v4 =	vimm.f32 $1.000000000e+00;
	s21 =	simm.s32 $0x5;
	s22 =	simm.s32 $0x6;
	s23 =	simm.s32 $0x0;
	[tilespmem:$0x1FDF0] =	vst v6  }
.LBB2_1:
0x40: {  	s24 =	rddreg [dreg:$0x3]  }
0x41: {  	[tilespmem:s2], [sflag:$0x1] =	stream.linear.gather [hbm4b:s24+s2], $0x800, $0x38;
	[tilespmem:$0x10B10] =	vst v63  }
0x42: {  	s25 =	rddreg [dreg:$0x4]  }
0x43: {  	[tilespmem:s14], [sflag:$0x2] =	stream.linear.gather [hbm4b:s25+s2], $0x200, $0x38;
	[tilespmem:$0x10B10] =	vst v63  }
0x44: {  	s26 =	rddreg [dreg:$0xb];
	s25 =	simm.s32 $0xA08  }
0x45: {  	[tilespmem:s25], [sflag:$0x2] =	stream.linear.gather [hbm4b:s26+s2], $0x200, $0x38;
	[tilespmem:$0x10B10] =	vst v63  }
0x46: {  	s25 =	rddreg [dreg:$0xc];
	s26 =	simm.s32 $0xC10  }
0x47: {  	[tilespmem:s26], [sflag:$0x2] =	stream.linear.gather [hbm4b:s25+s2], $0x200, $0x38;
	[tilespmem:$0x10B10] =	vst v63  }
0x48: {  	s25 =	rddreg [dreg:$0xd];
	s26 =	simm.s32 $0xE18  }
0x49: {  	[tilespmem:s26], [sflag:$0x2] =	stream.linear.gather [hbm4b:s25+s2], $0x200, $0x38;
	[tilespmem:$0x10B10] =	vst v63  }
0x4a: {  	s25 =	rddreg [dreg:$0xe];
	s26 =	simm.s32 $0x1020  }
0x4b: {  	[tilespmem:s26], [sflag:$0x2] =	stream.linear.gather [hbm4b:s25+s2], $0x200, $0x38;
	[tilespmem:$0x10B10] =	vst v63  }
0x4c: {  	s25 =	rddreg [dreg:$0xf];
	s26 =	simm.s32 $0x1228  }
0x4d: {  	[tilespmem:s26], [sflag:$0x2] =	stream.linear.gather [hbm4b:s25+s2], $0x200, $0x38;
	[tilespmem:$0x10B10] =	vst v63  }
0x4e: {  	s25 =	rddreg [dreg:$0x10];
	s26 =	simm.s32 $0x1430  }
0x4f: {  	[tilespmem:s26], [sflag:$0x2] =	stream.linear.gather [hbm4b:s25+s2], $0x200, $0x38;
	[tilespmem:$0x10B10] =	vst v63  }
0x50: {  	s25 =	rddreg [dreg:$0x11];
	s26 =	simm.s32 $0x1638  }
0x51: {  	[tilespmem:s26], [sflag:$0x2] =	stream.linear.gather [hbm4b:s25+s2], $0x200, $0x38;
	[tilespmem:$0x10B10] =	vst v63  }
0x52: {  	s25 =	rddreg [dreg:$0x12];
	s26 =	simm.s32 $0x1840  }
0x53: {  	[tilespmem:s26], [sflag:$0x2] =	stream.linear.gather [hbm4b:s25+s2], $0x200, $0x38;
	[tilespmem:$0x10B10] =	vst v63  }
0x54: {  	s25 =	rddreg [dreg:$0x13];
	s26 =	simm.s32 $0x1A48  }
0x55: {  	[tilespmem:s26], [sflag:$0x2] =	stream.linear.gather [hbm4b:s25+s2], $0x200, $0x38;
	[tilespmem:$0x10B10] =	vst v63  }
0x56: {  	s25 =	rddreg [dreg:$0x14];
	s26 =	simm.s32 $0x1C50  }
0x57: {  	[tilespmem:s26], [sflag:$0x2] =	stream.linear.gather [hbm4b:s25+s2], $0x200, $0x38;
	[tilespmem:$0x10B10] =	vst v63  }
0x58: {  	s25 =	rddreg [dreg:$0x15];
	s26 =	simm.s32 $0x1E58  }
0x59: {  	[tilespmem:s26], [sflag:$0x2] =	stream.linear.gather [hbm4b:s25+s2], $0x200, $0x38;
	[tilespmem:$0x10B10] =	vst v63  }
0x5a: {  	s25 =	rddreg [dreg:$0x16];
	s26 =	simm.s32 $0x2060  }
0x5b: {  	[tilespmem:s26], [sflag:$0x2] =	stream.linear.gather [hbm4b:s25+s2], $0x200, $0x38;
	[tilespmem:$0x10B10] =	vst v63  }
0x5c: {  	s25 =	rddreg [dreg:$0x17];
	s26 =	simm.s32 $0x2268  }
0x5d: {  	[tilespmem:s26], [sflag:$0x2] =	stream.linear.gather [hbm4b:s25+s2], $0x200, $0x38;
	[tilespmem:$0x10B10] =	vst v63  }
0x5e: {  	s25 =	rddreg [dreg:$0x18];
	s26 =	simm.s32 $0x2470  }
0x5f: {  	[tilespmem:s26], [sflag:$0x2] =	stream.linear.gather [hbm4b:s25+s2], $0x200, $0x38;
	[tilespmem:$0x10B10] =	vst v63  }
0x60: {  	s25 =	rddreg [dreg:$0x19];
	s26 =	simm.s32 $0x2678  }
0x61: {  	[tilespmem:s26], [sflag:$0x2] =	stream.linear.gather [hbm4b:s25+s2], $0x200, $0x38;
	[tilespmem:$0x10B10] =	vst v63  }
0x62: {  	s25 =	rddreg [dreg:$0x5];
	s26 =	simm.s32 $0x2880  }
0x63: {  	[tilespmem:s26], [sflag:$0x3] =	stream.linear.gather [hbm4b:s25+s2], $0x200, $0x38;
	[tilespmem:$0x10B10] =	vst v63  }
0x64: {  	s25 =	rddreg [dreg:$0x1a];
	s26 =	simm.s32 $0x2A88  }
0x65: {  	[tilespmem:s26], [sflag:$0x3] =	stream.linear.gather [hbm4b:s25+s2], $0x200, $0x38;
	[tilespmem:$0x10B10] =	vst v63  }
0x66: {  	s25 =	rddreg [dreg:$0x1b];
	s26 =	simm.s32 $0x2C90  }
0x67: {  	[tilespmem:s26], [sflag:$0x3] =	stream.linear.gather [hbm4b:s25+s2], $0x200, $0x38;
	[tilespmem:$0x10B10] =	vst v63  }
0x68: {  	s25 =	rddreg [dreg:$0x1c];
	s26 =	simm.s32 $0x2E98  }
0x69: {  	[tilespmem:s26], [sflag:$0x3] =	stream.linear.gather [hbm4b:s25+s2], $0x200, $0x38;
	[tilespmem:$0x10B10] =	vst v63  }
0x6a: {  	s25 =	rddreg [dreg:$0x1d];
	s26 =	simm.s32 $0x30A0  }
0x6b: {  	[tilespmem:s26], [sflag:$0x3] =	stream.linear.gather [hbm4b:s25+s2], $0x200, $0x38;
	[tilespmem:$0x10B10] =	vst v63  }
0x6c: {  	s25 =	rddreg [dreg:$0x1e];
	s26 =	simm.s32 $0x32A8  }
0x6d: {  	[tilespmem:s26], [sflag:$0x3] =	stream.linear.gather [hbm4b:s25+s2], $0x200, $0x38;
	[tilespmem:$0x10B10] =	vst v63  }
0x6e: {  	s25 =	rddreg [dreg:$0x1f];
	s26 =	simm.s32 $0x34B0  }
0x6f: {  	[tilespmem:s26], [sflag:$0x3] =	stream.linear.gather [hbm4b:s25+s2], $0x200, $0x38;
	[tilespmem:$0x10B10] =	vst v63  }
0x70: {  	s25 =	sld [smem:$0x7E7];
	_ =	sdelay $0x1  }
0x71: {  	s26 =	simm.s32 $0x36B8  }
0x72: {  	[tilespmem:s26], [sflag:$0x3] =	stream.linear.gather [hbm4b:s25+s2], $0x200, $0x38;
	[tilespmem:$0x10B10] =	vst v63  }
0x73: {  	s25 =	sld [smem:$0x7E8];
	_ =	sdelay $0x1  }
0x74: {  	s26 =	simm.s32 $0x38C0  }
0x75: {  	[tilespmem:s26], [sflag:$0x3] =	stream.linear.gather [hbm4b:s25+s2], $0x200, $0x38;
	[tilespmem:$0x10B10] =	vst v63  }
0x76: {  	s25 =	sld [smem:$0x7E9];
	_ =	sdelay $0x1  }
0x77: {  	s26 =	simm.s32 $0x3AC8  }
0x78: {  	[tilespmem:s26], [sflag:$0x3] =	stream.linear.gather [hbm4b:s25+s2], $0x200, $0x38;
	[tilespmem:$0x10B10] =	vst v63  }
0x79: {  	s25 =	sld [smem:$0x7EA];
	_ =	sdelay $0x1  }
0x7a: {  	s26 =	simm.s32 $0x3CD0  }
0x7b: {  	[tilespmem:s26], [sflag:$0x3] =	stream.linear.gather [hbm4b:s25+s2], $0x200, $0x38;
	[tilespmem:$0x10B10] =	vst v63  }
0x7c: {  	s25 =	sld [smem:$0x7EB];
	_ =	sdelay $0x1  }
0x7d: {  	s26 =	simm.s32 $0x3ED8  }
0x7e: {  	[tilespmem:s26], [sflag:$0x3] =	stream.linear.gather [hbm4b:s25+s2], $0x200, $0x38;
	[tilespmem:$0x10B10] =	vst v63  }
0x7f: {  	s25 =	sld [smem:$0x7EC];
	_ =	sdelay $0x1  }
0x80: {  	s26 =	simm.s32 $0x40E0  }
0x81: {  	[tilespmem:s26], [sflag:$0x3] =	stream.linear.gather [hbm4b:s25+s2], $0x200, $0x38;
	[tilespmem:$0x10B10] =	vst v63  }
0x82: {  	s25 =	sld [smem:$0x7ED];
	_ =	sdelay $0x1  }
0x83: {  	s26 =	simm.s32 $0x42E8  }
0x84: {  	[tilespmem:s26], [sflag:$0x3] =	stream.linear.gather [hbm4b:s25+s2], $0x200, $0x38;
	[tilespmem:$0x10B10] =	vst v63  }
0x85: {  	s25 =	sld [smem:$0x7EE];
	_ =	sdelay $0x1  }
0x86: {  	s26 =	simm.s32 $0x44F0  }
0x87: {  	[tilespmem:s26], [sflag:$0x3] =	stream.linear.gather [hbm4b:s25+s2], $0x200, $0x38;
	[tilespmem:$0x10B10] =	vst v63  }
0x88: {  	s25 =	sld [smem:$0x7EF];
	_ =	sdelay $0x1  }
0x89: {  	s26 =	simm.s32 $0x46F8  }
0x8a: {  	[tilespmem:s26], [sflag:$0x3] =	stream.linear.gather [hbm4b:s25+s2], $0x200, $0x38;
	[tilespmem:$0x10B10] =	vst v63  }
0x8b: {  	s25 =	rddreg [dreg:$0x6];
	s26 =	simm.s32 $0x4900  }
0x8c: {  	[tilespmem:s26], [sflag:$0x4] =	stream.linear.gather [hbm4b:s25+s2], $0x200, $0x38;
	[tilespmem:$0x10B10] =	vst v63  }
0x8d: {  	s25 =	sld [smem:$0x7F0];
	_ =	sdelay $0x1  }
0x8e: {  	s26 =	simm.s32 $0x4B08  }
0x8f: {  	[tilespmem:s26], [sflag:$0x4] =	stream.linear.gather [hbm4b:s25+s2], $0x200, $0x38;
	[tilespmem:$0x10B10] =	vst v63  }
0x90: {  	s25 =	sld [smem:$0x7F1];
	_ =	sdelay $0x1  }
0x91: {  	s26 =	simm.s32 $0x4D10  }
0x92: {  	[tilespmem:s26], [sflag:$0x4] =	stream.linear.gather [hbm4b:s25+s2], $0x200, $0x38;
	[tilespmem:$0x10B10] =	vst v63  }
0x93: {  	s25 =	sld [smem:$0x7F2];
	_ =	sdelay $0x1  }
0x94: {  	s26 =	simm.s32 $0x4F18  }
0x95: {  	[tilespmem:s26], [sflag:$0x4] =	stream.linear.gather [hbm4b:s25+s2], $0x200, $0x38;
	[tilespmem:$0x10B10] =	vst v63  }
0x96: {  	s25 =	sld [smem:$0x7F3];
	_ =	sdelay $0x1  }
0x97: {  	s26 =	simm.s32 $0x5120  }
0x98: {  	[tilespmem:s26], [sflag:$0x4] =	stream.linear.gather [hbm4b:s25+s2], $0x200, $0x38;
	[tilespmem:$0x10B10] =	vst v63  }
0x99: {  	s25 =	sld [smem:$0x7F4];
	_ =	sdelay $0x1  }
0x9a: {  	s26 =	simm.s32 $0x5328  }
0x9b: {  	[tilespmem:s26], [sflag:$0x4] =	stream.linear.gather [hbm4b:s25+s2], $0x200, $0x38;
	[tilespmem:$0x10B10] =	vst v63  }
0x9c: {  	s25 =	sld [smem:$0x7F5];
	_ =	sdelay $0x1  }
0x9d: {  	s26 =	simm.s32 $0x5530  }
0x9e: {  	[tilespmem:s26], [sflag:$0x4] =	stream.linear.gather [hbm4b:s25+s2], $0x200, $0x38;
	[tilespmem:$0x10B10] =	vst v63  }
0x9f: {  	s25 =	sld [smem:$0x7F6];
	_ =	sdelay $0x1  }
0xa0: {  	s26 =	simm.s32 $0x5738  }
0xa1: {  	[tilespmem:s26], [sflag:$0x4] =	stream.linear.gather [hbm4b:s25+s2], $0x200, $0x38;
	[tilespmem:$0x10B10] =	vst v63  }
0xa2: {  	s25 =	sld [smem:$0x7F7];
	_ =	sdelay $0x1  }
0xa3: {  	s26 =	simm.s32 $0x5940  }
0xa4: {  	[tilespmem:s26], [sflag:$0x4] =	stream.linear.gather [hbm4b:s25+s2], $0x200, $0x38;
	[tilespmem:$0x10B10] =	vst v63  }
0xa5: {  	s25 =	sld [smem:$0x7F8];
	_ =	sdelay $0x1  }
0xa6: {  	s26 =	simm.s32 $0x5B48  }
0xa7: {  	[tilespmem:s26], [sflag:$0x4] =	stream.linear.gather [hbm4b:s25+s2], $0x200, $0x38;
	[tilespmem:$0x10B10] =	vst v63  }
0xa8: {  	s25 =	sld [smem:$0x7F9];
	_ =	sdelay $0x1  }
0xa9: {  	s26 =	simm.s32 $0x5D50  }
0xaa: {  	[tilespmem:s26], [sflag:$0x4] =	stream.linear.gather [hbm4b:s25+s2], $0x200, $0x38;
	[tilespmem:$0x10B10] =	vst v63  }
0xab: {  	s25 =	sld [smem:$0x7FA];
	_ =	sdelay $0x1  }
0xac: {  	s26 =	simm.s32 $0x5F58  }
0xad: {  	[tilespmem:s26], [sflag:$0x4] =	stream.linear.gather [hbm4b:s25+s2], $0x200, $0x38;
	[tilespmem:$0x10B10] =	vst v63  }
0xae: {  	s25 =	sld [smem:$0x7FB];
	_ =	sdelay $0x1  }
0xaf: {  	s26 =	simm.s32 $0x6160  }
0xb0: {  	[tilespmem:s26], [sflag:$0x4] =	stream.linear.gather [hbm4b:s25+s2], $0x200, $0x38;
	[tilespmem:$0x10B10] =	vst v63  }
0xb1: {  	s25 =	sld [smem:$0x7FC];
	_ =	sdelay $0x1  }
0xb2: {  	s26 =	simm.s32 $0x6368  }
0xb3: {  	[tilespmem:s26], [sflag:$0x4] =	stream.linear.gather [hbm4b:s25+s2], $0x200, $0x38;
	[tilespmem:$0x10B10] =	vst v63  }
0xb4: {  	s25 =	sld [smem:$0x7FD];
	_ =	sdelay $0x1  }
0xb5: {  	s26 =	simm.s32 $0x6570  }
0xb6: {  	[tilespmem:s26], [sflag:$0x4] =	stream.linear.gather [hbm4b:s25+s2], $0x200, $0x38;
	[tilespmem:$0x10B10] =	vst v63  }
0xb7: {  	s26 =	simm.s32 $0x6778  }
0xb8: {  	[tilespmem:s26], [sflag:$0x4] =	stream.linear.gather [hbm4b:s28+s2], $0x200, $0x38;
	[tilespmem:$0x10B10] =	vst v63  }
0xb9: {  	s25 =	rddreg [dreg:$0x7];
	s26 =	simm.s32 $0x6980  }
0xba: {  	[tilespmem:s26], [sflag:$0x5] =	stream.linear.gather [hbm4b:s25+s2], $0x200, $0x38;
	[tilespmem:$0x10B10] =	vst v63  }
0xbb: {  	s26 =	simm.s32 $0x6B88  }
0xbc: {  	[tilespmem:s26], [sflag:$0x5] =	stream.linear.gather [hbm4b:s29+s2], $0x200, $0x38;
	[tilespmem:$0x10B10] =	vst v63  }
0xbd: {  	s25 =	simm.s32 $0x6D90  }
0xbe: {  	[tilespmem:s25], [sflag:$0x5] =	stream.linear.gather [hbm4b:s30+s2], $0x200, $0x38;
	[tilespmem:$0x10B10] =	vst v63  }
0xbf: {  	s26 =	simm.s32 $0x6F98  }
0xc0: {  	[tilespmem:s26], [sflag:$0x5] =	stream.linear.gather [hbm4b:s31+s2], $0x200, $0x38;
	[tilespmem:$0x10B10] =	vst v63  }
0xc1: {  	s25 =	simm.s32 $0x71A0  }
0xc2: {  	[tilespmem:s25], [sflag:$0x5] =	stream.linear.gather [hbm4b:s0+s2], $0x200, $0x38;
	[tilespmem:$0x10B10] =	vst v63  }
0xc3: {  	s26 =	simm.s32 $0x73A8  }
0xc4: {  	[tilespmem:s26], [sflag:$0x5] =	stream.linear.gather [hbm4b:s1+s2], $0x200, $0x38;
	[tilespmem:$0x10B10] =	vst v63  }
0xc5: {  	s25 =	simm.s32 $0x75B0  }
0xc6: {  	[tilespmem:s25], [sflag:$0x5] =	stream.linear.gather [hbm4b:s3+s2], $0x200, $0x38;
	[tilespmem:$0x10B10] =	vst v63  }
0xc7: {  	s26 =	simm.s32 $0x77B8  }
0xc8: {  	[tilespmem:s26], [sflag:$0x5] =	stream.linear.gather [hbm4b:s4+s2], $0x200, $0x38;
	[tilespmem:$0x10B10] =	vst v63  }
0xc9: {  	s25 =	simm.s32 $0x79C0  }
0xca: {  	[tilespmem:s25], [sflag:$0x5] =	stream.linear.gather [hbm4b:s5+s2], $0x200, $0x38;
	[tilespmem:$0x10B10] =	vst v63  }
0xcb: {  	s26 =	simm.s32 $0x7BC8  }
0xcc: {  	[tilespmem:s26], [sflag:$0x5] =	stream.linear.gather [hbm4b:s6+s2], $0x200, $0x38;
	[tilespmem:$0x10B10] =	vst v63  }
0xcd: {  	s25 =	simm.s32 $0x7DD0  }
0xce: {  	[tilespmem:s25], [sflag:$0x5] =	stream.linear.gather [hbm4b:s7+s2], $0x200, $0x38;
	[tilespmem:$0x10B10] =	vst v63  }
0xcf: {  	s26 =	simm.s32 $0x7FD8  }
0xd0: {  	[tilespmem:s26], [sflag:$0x5] =	stream.linear.gather [hbm4b:s9+s2], $0x200, $0x38;
	[tilespmem:$0x10B10] =	vst v63  }
0xd1: {  	s25 =	simm.s32 $0x81E0  }
0xd2: {  	[tilespmem:s25], [sflag:$0x5] =	stream.linear.gather [hbm4b:s10+s2], $0x200, $0x38;
	[tilespmem:$0x10B10] =	vst v63  }
0xd3: {  	s26 =	simm.s32 $0x83E8  }
0xd4: {  	[tilespmem:s26], [sflag:$0x5] =	stream.linear.gather [hbm4b:s11+s2], $0x200, $0x38;
	[tilespmem:$0x10B10] =	vst v63  }
0xd5: {  	s25 =	simm.s32 $0x85F0  }
0xd6: {  	[tilespmem:s25], [sflag:$0x5] =	stream.linear.gather [hbm4b:s12+s2], $0x200, $0x38;
	[tilespmem:$0x10B10] =	vst v63  }
0xd7: {  	s24 =	simm.s32 $0x0;
	s26 =	simm.s32 $0x87F8;
	s25 =	simm.s32 $0x40  }
0xd8: {  	[tilespmem:s26], [sflag:$0x5] =	stream.linear.gather [hbm4b:s13+s2], $0x200, $0x38;
	[tilespmem:$0x10B10] =	vst v63  }
.LBB2_2:
0xd9: {  	p0 =	sne.s32 s25, $0xFC0;
	[tilespmem:s24+$0xCA80] =	vst v2  }
0xda: {  	[tilespmem:s24+$0x8A00] =	vst v2  }
0xdb: {  	[tilespmem:s24+$0x8E08] =	vst v2  }
0xdc: {  	[tilespmem:s24+$0x9210] =	vst v2  }
0xdd: {  	[tilespmem:s24+$0x9618] =	vst v2  }
0xde: {  	[tilespmem:s24+$0x9A20] =	vst v2  }
0xdf: {  	[tilespmem:s24+$0x9E28] =	vst v2  }
0xe0: {  	[tilespmem:s24+$0xA230] =	vst v2  }
0xe1: {  	[tilespmem:s24+$0xA638] =	vst v2  }
0xe2: {  	[tilespmem:s24+$0xAA40] =	vst v2  }
0xe3: {  	[tilespmem:s24+$0xAE48] =	vst v2  }
0xe4: {  	[tilespmem:s24+$0xB250] =	vst v2  }
.Ltmp0:
0xe5: {  	[tilespmem:s24+$0xB658] =	vst v2;
	(pc) =	sbr.rel @p0 .LBB2_2-.Ltmp0, $4  }
0xe6: {  	[tilespmem:s24+$0xBA60] =	vst v2  }
0xe7: {  	[tilespmem:s24+$0xBE68] =	vst v2  }
0xe8: {  	[tilespmem:s24+$0xC270] =	vst v2  }
0xe9: {  	[tilespmem:s24+$0xC678] =	vst v2;
	s24 =	sshra.s32 s25, $0x2;
	s25 =	sadd.s32 $0x40, s25  }
0xea: {  	[tilespmem:s24+$0xCA80] =	vst v2  }
0xeb: {  	[tilespmem:s24+$0x8A00] =	vst v2  }
0xec: {  	[tilespmem:s24+$0x8E08] =	vst v2  }
0xed: {  	[tilespmem:s24+$0x9210] =	vst v2  }
0xee: {  	[tilespmem:s24+$0x9618] =	vst v2  }
0xef: {  	[tilespmem:s24+$0x9A20] =	vst v2  }
0xf0: {  	[tilespmem:s24+$0x9E28] =	vst v2  }
0xf1: {  	[tilespmem:s24+$0xA230] =	vst v2  }
0xf2: {  	[tilespmem:s24+$0xA638] =	vst v2  }
0xf3: {  	[tilespmem:s24+$0xAA40] =	vst v2  }
0xf4: {  	[tilespmem:s24+$0xAE48] =	vst v2  }
0xf5: {  	[tilespmem:s24+$0xB250] =	vst v2  }
0xf6: {  	[tilespmem:s24+$0xB658] =	vst v2  }
0xf7: {  	[tilespmem:s24+$0xBA60] =	vst v2  }
0xf8: {  	[tilespmem:s24+$0xBE68] =	vst v2  }
0xf9: {  	[tilespmem:s24+$0xC270] =	vst v2  }
0xfa: {  	[tilespmem:s24+$0xC678] =	vst v2  }
0xfb: {  	_ =	swait.ge [sflag:s15], $0x800  }
0xfc: {  	[sflag:s15] =	ssyncset.done $0x0  }
0xfd: {  	s26 =	simm.s32 $0x0;
	[sflag:s15] =	ssyncadd.s32 $0xFFFFF800  }
0xfe: {  	v0 =	vld.idx.msk [tilespmem:v19+s26+$0x0 ss:$0x1], $0xffff;
	_ =	sdelay $0x4  }
0xff: {  	v1 =	vbroadcast v0, $0x0  }
0x100: {  	v5 =	vbroadcast v0, $0x1  }
0x101: {  	v6 =	vbroadcast v0, $0x2;
	v1 =	vadd.s32 v3, v1  }
0x102: {  	v7 =	vbroadcast v0, $0x3;
	v5 =	vadd.s32 v3, v5  }
0x103: {  	v8 =	vbroadcast v0, $0x4;
	v6 =	vadd.s32 v3, v6  }
0x104: {  	v9 =	vbroadcast v0, $0x5;
	v7 =	vadd.s32 v3, v7  }
0x105: {  	v10 =	vbroadcast v0, $0x6;
	v8 =	vadd.s32 v3, v8  }
0x106: {  	v11 =	vbroadcast v0, $0x7;
	[tilespmem:v1+s16+$0x0] =	vst.idx.add.f32.msk $0xffff, v4;
	v1 =	vadd.s32 v3, v9  }
0x107: {  	v54 =	vbroadcast v0, $0x8;
	[tilespmem:v5+s16+$0x0] =	vst.idx.add.f32.msk $0xffff, v4;
	v5 =	vadd.s32 v3, v10  }
0x108: {  	v55 =	vbroadcast v0, $0x9;
	[tilespmem:v6+s16+$0x0] =	vst.idx.add.f32.msk $0xffff, v4;
	v6 =	vadd.s32 v3, v11  }
0x109: {  	v56 =	vbroadcast v0, $0xA;
	[tilespmem:v7+s16+$0x0] =	vst.idx.add.f32.msk $0xffff, v4;
	v7 =	vadd.s32 v3, v54  }
0x10a: {  	v57 =	vbroadcast v0, $0xB;
	v58 =	vadd.s32 v3, v55;
	[tilespmem:v8+s16+$0x0] =	vst.idx.add.f32.msk $0xffff, v4  }
0x10b: {  	v59 =	vbroadcast v0, $0xC;
	[tilespmem:v1+s16+$0x0] =	vst.idx.add.f32.msk $0xffff, v4;
	v1 =	vadd.s32 v3, v56  }
0x10c: {  	v60 =	vbroadcast v0, $0xD;
	[tilespmem:v5+s16+$0x0] =	vst.idx.add.f32.msk $0xffff, v4;
	v5 =	vadd.s32 v3, v57  }
0x10d: {  	v61 =	vbroadcast v0, $0xE;
	[tilespmem:v6+s16+$0x0] =	vst.idx.add.f32.msk $0xffff, v4;
	v6 =	vadd.s32 v3, v59  }
0x10e: {  	[tilespmem:v7+s16+$0x0] =	vst.idx.add.f32.msk $0xffff, v4;
	v7 =	vadd.s32 v3, v60  }
0x10f: {  	v0 =	vbroadcast v0, $0xF;
	v62 =	vadd.s32 v3, v61;
	[tilespmem:v58+s16+$0x0] =	vst.idx.add.f32.msk $0xffff, v4  }
0x110: {  	[tilespmem:v1+s16+$0x0] =	vst.idx.add.f32.msk $0xffff, v4  }
0x111: {  	v0 =	vadd.s32 v3, v0;
	[tilespmem:v5+s16+$0x0] =	vst.idx.add.f32.msk $0xffff, v4  }
0x112: {  	[tilespmem:v6+s16+$0x0] =	vst.idx.add.f32.msk $0xffff, v4  }
0x113: {  	[tilespmem:v7+s16+$0x0] =	vst.idx.add.f32.msk $0xffff, v4  }
0x114: {  	s24 =	simm.s32 $0x40;
	s25 =	simm.s32 $0x80;
	[tilespmem:v62+s16+$0x0] =	vst.idx.add.f32.msk $0xffff, v4  }
.LBB2_4:
0x115: {  	p0 =	sne.s32 s25, $0x1C0  }
0x116: {  	s26 =	sshra.s32 s24, $0x2;
	[tilespmem:v0+s16+$0x0] =	vst.idx.add.f32.msk $0xffff, v4;
	s24 =	smov.u32 s25;
	s25 =	sadd.s32 $0x40, s25  }
0x117: {  	v0 =	vld.idx.msk [tilespmem:v19+s26+$0x0 ss:$0x1], $0xffff;
	_ =	sdelay $0x5  }
0x118: {  	v1 =	vbroadcast v0, $0x0;
	v5 =	vbroadcast v0, $0x1  }
0x119: {  	v6 =	vbroadcast v0, $0x2;
	v7 =	vbroadcast v0, $0x3  }
0x11a: {  	v8 =	vbroadcast v0, $0x4;
	v9 =	vbroadcast v0, $0x5;
	v1 =	vadd.s32 v3, v1  }
0x11b: {  	v10 =	vbroadcast v0, $0x6;
	v11 =	vbroadcast v0, $0x7;
	v5 =	vadd.s32 v3, v5  }
0x11c: {  	v12 =	vbroadcast v0, $0x8;
	v13 =	vbroadcast v0, $0x9;
	v6 =	vadd.s32 v3, v6  }
0x11d: {  	v14 =	vbroadcast v0, $0xA;
	v15 =	vbroadcast v0, $0xB;
	v7 =	vadd.s32 v3, v7  }
0x11e: {  	v16 =	vbroadcast v0, $0xC;
	v17 =	vbroadcast v0, $0xD;
	v8 =	vadd.s32 v3, v8  }
0x11f: {  	v18 =	vbroadcast v0, $0xE;
	v0 =	vbroadcast v0, $0xF;
	[tilespmem:v1+s16+$0x0] =	vst.idx.add.f32.msk $0xffff, v4;
	v1 =	vadd.s32 v3, v9  }
0x120: {  	[tilespmem:v5+s16+$0x0] =	vst.idx.add.f32.msk $0xffff, v4;
	v5 =	vadd.s32 v3, v10  }
0x121: {  	[tilespmem:v6+s16+$0x0] =	vst.idx.add.f32.msk $0xffff, v4;
	v6 =	vadd.s32 v3, v11  }
0x122: {  	[tilespmem:v7+s16+$0x0] =	vst.idx.add.f32.msk $0xffff, v4;
	v7 =	vadd.s32 v3, v12  }
0x123: {  	[tilespmem:v8+s16+$0x0] =	vst.idx.add.f32.msk $0xffff, v4;
	v8 =	vadd.s32 v3, v13  }
0x124: {  	[tilespmem:v1+s16+$0x0] =	vst.idx.add.f32.msk $0xffff, v4;
	v1 =	vadd.s32 v3, v14  }
0x125: {  	[tilespmem:v5+s16+$0x0] =	vst.idx.add.f32.msk $0xffff, v4;
	v5 =	vadd.s32 v3, v15  }
0x126: {  	[tilespmem:v6+s16+$0x0] =	vst.idx.add.f32.msk $0xffff, v4;
	v6 =	vadd.s32 v3, v16  }
0x127: {  	[tilespmem:v7+s16+$0x0] =	vst.idx.add.f32.msk $0xffff, v4;
	v7 =	vadd.s32 v3, v17  }
0x128: {  	[tilespmem:v8+s16+$0x0] =	vst.idx.add.f32.msk $0xffff, v4;
	v8 =	vadd.s32 v3, v18  }
.Ltmp1:
0x129: {  	v0 =	vadd.s32 v3, v0;
	[tilespmem:v1+s16+$0x0] =	vst.idx.add.f32.msk $0xffff, v4;
	(pc) =	sbr.rel @p0 .LBB2_4-.Ltmp1, $4  }
0x12a: {  	[tilespmem:v5+s16+$0x0] =	vst.idx.add.f32.msk $0xffff, v4  }
0x12b: {  	[tilespmem:v6+s16+$0x0] =	vst.idx.add.f32.msk $0xffff, v4  }
0x12c: {  	[tilespmem:v7+s16+$0x0] =	vst.idx.add.f32.msk $0xffff, v4  }
0x12d: {  	[tilespmem:v8+s16+$0x0] =	vst.idx.add.f32.msk $0xffff, v4  }
0x12e: {  	_ =	sdelay $0x3  }
0x12f: {  	s24 =	sshra.s32 s24, $0x2;
	[tilespmem:v0+s16+$0x0] =	vst.idx.add.f32.msk $0xffff, v4  }
0x130: {  	v0 =	vld.idx.msk [tilespmem:v19+s24+$0x0 ss:$0x1], $0xffff;
	_ =	sdelay $0x4  }
0x131: {  	v1 =	vbroadcast v0, $0x0  }
0x132: {  	v5 =	vbroadcast v0, $0x1  }
0x133: {  	v6 =	vbroadcast v0, $0x2;
	v1 =	vadd.s32 v3, v1  }
0x134: {  	v7 =	vbroadcast v0, $0x3;
	v5 =	vadd.s32 v3, v5  }
0x135: {  	v8 =	vbroadcast v0, $0x4;
	v6 =	vadd.s32 v3, v6  }
0x136: {  	v9 =	vbroadcast v0, $0x5;
	v7 =	vadd.s32 v3, v7  }
0x137: {  	v10 =	vbroadcast v0, $0x6;
	v8 =	vadd.s32 v3, v8  }
0x138: {  	v11 =	vbroadcast v0, $0x7;
	[tilespmem:v1+s16+$0x0] =	vst.idx.add.f32.msk $0xffff, v4;
	v1 =	vadd.s32 v3, v9  }
0x139: {  	v9 =	vbroadcast v0, $0x8;
	[tilespmem:v5+s16+$0x0] =	vst.idx.add.f32.msk $0xffff, v4;
	v5 =	vadd.s32 v3, v10  }
0x13a: {  	v10 =	vbroadcast v0, $0x9;
	[tilespmem:v6+s16+$0x0] =	vst.idx.add.f32.msk $0xffff, v4;
	v6 =	vadd.s32 v3, v11  }
0x13b: {  	v11 =	vbroadcast v0, $0xA;
	[tilespmem:v7+s16+$0x0] =	vst.idx.add.f32.msk $0xffff, v4;
	v7 =	vadd.s32 v3, v9  }
0x13c: {  	v9 =	vbroadcast v0, $0xB;
	[tilespmem:v8+s16+$0x0] =	vst.idx.add.f32.msk $0xffff, v4;
	v8 =	vadd.s32 v3, v10  }
0x13d: {  	v10 =	vbroadcast v0, $0xC;
	[tilespmem:v1+s16+$0x0] =	vst.idx.add.f32.msk $0xffff, v4;
	v1 =	vadd.s32 v3, v11  }
0x13e: {  	v11 =	vbroadcast v0, $0xD;
	[tilespmem:v5+s16+$0x0] =	vst.idx.add.f32.msk $0xffff, v4;
	v5 =	vadd.s32 v3, v9  }
0x13f: {  	v9 =	vbroadcast v0, $0xE;
	[tilespmem:v6+s16+$0x0] =	vst.idx.add.f32.msk $0xffff, v4;
	v6 =	vadd.s32 v3, v10  }
0x140: {  	v0 =	vbroadcast v0, $0xF;
	[tilespmem:v7+s16+$0x0] =	vst.idx.add.f32.msk $0xffff, v4;
	v7 =	vadd.s32 v3, v11  }
0x141: {  	[tilespmem:v8+s16+$0x0] =	vst.idx.add.f32.msk $0xffff, v4;
	v8 =	vadd.s32 v3, v9  }
0x142: {  	v0 =	vadd.s32 v3, v0;
	[tilespmem:v1+s16+$0x0] =	vst.idx.add.f32.msk $0xffff, v4  }
0x143: {  	[tilespmem:v5+s16+$0x0] =	vst.idx.add.f32.msk $0xffff, v4  }
0x144: {  	[tilespmem:v6+s16+$0x0] =	vst.idx.add.f32.msk $0xffff, v4  }
0x145: {  	[tilespmem:v7+s16+$0x0] =	vst.idx.add.f32.msk $0xffff, v4  }
0x146: {  	[tilespmem:v8+s16+$0x0] =	vst.idx.add.f32.msk $0xffff, v4  }
0x147: {  	s24 =	simm.s32 $0x0;
	[tilespmem:v0+s16+$0x0] =	vst.idx.add.f32.msk $0xffff, v4  }
0x148: {  	v5 =	vadd.s32 s24, v36;
	_ =	swait.ge [sflag:s17], $0x2000  }
0x149: {  	v7 =	vadd.s32 s24, v34;
	[sflag:s17] =	ssyncset.done $0x0  }
0x14a: {  	v8 =	vadd.s32 s24, v42;
	[sflag:s17] =	ssyncadd.s32 $0xFFFFE000  }
0x14b: {  	v9 =	vadd.s32 s24, v41;
	v12 =	vld [tilespmem:s24+$0x0]  }
0x14c: {  	v11 =	vadd.s32 s24, v40  }
0x14d: {  	v6 =	vadd.s32 s24, v35;
	v13 =	vld.idx.msk [tilespmem:v5+s14+$0x0], $0xffff  }
0x14e: {  	v0 =	vadd.s32 s24, v45;
	v7 =	vld.idx.msk [tilespmem:v7+s14+$0x0], $0xffff  }
0x14f: {  	v14 =	vadd.s32 s24, v37;
	v15 =	vadd.s32 s24, v44;
	v8 =	vld.idx.msk [tilespmem:v8+s14+$0x0], $0xffff  }
0x150: {  	v16 =	vadd.s32 s24, v43;
	v23 =	vld.idx.msk [tilespmem:v9+s14+$0x0], $0xffff;
	v20 =	vbroadcast v12, $0x7;
	v21 =	vbroadcast v12, $0xA  }
0x151: {  	v17 =	vadd.s32 s24, v32;
	v11 =	vld.idx.msk [tilespmem:v11+s14+$0x0], $0xffff;
	v9 =	vbroadcast v12, $0x8;
	v24 =	vbroadcast v12, $0x9  }
0x152: {  	v18 =	vadd.s32 s24, v33;
	v6 =	vld.idx.msk [tilespmem:v6+s14+$0x0], $0xffff;
	v25 =	vbroadcast v12, $0x5;
	v26 =	vbroadcast v12, $0xB  }
0x153: {  	v61 =	vadd.s32 s24, v39;
	v1 =	vld.idx.msk [tilespmem:v0+s14+$0x0], $0xffff;
	v27 =	vbroadcast v12, $0x2;
	v29 =	vmul.f32 v13, v13  }
0x154: {  	v22 =	vadd.s32 s24, v38;
	v30 =	vbroadcast v12, $0x1;
	v31 =	vmul.f32 v7, v7  }
0x155: {  	v10 =	vadd.s32 s24, v46;
	v14 =	vld.idx.msk [tilespmem:v14+s14+$0x0], $0xffff;
	v52 =	vbroadcast v12, $0x3;
	v55 =	vmul.f32 v8, v8  }
0x156: {  	v5 =	vadd.s32 s24, v47;
	v15 =	vld.idx.msk [tilespmem:v15+s14+$0x0], $0xffff;
	v56 =	vbroadcast v12, $0x4;
	v57 =	vmul.f32 v11, v11  }
0x157: {  	v16 =	vld.idx.msk [tilespmem:v16+s14+$0x0], $0xffff;
	v59 =	vmul.f32 v6, v6;
	v28 =	vadd.s32 v3, v9;
	v9 =	vbroadcast v12, $0x0  }
0x158: {  	v17 =	vld.idx.msk [tilespmem:v17+s14+$0x0], $0xffff;
	v0 =	vimm.f32 $0.0e+00;
	v60 =	vbroadcast v12, $0x6;
	v54 =	vmul.f32 v1, v1  }
0x159: {  	v18 =	vld.idx.msk [tilespmem:v18+s14+$0x0], $0xffff;
	v20 =	vadd.s32 v3, v20;
	v24 =	vadd.s32 v3, v24;
	v53 =	vadd.s32 v3, v9  }
0x15a: {  	v19 =	vld.idx.msk [tilespmem:v61+s14+$0x0], $0xffff;
	v26 =	vadd.s32 v3, v26;
	v30 =	vadd.s32 v3, v30;
	v9 =	vmul.f32 v23, v23  }
0x15b: {  	v5 =	vld.idx.msk [tilespmem:v5+s14+$0x0], $0xffff;
	v21 =	vadd.s32 v3, v21;
	v27 =	vadd.s32 v3, v27;
	v52 =	vadd.s32 v3, v52  }
0x15c: {  	v22 =	vld.idx.msk [tilespmem:v22+s14+$0x0], $0xffff;
	v56 =	vadd.s32 v3, v56;
	v31 =	vadd.f32 v31, v0;
	v58 =	vadd.f32 v9, v0  }
0x15d: {  	v62 =	vadd.f32 v57, v0;
	v57 =	vmul.f32 v15, v15;
	v9 =	vld.idx.msk [tilespmem:v10+s14+$0x0], $0xffff;
	v10 =	vadd.s32 v3, v25  }
0x15e: {  	v61 =	vbroadcast v12, $0xC;
	v0 =	vadd.f32 v55, v0;
	v29 =	vadd.f32 v29, v58;
	[tilespmem:v53+s18+$0x0] =	vst.idx.add.f32.msk $0xffff, v11  }
0x15f: {  	v53 =	vadd.s32 v3, v60;
	v11 =	vbroadcast v12, $0xD;
	[tilespmem:v30+s18+$0x0] =	vst.idx.add.f32.msk $0xffff, v23;
	v23 =	vmul.f32 v17, v17  }
0x160: {  	v60 =	vbroadcast v12, $0xE;
	v30 =	vmul.f32 v5, v5;
	[tilespmem:v27+s18+$0x0] =	vst.idx.add.f32.msk $0xffff, v8;
	v8 =	vadd.f32 v59, v62  }
0x161: {  	v12 =	vbroadcast v12, $0xF;
	v62 =	vmul.f32 v14, v14;
	v59 =	vadd.s32 v3, v61;
	[tilespmem:v52+s18+$0x0] =	vst.idx.add.f32.msk $0xffff, v7  }
0x162: {  	v11 =	vadd.s32 v3, v11;
	v61 =	vmul.f32 v18, v18;
	[tilespmem:v56+s18+$0x0] =	vst.idx.add.f32.msk $0xffff, v6  }
0x163: {  	v12 =	vadd.s32 v3, v12;
	v7 =	vmul.f32 v16, v16;
	[tilespmem:v10+s18+$0x0] =	vst.idx.add.f32.msk $0xffff, v13  }
0x164: {  	v6 =	vmul.f32 v22, v22;
	v0 =	vadd.f32 v62, v0;
	[tilespmem:v53+s18+$0x0] =	vst.idx.add.f32.msk $0xffff, v14  }
0x165: {  	v62 =	vmul.f32 v19, v19;
	v10 =	vadd.s32 v3, v60;
	[tilespmem:v20+s18+$0x0] =	vst.idx.add.f32.msk $0xffff, v22  }
0x166: {  	v13 =	vadd.f32 v61, v29;
	v6 =	vadd.f32 v6, v31;
	[tilespmem:v28+s18+$0x0] =	vst.idx.add.f32.msk $0xffff, v19  }
0x167: {  	v14 =	vmul.f32 v9, v9;
	v0 =	vadd.f32 v23, v0;
	[tilespmem:v24+s18+$0x0] =	vst.idx.add.f32.msk $0xffff, v18  }
0x168: {  	v8 =	vadd.f32 v62, v8;
	v6 =	vadd.f32 v7, v6;
	[tilespmem:v21+s18+$0x0] =	vst.idx.add.f32.msk $0xffff, v17  }
0x169: {  	v7 =	vadd.f32 v54, v13;
	v0 =	vadd.f32 v14, v0;
	[tilespmem:v26+s18+$0x0] =	vst.idx.add.f32.msk $0xffff, v16  }
0x16a: {  	s25 =	simm.s32 $0x10;
	v8 =	vadd.f32 v57, v8;
	v6 =	vadd.f32 v30, v6;
	[tilespmem:v59+s18+$0x0] =	vst.idx.add.f32.msk $0xffff, v15  }
.LBB2_6:
0x16b: {  	p0 =	sne.s32 s25, $0x1F0  }
0x16c: {  	v13 =	vadd.s32 s25, v45;
	v14 =	vadd.s32 s25, v46;
	v15 =	vadd.s32 s25, v47;
	[tilespmem:v11+s18+$0x0] =	vst.idx.add.f32.msk $0xffff, v1;
	s24 =	sadd.s32 $0x10, s24;
	s26 =	smov.u32 s25;
	s25 =	sadd.s32 $0x10, s25  }
0x16d: {  	v11 =	vadd.s32 s26, v36;
	v16 =	vadd.s32 s26, v37;
	v17 =	vadd.s32 s26, v44;
	[tilespmem:v10+s18+$0x0] =	vst.idx.add.f32.msk $0xffff, v9  }
0x16e: {  	v9 =	vadd.s32 s26, v40;
	v10 =	vadd.s32 s26, v35;
	v18 =	vadd.s32 s26, v43;
	[tilespmem:v12+s18+$0x0] =	vst.idx.add.f32.msk $0xffff, v5  }
0x16f: {  	v19 =	vadd.s32 s26, v34;
	v5 =	vadd.s32 s26, v41;
	v12 =	vadd.s32 s26, v42  }
0x170: {  	v21 =	vadd.s32 s26, v32;
	v20 =	vld [tilespmem:s24+$0x0]  }
0x171: {  	v22 =	vadd.s32 s26, v33;
	v1 =	vld.idx.msk [tilespmem:v13+s14+$0x0], $0xffff  }
0x172: {  	v13 =	vld.idx.msk [tilespmem:v11+s14+$0x0], $0xffff;
	v11 =	vadd.s32 s26, v39  }
0x173: {  	v23 =	vadd.s32 s26, v38;
	v10 =	vld.idx.msk [tilespmem:v10+s14+$0x0], $0xffff  }
0x174: {  	v19 =	vld.idx.msk [tilespmem:v19+s14+$0x0], $0xffff  }
0x175: {  	v12 =	vld.idx.msk [tilespmem:v12+s14+$0x0], $0xffff;
	v24 =	vbroadcast v20, $0x7;
	v25 =	vbroadcast v20, $0xA  }
0x176: {  	v27 =	vbroadcast v20, $0x8;
	v28 =	vbroadcast v20, $0x9;
	v26 =	vld.idx.msk [tilespmem:v5+s14+$0x0], $0xffff  }
0x177: {  	v30 =	vbroadcast v20, $0x5;
	v29 =	vld.idx.msk [tilespmem:v9+s14+$0x0], $0xffff;
	v9 =	vbroadcast v20, $0xB;
	v24 =	vadd.s32 v3, v24  }
0x178: {  	v27 =	vadd.s32 v3, v27;
	v28 =	vadd.s32 v3, v28;
	v5 =	vld.idx.msk [tilespmem:v15+s14+$0x0], $0xffff;
	v15 =	vbroadcast v20, $0x2  }
0x179: {  	v31 =	vbroadcast v20, $0x0;
	v53 =	vmul.f32 v13, v13;
	v16 =	vld.idx.msk [tilespmem:v16+s14+$0x0], $0xffff;
	v52 =	vadd.s32 v3, v9  }
0x17a: {  	v25 =	vadd.s32 v3, v25;
	v9 =	vbroadcast v20, $0x1;
	v54 =	vmul.f32 v19, v19;
	v17 =	vld.idx.msk [tilespmem:v17+s14+$0x0], $0xffff  }
0x17b: {  	v55 =	vbroadcast v20, $0x3;
	v56 =	vmul.f32 v1, v1;
	v31 =	vadd.s32 v3, v31;
	v18 =	vld.idx.msk [tilespmem:v18+s14+$0x0], $0xffff  }
0x17c: {  	v58 =	vmul.f32 v12, v12;
	v57 =	vadd.s32 v3, v9;
	v9 =	vmul.f32 v26, v26;
	v21 =	vld.idx.msk [tilespmem:v21+s14+$0x0], $0xffff  }
0x17d: {  	v59 =	vbroadcast v20, $0x4;
	v15 =	vadd.s32 v3, v15;
	v60 =	vmul.f32 v29, v29;
	v22 =	vld.idx.msk [tilespmem:v22+s14+$0x0], $0xffff  }
0x17e: {  	v7 =	vadd.f32 v9, v7;
	v61 =	vld.idx.msk [tilespmem:v11+s14+$0x0], $0xffff;
	v11 =	vadd.s32 v3, v55;
	v55 =	vmul.f32 v10, v10  }
0x17f: {  	v62 =	vbroadcast v20, $0x6;
	v59 =	vadd.s32 v3, v59;
	v6 =	vadd.f32 v54, v6;
	v23 =	vld.idx.msk [tilespmem:v23+s14+$0x0], $0xffff  }
0x180: {  	v0 =	vadd.f32 v58, v0;
	v8 =	vadd.f32 v60, v8;
	v9 =	vld.idx.msk [tilespmem:v14+s14+$0x0], $0xffff;
	v14 =	vadd.s32 v3, v30  }
0x181: {  	v30 =	vbroadcast v20, $0xC;
	[tilespmem:v31+s18+$0x0] =	vst.idx.add.f32.msk $0xffff, v29;
	v29 =	vadd.s32 v3, v62;
	v31 =	vmul.f32 v17, v17  }
0x182: {  	v54 =	vmul.f32 v5, v5;
	[tilespmem:v57+s18+$0x0] =	vst.idx.add.f32.msk $0xffff, v26;
	v26 =	vmul.f32 v21, v21  }
0x183: {  	v8 =	vadd.f32 v55, v8;
	v57 =	vbroadcast v20, $0xD;
	[tilespmem:v15+s18+$0x0] =	vst.idx.add.f32.msk $0xffff, v12;
	v12 =	vmul.f32 v16, v16  }
0x184: {  	v15 =	vbroadcast v20, $0xE;
	[tilespmem:v11+s18+$0x0] =	vst.idx.add.f32.msk $0xffff, v19;
	v19 =	vadd.s32 v3, v30;
	v30 =	vmul.f32 v18, v18  }
0x185: {  	v20 =	vbroadcast v20, $0xF;
	v11 =	vadd.s32 v3, v57;
	v55 =	vmul.f32 v23, v23;
	[tilespmem:v59+s18+$0x0] =	vst.idx.add.f32.msk $0xffff, v10  }
0x186: {  	v7 =	vadd.f32 v53, v7;
	v10 =	vadd.s32 v3, v15;
	v15 =	vmul.f32 v22, v22  }
0x187: {  	v0 =	vadd.f32 v12, v0;
	v6 =	vadd.f32 v55, v6;
	[tilespmem:v14+s18+$0x0] =	vst.idx.add.f32.msk $0xffff, v13  }
0x188: {  	v7 =	vadd.f32 v15, v7;
	v13 =	vmul.f32 v9, v9;
	[tilespmem:v29+s18+$0x0] =	vst.idx.add.f32.msk $0xffff, v16  }
0x189: {  	v12 =	vmul.f32 v61, v61;
	v6 =	vadd.f32 v30, v6;
	[tilespmem:v24+s18+$0x0] =	vst.idx.add.f32.msk $0xffff, v23  }
.Ltmp2:
0x18a: {  	v0 =	vadd.f32 v26, v0;
	v7 =	vadd.f32 v56, v7;
	[tilespmem:v27+s18+$0x0] =	vst.idx.add.f32.msk $0xffff, v61;
	(pc) =	sbr.rel @p0 .LBB2_6-.Ltmp2, $4  }
0x18b: {  	v8 =	vadd.f32 v12, v8;
	v6 =	vadd.f32 v54, v6;
	[tilespmem:v28+s18+$0x0] =	vst.idx.add.f32.msk $0xffff, v22  }
0x18c: {  	v12 =	vadd.s32 v3, v20;
	v0 =	vadd.f32 v13, v0;
	[tilespmem:v25+s18+$0x0] =	vst.idx.add.f32.msk $0xffff, v21  }
0x18d: {  	v8 =	vadd.f32 v31, v8;
	[tilespmem:v52+s18+$0x0] =	vst.idx.add.f32.msk $0xffff, v18  }
0x18e: {  	[tilespmem:v19+s18+$0x0] =	vst.idx.add.f32.msk $0xffff, v17  }
0x18f: {  	_ =	sdelay $0x3  }
0x190: {  	[tilespmem:v11+s18+$0x0] =	vst.idx.add.f32.msk $0xffff, v1  }
0x191: {  	[tilespmem:v10+s18+$0x0] =	vst.idx.add.f32.msk $0xffff, v9  }
0x192: {  	[tilespmem:v12+s18+$0x0] =	vst.idx.add.f32.msk $0xffff, v5  }
0x193: {  	_ =	swait.ge [sflag:s19], $0x2000  }
0x194: {  	s25 =	simm.s32 $0x0;
	v40 =	vld [tilespmem:$0x1FCF0]  }
0x195: {  	v32 =	vmov v51;
	v1 =	vadd.s32 s25, v51;
	v51 =	vld [tilespmem:$0x1FF50]  }
0x196: {  	v41 =	vld [tilespmem:$0x1FFE0]  }
0x197: {  	v42 =	vld [tilespmem:$0x1FFF0]  }
0x198: {  	v33 =	vld [tilespmem:$0x1FF60]  }
0x199: {  	v39 =	vld [tilespmem:$0x1FFC0]  }
0x19a: {  	v38 =	vld [tilespmem:$0x1FFB0]  }
0x19b: {  	[sflag:s19] =	ssyncset.done $0x0;
	v37 =	vld [tilespmem:$0x1FFA0]  }
0x19c: {  	s24 =	simm.s32 $0x200;
	v10 =	vadd.s32 s25, v63;
	v36 =	vld [tilespmem:$0x1FF90];
	[sflag:s19] =	ssyncadd.s32 $0xFFFFE000  }
0x19d: {  	v13 =	vadd.s32 s25, v49;
	v12 =	vld [tilespmem:s24+$0x0]  }
0x19e: {  	v11 =	vadd.s32 s25, v50;
	v35 =	vld [tilespmem:$0x1FF80]  }
0x19f: {  	v15 =	vadd.s32 s25, v48;
	v34 =	vld [tilespmem:$0x1FF70]  }
0x1a0: {  	v1 =	vld.idx.msk [tilespmem:v1+s14+$0x0], $0xffff;
	v5 =	vadd.s32 s25, v40  }
0x1a1: {  	v10 =	vld.idx.msk [tilespmem:v10+s14+$0x0], $0xffff;
	v9 =	vadd.s32 s25, v51;
	v14 =	vadd.s32 s25, v41  }
0x1a2: {  	v13 =	vld.idx.msk [tilespmem:v13+s14+$0x0], $0xffff;
	v17 =	vadd.s32 s25, v33;
	v23 =	vbroadcast v12, $0x7;
	v24 =	vbroadcast v12, $0xA  }
0x1a3: {  	v11 =	vld.idx.msk [tilespmem:v11+s14+$0x0], $0xffff;
	v18 =	vadd.s32 s25, v39;
	v26 =	vbroadcast v12, $0x8;
	v27 =	vbroadcast v12, $0x9  }
0x1a4: {  	v15 =	vld.idx.msk [tilespmem:v15+s14+$0x0], $0xffff;
	v20 =	vadd.s32 s25, v37;
	v28 =	vbroadcast v12, $0x5;
	v29 =	vbroadcast v12, $0xB  }
0x1a5: {  	v21 =	vadd.s32 s25, v36;
	v30 =	vbroadcast v12, $0x2;
	v31 =	vbroadcast v12, $0x0;
	v16 =	vld.idx.msk [tilespmem:v5+s14+$0x0], $0xffff  }
0x1a6: {  	v22 =	vadd.s32 s25, v35;
	v53 =	vbroadcast v12, $0x1;
	v54 =	vmul.f32 v10, v10;
	v19 =	vld.idx.msk [tilespmem:v9+s14+$0x0], $0xffff  }
0x1a7: {  	v56 =	vmul.f32 v1, v1;
	v57 =	vmul.f32 v13, v13;
	v9 =	vadd.s32 s25, v38;
	v17 =	vld.idx.msk [tilespmem:v17+s14+$0x0], $0xffff  }
0x1a8: {  	v25 =	vadd.s32 s25, v34;
	v58 =	vmul.f32 v11, v11;
	v59 =	vbroadcast v12, $0x4;
	v18 =	vld.idx.msk [tilespmem:v18+s14+$0x0], $0xffff  }
0x1a9: {  	v60 =	vmul.f32 v15, v15;
	v62 =	vbroadcast v12, $0x6;
	v5 =	vadd.s32 s25, v42;
	v20 =	vld.idx.msk [tilespmem:v20+s14+$0x0], $0xffff  }
0x1aa: {  	v23 =	vadd.s32 v3, v23;
	v26 =	vadd.s32 v3, v26;
	v27 =	vadd.s32 v3, v27;
	v21 =	vld.idx.msk [tilespmem:v21+s14+$0x0], $0xffff  }
0x1ab: {  	v29 =	vadd.s32 v3, v29;
	v24 =	vadd.s32 v3, v24;
	v31 =	vadd.s32 v3, v31;
	v22 =	vld.idx.msk [tilespmem:v22+s14+$0x0], $0xffff  }
0x1ac: {  	v53 =	vadd.s32 v3, v53;
	v30 =	vadd.s32 v3, v30;
	v55 =	vld.idx.msk [tilespmem:v9+s14+$0x0], $0xffff;
	v9 =	vbroadcast v12, $0x3  }
0x1ad: {  	v7 =	vadd.f32 v57, v7;
	v59 =	vadd.s32 v3, v59;
	v6 =	vadd.f32 v54, v6;
	v25 =	vld.idx.msk [tilespmem:v25+s14+$0x0], $0xffff  }
0x1ae: {  	v8 =	vadd.f32 v60, v8;
	v5 =	vld.idx.msk [tilespmem:v5+s14+$0x0], $0xffff;
	v52 =	vmul.f32 v16, v16;
	v61 =	vadd.s32 v3, v9  }
0x1af: {  	v0 =	vadd.f32 v58, v0;
	v47 =	vmul.f32 v19, v19;
	v44 =	vmul.f32 v18, v18;
	v9 =	vld.idx.msk [tilespmem:v14+s14+$0x0], $0xffff  }
0x1b0: {  	v43 =	vbroadcast v12, $0xC;
	v14 =	vadd.s32 v3, v28;
	[tilespmem:v31+s18+$0x0] =	vst.idx.add.f32.msk $0xffff, v15;
	v15 =	vadd.s32 v3, v62  }
0x1b1: {  	v8 =	vadd.f32 v47, v8;
	v47 =	vmul.f32 v17, v17;
	[tilespmem:v53+s18+$0x0] =	vst.idx.add.f32.msk $0xffff, v13  }
0x1b2: {  	v46 =	vbroadcast v12, $0xD;
	v28 =	vadd.s32 v3, v43;
	v7 =	vadd.f32 v52, v7;
	[tilespmem:v30+s18+$0x0] =	vst.idx.add.f32.msk $0xffff, v11  }
0x1b3: {  	v62 =	vmul.f32 v21, v21;
	v13 =	vmul.f32 v20, v20;
	[tilespmem:v61+s18+$0x0] =	vst.idx.add.f32.msk $0xffff, v10  }
0x1b4: {  	v11 =	vadd.s32 v3, v46;
	v0 =	vadd.f32 v47, v0;
	[tilespmem:v59+s18+$0x0] =	vst.idx.add.f32.msk $0xffff, v19  }
0x1b5: {  	v7 =	vadd.f32 v62, v7;
	v45 =	vmul.f32 v5, v5;
	[tilespmem:v14+s18+$0x0] =	vst.idx.add.f32.msk $0xffff, v16  }
0x1b6: {  	v60 =	vmul.f32 v55, v55;
	v61 =	vmul.f32 v25, v25;
	[tilespmem:v15+s18+$0x0] =	vst.idx.add.f32.msk $0xffff, v17  }
0x1b7: {  	v0 =	vadd.f32 v13, v0;
	v7 =	vadd.f32 v56, v7;
	v10 =	vbroadcast v12, $0xE;
	[tilespmem:v23+s18+$0x0] =	vst.idx.add.f32.msk $0xffff, v25  }
0x1b8: {  	v6 =	vadd.f32 v61, v6;
	v15 =	vmul.f32 v22, v22;
	[tilespmem:v26+s18+$0x0] =	vst.idx.add.f32.msk $0xffff, v22  }
0x1b9: {  	v12 =	vbroadcast v12, $0xF;
	v10 =	vadd.s32 v3, v10;
	v14 =	vmul.f32 v9, v9;
	[tilespmem:v27+s18+$0x0] =	vst.idx.add.f32.msk $0xffff, v21  }
0x1ba: {  	v6 =	vadd.f32 v60, v6;
	v8 =	vadd.f32 v15, v8;
	[tilespmem:v24+s18+$0x0] =	vst.idx.add.f32.msk $0xffff, v20  }
0x1bb: {  	v12 =	vadd.s32 v3, v12;
	v0 =	vadd.f32 v14, v0;
	[tilespmem:v29+s18+$0x0] =	vst.idx.add.f32.msk $0xffff, v55  }
0x1bc: {  	s25 =	simm.s32 $0x10;
	v6 =	vadd.f32 v45, v6;
	v8 =	vadd.f32 v44, v8;
	[tilespmem:v28+s18+$0x0] =	vst.idx.add.f32.msk $0xffff, v18  }
.LBB2_8:
0x1bd: {  	p0 =	sne.s32 s25, $0x1F0  }
0x1be: {  	v13 =	vadd.s32 s25, v32;
	v14 =	vadd.s32 s25, v41;
	v15 =	vadd.s32 s25, v42;
	[tilespmem:v11+s18+$0x0] =	vst.idx.add.f32.msk $0xffff, v1;
	s24 =	sadd.s32 $0x10, s24;
	s26 =	smov.u32 s25;
	s25 =	sadd.s32 $0x10, s25  }
0x1bf: {  	v11 =	vadd.s32 s26, v40;
	v16 =	vadd.s32 s26, v33;
	v17 =	vadd.s32 s26, v39;
	[tilespmem:v10+s18+$0x0] =	vst.idx.add.f32.msk $0xffff, v9  }
0x1c0: {  	v9 =	vadd.s32 s26, v48;
	v10 =	vadd.s32 s26, v51;
	v18 =	vadd.s32 s26, v38;
	[tilespmem:v12+s18+$0x0] =	vst.idx.add.f32.msk $0xffff, v5  }
0x1c1: {  	v19 =	vadd.s32 s26, v63;
	v5 =	vadd.s32 s26, v49;
	v12 =	vadd.s32 s26, v50  }
0x1c2: {  	v21 =	vadd.s32 s26, v37;
	v20 =	vld [tilespmem:s24+$0x0]  }
0x1c3: {  	v22 =	vadd.s32 s26, v36;
	v1 =	vld.idx.msk [tilespmem:v13+s14+$0x0], $0xffff  }
0x1c4: {  	v13 =	vld.idx.msk [tilespmem:v11+s14+$0x0], $0xffff;
	v11 =	vadd.s32 s26, v35  }
0x1c5: {  	v23 =	vadd.s32 s26, v34;
	v10 =	vld.idx.msk [tilespmem:v10+s14+$0x0], $0xffff  }
0x1c6: {  	v19 =	vld.idx.msk [tilespmem:v19+s14+$0x0], $0xffff  }
0x1c7: {  	v12 =	vld.idx.msk [tilespmem:v12+s14+$0x0], $0xffff;
	v24 =	vbroadcast v20, $0x7;
	v25 =	vbroadcast v20, $0xA  }
0x1c8: {  	v27 =	vbroadcast v20, $0x8;
	v28 =	vbroadcast v20, $0x9;
	v26 =	vld.idx.msk [tilespmem:v5+s14+$0x0], $0xffff  }
0x1c9: {  	v30 =	vbroadcast v20, $0x5;
	v29 =	vld.idx.msk [tilespmem:v9+s14+$0x0], $0xffff;
	v9 =	vbroadcast v20, $0xB;
	v24 =	vadd.s32 v3, v24  }
0x1ca: {  	v27 =	vadd.s32 v3, v27;
	v28 =	vadd.s32 v3, v28;
	v5 =	vld.idx.msk [tilespmem:v15+s14+$0x0], $0xffff;
	v15 =	vbroadcast v20, $0x2  }
0x1cb: {  	v31 =	vbroadcast v20, $0x0;
	v53 =	vmul.f32 v13, v13;
	v16 =	vld.idx.msk [tilespmem:v16+s14+$0x0], $0xffff;
	v52 =	vadd.s32 v3, v9  }
0x1cc: {  	v25 =	vadd.s32 v3, v25;
	v9 =	vbroadcast v20, $0x1;
	v54 =	vmul.f32 v19, v19;
	v17 =	vld.idx.msk [tilespmem:v17+s14+$0x0], $0xffff  }
0x1cd: {  	v55 =	vbroadcast v20, $0x3;
	v56 =	vmul.f32 v1, v1;
	v31 =	vadd.s32 v3, v31;
	v18 =	vld.idx.msk [tilespmem:v18+s14+$0x0], $0xffff  }
0x1ce: {  	v58 =	vmul.f32 v12, v12;
	v57 =	vadd.s32 v3, v9;
	v9 =	vmul.f32 v26, v26;
	v21 =	vld.idx.msk [tilespmem:v21+s14+$0x0], $0xffff  }
0x1cf: {  	v59 =	vbroadcast v20, $0x4;
	v15 =	vadd.s32 v3, v15;
	v60 =	vmul.f32 v29, v29;
	v22 =	vld.idx.msk [tilespmem:v22+s14+$0x0], $0xffff  }
0x1d0: {  	v7 =	vadd.f32 v9, v7;
	v61 =	vld.idx.msk [tilespmem:v11+s14+$0x0], $0xffff;
	v11 =	vadd.s32 v3, v55;
	v55 =	vmul.f32 v10, v10  }
0x1d1: {  	v62 =	vbroadcast v20, $0x6;
	v59 =	vadd.s32 v3, v59;
	v6 =	vadd.f32 v54, v6;
	v23 =	vld.idx.msk [tilespmem:v23+s14+$0x0], $0xffff  }
0x1d2: {  	v0 =	vadd.f32 v58, v0;
	v8 =	vadd.f32 v60, v8;
	v9 =	vld.idx.msk [tilespmem:v14+s14+$0x0], $0xffff;
	v14 =	vadd.s32 v3, v30  }
0x1d3: {  	v30 =	vbroadcast v20, $0xC;
	[tilespmem:v31+s18+$0x0] =	vst.idx.add.f32.msk $0xffff, v29;
	v29 =	vadd.s32 v3, v62;
	v31 =	vmul.f32 v17, v17  }
0x1d4: {  	v54 =	vmul.f32 v5, v5;
	[tilespmem:v57+s18+$0x0] =	vst.idx.add.f32.msk $0xffff, v26;
	v26 =	vmul.f32 v21, v21  }
0x1d5: {  	v8 =	vadd.f32 v55, v8;
	v57 =	vbroadcast v20, $0xD;
	[tilespmem:v15+s18+$0x0] =	vst.idx.add.f32.msk $0xffff, v12;
	v12 =	vmul.f32 v16, v16  }
0x1d6: {  	v15 =	vbroadcast v20, $0xE;
	[tilespmem:v11+s18+$0x0] =	vst.idx.add.f32.msk $0xffff, v19;
	v19 =	vadd.s32 v3, v30;
	v30 =	vmul.f32 v18, v18  }
0x1d7: {  	v20 =	vbroadcast v20, $0xF;
	v11 =	vadd.s32 v3, v57;
	v55 =	vmul.f32 v23, v23;
	[tilespmem:v59+s18+$0x0] =	vst.idx.add.f32.msk $0xffff, v10  }
0x1d8: {  	v7 =	vadd.f32 v53, v7;
	v10 =	vadd.s32 v3, v15;
	v15 =	vmul.f32 v22, v22  }
0x1d9: {  	v0 =	vadd.f32 v12, v0;
	v6 =	vadd.f32 v55, v6;
	[tilespmem:v14+s18+$0x0] =	vst.idx.add.f32.msk $0xffff, v13  }
0x1da: {  	v7 =	vadd.f32 v15, v7;
	v13 =	vmul.f32 v9, v9;
	[tilespmem:v29+s18+$0x0] =	vst.idx.add.f32.msk $0xffff, v16  }
0x1db: {  	v12 =	vmul.f32 v61, v61;
	v6 =	vadd.f32 v30, v6;
	[tilespmem:v24+s18+$0x0] =	vst.idx.add.f32.msk $0xffff, v23  }
.Ltmp3:
0x1dc: {  	v0 =	vadd.f32 v26, v0;
	v7 =	vadd.f32 v56, v7;
	[tilespmem:v27+s18+$0x0] =	vst.idx.add.f32.msk $0xffff, v61;
	(pc) =	sbr.rel @p0 .LBB2_8-.Ltmp3, $4  }
0x1dd: {  	v8 =	vadd.f32 v12, v8;
	v6 =	vadd.f32 v54, v6;
	[tilespmem:v28+s18+$0x0] =	vst.idx.add.f32.msk $0xffff, v22  }
0x1de: {  	v12 =	vadd.s32 v3, v20;
	v0 =	vadd.f32 v13, v0;
	[tilespmem:v25+s18+$0x0] =	vst.idx.add.f32.msk $0xffff, v21  }
0x1df: {  	v8 =	vadd.f32 v31, v8;
	[tilespmem:v52+s18+$0x0] =	vst.idx.add.f32.msk $0xffff, v18  }
0x1e0: {  	[tilespmem:v19+s18+$0x0] =	vst.idx.add.f32.msk $0xffff, v17  }
0x1e1: {  	_ =	sdelay $0x3  }
0x1e2: {  	[tilespmem:v11+s18+$0x0] =	vst.idx.add.f32.msk $0xffff, v1  }
0x1e3: {  	[tilespmem:v10+s18+$0x0] =	vst.idx.add.f32.msk $0xffff, v9  }
0x1e4: {  	[tilespmem:v12+s18+$0x0] =	vst.idx.add.f32.msk $0xffff, v5  }
0x1e5: {  	v46 =	vld [tilespmem:$0x1FDD0];
	_ =	swait.ge [sflag:s20], $0x2000  }
0x1e6: {  	v37 =	vld [tilespmem:$0x1FD50]  }
0x1e7: {  	v36 =	vld [tilespmem:$0x1FD40]  }
0x1e8: {  	v35 =	vld [tilespmem:$0x1FD30]  }
0x1e9: {  	v34 =	vld [tilespmem:$0x1FD20]  }
0x1ea: {  	v33 =	vld [tilespmem:$0x1FD10]  }
0x1eb: {  	v47 =	vld [tilespmem:$0x1FDE0]  }
0x1ec: {  	v32 =	vld [tilespmem:$0x1FD00]  }
0x1ed: {  	v44 =	vld [tilespmem:$0x1FDF0]  }
0x1ee: {  	v38 =	vld [tilespmem:$0x1FD60]  }
0x1ef: {  	v45 =	vld [tilespmem:$0x1FDC0]  }
0x1f0: {  	s25 =	simm.s32 $0x0;
	v43 =	vld [tilespmem:$0x1FDB0]  }
0x1f1: {  	[sflag:s20] =	ssyncset.done $0x0;
	v42 =	vld [tilespmem:$0x1FDA0];
	v1 =	vadd.s32 s25, v46  }
0x1f2: {  	s24 =	simm.s32 $0x400;
	v41 =	vld [tilespmem:$0x1FD90];
	[sflag:s20] =	ssyncadd.s32 $0xFFFFE000;
	v5 =	vadd.s32 s25, v37  }
0x1f3: {  	v12 =	vld [tilespmem:s24+$0x0];
	v9 =	vadd.s32 s25, v36  }
0x1f4: {  	v40 =	vld [tilespmem:$0x1FD80];
	v10 =	vadd.s32 s25, v35  }
0x1f5: {  	v39 =	vld [tilespmem:$0x1FD70];
	v11 =	vadd.s32 s25, v34  }
0x1f6: {  	v13 =	vadd.s32 s25, v33;
	v1 =	vld.idx.msk [tilespmem:v1+s14+$0x0], $0xffff  }
0x1f7: {  	v14 =	vadd.s32 s25, v47;
	v15 =	vadd.s32 s25, v32;
	v16 =	vld.idx.msk [tilespmem:v5+s14+$0x0], $0xffff  }
0x1f8: {  	v17 =	vadd.s32 s25, v38;
	v18 =	vadd.s32 s25, v45;
	v23 =	vbroadcast v12, $0x7;
	v9 =	vld.idx.msk [tilespmem:v9+s14+$0x0], $0xffff  }
0x1f9: {  	v19 =	vadd.s32 s25, v43;
	v24 =	vbroadcast v12, $0xA;
	v26 =	vbroadcast v12, $0x8;
	v10 =	vld.idx.msk [tilespmem:v10+s14+$0x0], $0xffff  }
0x1fa: {  	v22 =	vadd.s32 s25, v40;
	v27 =	vbroadcast v12, $0x9;
	v28 =	vbroadcast v12, $0x5;
	v11 =	vld.idx.msk [tilespmem:v11+s14+$0x0], $0xffff  }
0x1fb: {  	v20 =	vadd.s32 s25, v42;
	v29 =	vbroadcast v12, $0xB;
	v30 =	vbroadcast v12, $0x2;
	v13 =	vld.idx.msk [tilespmem:v13+s14+$0x0], $0xffff  }
0x1fc: {  	v21 =	vadd.s32 s25, v41;
	v31 =	vbroadcast v12, $0x0;
	v53 =	vbroadcast v12, $0x1;
	v15 =	vld.idx.msk [tilespmem:v15+s14+$0x0], $0xffff  }
0x1fd: {  	v25 =	vadd.s32 s25, v39;
	v55 =	vbroadcast v12, $0x3;
	v59 =	vbroadcast v12, $0x4;
	v17 =	vld.idx.msk [tilespmem:v17+s14+$0x0], $0xffff  }
0x1fe: {  	v61 =	vbroadcast v12, $0x6;
	v23 =	vadd.s32 v3, v23;
	v26 =	vadd.s32 v3, v26;
	v18 =	vld.idx.msk [tilespmem:v18+s14+$0x0], $0xffff  }
0x1ff: {  	v27 =	vadd.s32 v3, v27;
	v29 =	vadd.s32 v3, v29;
	v5 =	vadd.s32 s25, v44;
	v22 =	vld.idx.msk [tilespmem:v22+s14+$0x0], $0xffff  }
0x200: {  	v24 =	vadd.s32 v3, v24;
	v31 =	vadd.s32 v3, v31;
	v19 =	vld.idx.msk [tilespmem:v19+s14+$0x0], $0xffff;
	v56 =	vmul.f32 v1, v1  }
0x201: {  	v53 =	vadd.s32 v3, v53;
	v20 =	vld.idx.msk [tilespmem:v20+s14+$0x0], $0xffff;
	v52 =	vmul.f32 v16, v16;
	v54 =	vmul.f32 v10, v10  }
0x202: {  	v30 =	vadd.s32 v3, v30;
	v21 =	vld.idx.msk [tilespmem:v21+s14+$0x0], $0xffff;
	v57 =	vmul.f32 v13, v13;
	v58 =	vmul.f32 v11, v11  }
0x203: {  	v55 =	vadd.s32 v3, v55;
	v25 =	vld.idx.msk [tilespmem:v25+s14+$0x0], $0xffff;
	v60 =	vmul.f32 v15, v15;
	v50 =	vmul.f32 v9, v9  }
0x204: {  	v59 =	vadd.s32 v3, v59;
	v5 =	vld.idx.msk [tilespmem:v5+s14+$0x0], $0xffff;
	v49 =	vmul.f32 v17, v17;
	v62 =	vmul.f32 v22, v22  }
0x205: {  	v7 =	vadd.f32 v57, v7;
	v54 =	vadd.f32 v54, v6;
	v6 =	vld.idx.msk [tilespmem:v14+s14+$0x0], $0xffff;
	v14 =	vadd.s32 v3, v28  }
0x206: {  	v8 =	vadd.f32 v60, v8;
	v0 =	vadd.f32 v58, v0;
	[tilespmem:v31+s18+$0x0] =	vst.idx.add.f32.msk $0xffff, v15  }
0x207: {  	v48 =	vbroadcast v12, $0xD;
	v15 =	vadd.s32 v3, v61;
	v31 =	vmul.f32 v18, v18;
	[tilespmem:v53+s18+$0x0] =	vst.idx.add.f32.msk $0xffff, v13  }
0x208: {  	v61 =	vmul.f32 v21, v21;
	v13 =	vmul.f32 v20, v20;
	[tilespmem:v30+s18+$0x0] =	vst.idx.add.f32.msk $0xffff, v11  }
0x209: {  	v60 =	vbroadcast v12, $0xE;
	v11 =	vadd.f32 v50, v8;
	v50 =	vmul.f32 v19, v19;
	[tilespmem:v55+s18+$0x0] =	vst.idx.add.f32.msk $0xffff, v10  }
0x20a: {  	v8 =	vadd.s32 v3, v48;
	v52 =	vadd.f32 v52, v7;
	[tilespmem:v59+s18+$0x0] =	vst.idx.add.f32.msk $0xffff, v9  }
0x20b: {  	v63 =	vbroadcast v12, $0xC;
	v7 =	vadd.s32 v3, v60;
	v9 =	vmul.f32 v25, v25;
	[tilespmem:v14+s18+$0x0] =	vst.idx.add.f32.msk $0xffff, v16  }
0x20c: {  	v0 =	vadd.f32 v49, v0;
	v53 =	vmul.f32 v5, v5;
	[tilespmem:v15+s18+$0x0] =	vst.idx.add.f32.msk $0xffff, v17  }
0x20d: {  	v10 =	vadd.s32 v3, v63;
	v9 =	vadd.f32 v9, v54;
	[tilespmem:v23+s18+$0x0] =	vst.idx.add.f32.msk $0xffff, v25  }
0x20e: {  	v0 =	vadd.f32 v13, v0;
	v13 =	vadd.f32 v62, v11;
	[tilespmem:v26+s18+$0x0] =	vst.idx.add.f32.msk $0xffff, v22  }
0x20f: {  	v63 =	vbroadcast v12, $0xF;
	v14 =	vadd.f32 v61, v52;
	v9 =	vadd.f32 v50, v9;
	[tilespmem:v27+s18+$0x0] =	vst.idx.add.f32.msk $0xffff, v21  }
0x210: {  	v15 =	vmul.f32 v6, v6;
	v13 =	vadd.f32 v31, v13;
	[tilespmem:v24+s18+$0x0] =	vst.idx.add.f32.msk $0xffff, v20  }
0x211: {  	v11 =	vadd.f32 v53, v9;
	v9 =	vadd.s32 v3, v63;
	[tilespmem:v29+s18+$0x0] =	vst.idx.add.f32.msk $0xffff, v19  }
0x212: {  	s25 =	simm.s32 $0x10;
	v12 =	vadd.f32 v56, v14;
	v0 =	vadd.f32 v15, v0;
	[tilespmem:v10+s18+$0x0] =	vst.idx.add.f32.msk $0xffff, v18  }
.LBB2_10:
0x213: {  	p0 =	sne.s32 s25, $0x1F0  }
0x214: {  	v10 =	vadd.s32 s25, v46;
	v14 =	vadd.s32 s25, v47;
	v15 =	vadd.s32 s25, v44;
	[tilespmem:v8+s18+$0x0] =	vst.idx.add.f32.msk $0xffff, v1;
	s24 =	sadd.s32 $0x10, s24;
	s26 =	smov.u32 s25;
	s25 =	sadd.s32 $0x10, s25  }
0x215: {  	v8 =	vadd.s32 s26, v37;
	v16 =	vadd.s32 s26, v38;
	v17 =	vadd.s32 s26, v45;
	[tilespmem:v7+s18+$0x0] =	vst.idx.add.f32.msk $0xffff, v6  }
0x216: {  	v6 =	vadd.s32 s26, v32;
	v7 =	vadd.s32 s26, v36;
	v18 =	vadd.s32 s26, v43;
	[tilespmem:v9+s18+$0x0] =	vst.idx.add.f32.msk $0xffff, v5  }
0x217: {  	v19 =	vadd.s32 s26, v35;
	v5 =	vadd.s32 s26, v33;
	v9 =	vadd.s32 s26, v34  }
0x218: {  	v21 =	vadd.s32 s26, v42;
	v20 =	vld [tilespmem:s24+$0x0]  }
0x219: {  	v22 =	vadd.s32 s26, v41;
	v1 =	vld.idx.msk [tilespmem:v10+s14+$0x0], $0xffff  }
0x21a: {  	v10 =	vld.idx.msk [tilespmem:v8+s14+$0x0], $0xffff;
	v8 =	vadd.s32 s26, v40  }
0x21b: {  	v23 =	vadd.s32 s26, v39;
	v7 =	vld.idx.msk [tilespmem:v7+s14+$0x0], $0xffff  }
0x21c: {  	v19 =	vld.idx.msk [tilespmem:v19+s14+$0x0], $0xffff  }
0x21d: {  	v9 =	vld.idx.msk [tilespmem:v9+s14+$0x0], $0xffff;
	v24 =	vbroadcast v20, $0x7;
	v25 =	vbroadcast v20, $0xA  }
0x21e: {  	v27 =	vbroadcast v20, $0x8;
	v28 =	vbroadcast v20, $0x9;
	v26 =	vld.idx.msk [tilespmem:v5+s14+$0x0], $0xffff  }
0x21f: {  	v30 =	vbroadcast v20, $0x5;
	v29 =	vld.idx.msk [tilespmem:v6+s14+$0x0], $0xffff;
	v6 =	vbroadcast v20, $0xB;
	v24 =	vadd.s32 v3, v24  }
0x220: {  	v27 =	vadd.s32 v3, v27;
	v28 =	vadd.s32 v3, v28;
	v5 =	vld.idx.msk [tilespmem:v15+s14+$0x0], $0xffff;
	v15 =	vbroadcast v20, $0x2  }
0x221: {  	v31 =	vbroadcast v20, $0x0;
	v53 =	vmul.f32 v10, v10;
	v16 =	vld.idx.msk [tilespmem:v16+s14+$0x0], $0xffff;
	v52 =	vadd.s32 v3, v6  }
0x222: {  	v25 =	vadd.s32 v3, v25;
	v6 =	vbroadcast v20, $0x1;
	v54 =	vmul.f32 v19, v19;
	v17 =	vld.idx.msk [tilespmem:v17+s14+$0x0], $0xffff  }
0x223: {  	v55 =	vbroadcast v20, $0x3;
	v56 =	vmul.f32 v1, v1;
	v31 =	vadd.s32 v3, v31;
	v18 =	vld.idx.msk [tilespmem:v18+s14+$0x0], $0xffff  }
0x224: {  	v58 =	vmul.f32 v9, v9;
	v57 =	vadd.s32 v3, v6;
	v6 =	vmul.f32 v26, v26;
	v21 =	vld.idx.msk [tilespmem:v21+s14+$0x0], $0xffff  }
0x225: {  	v59 =	vbroadcast v20, $0x4;
	v15 =	vadd.s32 v3, v15;
	v60 =	vmul.f32 v29, v29;
	v22 =	vld.idx.msk [tilespmem:v22+s14+$0x0], $0xffff  }
0x226: {  	v12 =	vadd.f32 v6, v12;
	v61 =	vld.idx.msk [tilespmem:v8+s14+$0x0], $0xffff;
	v8 =	vadd.s32 v3, v55;
	v55 =	vmul.f32 v7, v7  }
0x227: {  	v62 =	vbroadcast v20, $0x6;
	v59 =	vadd.s32 v3, v59;
	v11 =	vadd.f32 v54, v11;
	v23 =	vld.idx.msk [tilespmem:v23+s14+$0x0], $0xffff  }
0x228: {  	v0 =	vadd.f32 v58, v0;
	v13 =	vadd.f32 v60, v13;
	v6 =	vld.idx.msk [tilespmem:v14+s14+$0x0], $0xffff;
	v14 =	vadd.s32 v3, v30  }
0x229: {  	v30 =	vbroadcast v20, $0xC;
	[tilespmem:v31+s18+$0x0] =	vst.idx.add.f32.msk $0xffff, v29;
	v29 =	vadd.s32 v3, v62;
	v31 =	vmul.f32 v17, v17  }
0x22a: {  	v54 =	vmul.f32 v5, v5;
	[tilespmem:v57+s18+$0x0] =	vst.idx.add.f32.msk $0xffff, v26;
	v26 =	vmul.f32 v21, v21  }
0x22b: {  	v57 =	vbroadcast v20, $0xD;
	[tilespmem:v15+s18+$0x0] =	vst.idx.add.f32.msk $0xffff, v9;
	v9 =	vadd.f32 v55, v13;
	v13 =	vmul.f32 v16, v16  }
0x22c: {  	v15 =	vbroadcast v20, $0xE;
	[tilespmem:v8+s18+$0x0] =	vst.idx.add.f32.msk $0xffff, v19;
	v19 =	vadd.s32 v3, v30;
	v30 =	vmul.f32 v18, v18  }
0x22d: {  	v20 =	vbroadcast v20, $0xF;
	v8 =	vadd.s32 v3, v57;
	v55 =	vmul.f32 v23, v23;
	[tilespmem:v59+s18+$0x0] =	vst.idx.add.f32.msk $0xffff, v7  }
0x22e: {  	v12 =	vadd.f32 v53, v12;
	v7 =	vadd.s32 v3, v15;
	v15 =	vmul.f32 v22, v22  }
0x22f: {  	v0 =	vadd.f32 v13, v0;
	[tilespmem:v14+s18+$0x0] =	vst.idx.add.f32.msk $0xffff, v10;
	v10 =	vadd.f32 v55, v11  }
0x230: {  	v13 =	vmul.f32 v6, v6;
	v11 =	vadd.f32 v15, v12;
	[tilespmem:v29+s18+$0x0] =	vst.idx.add.f32.msk $0xffff, v16  }
0x231: {  	v14 =	vmul.f32 v61, v61;
	[tilespmem:v24+s18+$0x0] =	vst.idx.add.f32.msk $0xffff, v23;
	v10 =	vadd.f32 v30, v10  }
.Ltmp4:
0x232: {  	v0 =	vadd.f32 v26, v0;
	v12 =	vadd.f32 v56, v11;
	[tilespmem:v27+s18+$0x0] =	vst.idx.add.f32.msk $0xffff, v61;
	(pc) =	sbr.rel @p0 .LBB2_10-.Ltmp4, $4  }
0x233: {  	v14 =	vadd.f32 v14, v9;
	[tilespmem:v28+s18+$0x0] =	vst.idx.add.f32.msk $0xffff, v22;
	v11 =	vadd.f32 v54, v10  }
0x234: {  	v9 =	vadd.s32 v3, v20;
	v0 =	vadd.f32 v13, v0;
	[tilespmem:v25+s18+$0x0] =	vst.idx.add.f32.msk $0xffff, v21  }
0x235: {  	v13 =	vadd.f32 v31, v14;
	[tilespmem:v52+s18+$0x0] =	vst.idx.add.f32.msk $0xffff, v18  }
0x236: {  	[tilespmem:v19+s18+$0x0] =	vst.idx.add.f32.msk $0xffff, v17  }
0x237: {  	v17 =	vld [tilespmem:$0x1FE00];
	_ =	sdelay $0x3  }
0x238: {  	[tilespmem:v8+s18+$0x0] =	vst.idx.add.f32.msk $0xffff, v1  }
0x239: {  	s25 =	simm.s32 $0x0;
	[tilespmem:v7+s18+$0x0] =	vst.idx.add.f32.msk $0xffff, v6;
	v54 =	vadd.s32 $0x618E, v17  }
0x23a: {  	[tilespmem:v9+s18+$0x0] =	vst.idx.add.f32.msk $0xffff, v5;
	v53 =	vadd.s32 $0x618D, v17;
	v5 =	vadd.s32 s25, v54  }
0x23b: {  	_ =	swait.ge [sflag:s21], $0x2000;
	v55 =	vadd.s32 $0x618F, v17;
	v8 =	vadd.s32 s25, v53  }
0x23c: {  	[sflag:s21] =	ssyncset.done $0x0;
	v56 =	vadd.s32 $0x618A, v17;
	v10 =	vadd.s32 s25, v55  }
0x23d: {  	s24 =	simm.s32 $0x600;
	[sflag:s21] =	ssyncadd.s32 $0xFFFFE000;
	v62 =	vadd.s32 $0x6187, v17;
	v14 =	vadd.s32 s25, v56  }
0x23e: {  	v63 =	vadd.s32 $0x6180, v17;
	v30 =	vld [tilespmem:s24+$0x0];
	v16 =	vadd.s32 s25, v62  }
0x23f: {  	v6 =	vadd.s32 $0x6181, v17;
	v28 =	vadd.s32 s25, v63;
	v5 =	vld.idx.msk [tilespmem:v5+s14+$0x0], $0xffff  }
0x240: {  	v58 =	vadd.s32 $0x6189, v17;
	v15 =	vadd.s32 s25, v6;
	v9 =	vld.idx.msk [tilespmem:v8+s14+$0x0], $0xffff  }
0x241: {  	v52 =	vadd.s32 $0x6183, v17;
	v7 =	vadd.s32 $0x6182, v17;
	v19 =	vadd.s32 s25, v58;
	v10 =	vld.idx.msk [tilespmem:v10+s14+$0x0], $0xffff  }
0x242: {  	v57 =	vadd.s32 $0x6184, v17;
	v61 =	vadd.s32 $0x6185, v17;
	v25 =	vadd.s32 s25, v7;
	v14 =	vld.idx.msk [tilespmem:v14+s14+$0x0], $0xffff  }
0x243: {  	v59 =	vadd.s32 $0x618B, v17;
	v60 =	vadd.s32 $0x618C, v17;
	v22 =	vadd.s32 s25, v61;
	v32 =	vld.idx.msk [tilespmem:v16+s14+$0x0], $0xffff  }
0x244: {  	v1 =	vadd.s32 $0x6188, v17;
	v29 =	vadd.s32 s25, v60;
	v34 =	vadd.s32 s25, v57;
	v36 =	vld.idx.msk [tilespmem:v28+s14+$0x0], $0xffff  }
0x245: {  	v31 =	vadd.s32 s25, v52;
	v21 =	vadd.s32 s25, v1;
	v23 =	vbroadcast v30, $0x0;
	v39 =	vld.idx.msk [tilespmem:v15+s14+$0x0], $0xffff  }
0x246: {  	v48 =	vadd.s32 s25, v59;
	v24 =	vbroadcast v30, $0x1;
	v27 =	vbroadcast v30, $0x3;
	v15 =	vld.idx.msk [tilespmem:v19+s14+$0x0], $0xffff  }
0x247: {  	v8 =	vadd.s32 $0x6186, v17;
	v18 =	vbroadcast v30, $0x4;
	v16 =	vbroadcast v30, $0x2;
	v44 =	vld.idx.msk [tilespmem:v25+s14+$0x0], $0xffff  }
0x248: {  	v20 =	vbroadcast v30, $0x9;
	v19 =	vbroadcast v30, $0x7;
	v38 =	vld.idx.msk [tilespmem:v22+s14+$0x0], $0xffff;
	v26 =	vadd.s32 s25, v8  }
0x249: {  	v25 =	vbroadcast v30, $0xC;
	v22 =	vbroadcast v30, $0xD;
	v49 =	vld.idx.msk [tilespmem:v34+s14+$0x0], $0xffff;
	v35 =	vadd.s32 v3, v23  }
0x24a: {  	v50 =	vld.idx.msk [tilespmem:v31+s14+$0x0], $0xffff;
	v23 =	vbroadcast v30, $0xA;
	v37 =	vadd.s32 v3, v24;
	v40 =	vadd.s32 v3, v16  }
0x24b: {  	v45 =	vadd.s32 v3, v18;
	v33 =	vadd.s32 v3, v19;
	v19 =	vadd.s32 v3, v22;
	v22 =	vld.idx.msk [tilespmem:v29+s14+$0x0], $0xffff  }
0x24c: {  	v18 =	vadd.s32 v3, v25;
	v25 =	vbroadcast v30, $0xF;
	v16 =	vadd.s32 v3, v23;
	v23 =	vld.idx.msk [tilespmem:v21+s14+$0x0], $0xffff  }
0x24d: {  	v43 =	vadd.s32 v3, v27;
	v28 =	vmul.f32 v39, v39;
	v41 =	vld.idx.msk [tilespmem:v26+s14+$0x0], $0xffff  }
0x24e: {  	v21 =	vadd.s32 v3, v20;
	v20 =	vadd.s32 v3, v25;
	v25 =	vld.idx.msk [tilespmem:v48+s14+$0x0], $0xffff;
	v29 =	vmul.f32 v44, v44  }
0x24f: {  	v17 =	vbroadcast v30, $0x5;
	v48 =	vadd.f32 v28, v12;
	v12 =	vmul.f32 v38, v38;
	[tilespmem:v35+s18+$0x0] =	vst.idx.add.f32.msk $0xffff, v36  }
0x250: {  	v31 =	vmul.f32 v36, v36;
	[tilespmem:v37+s18+$0x0] =	vst.idx.add.f32.msk $0xffff, v39  }
0x251: {  	v24 =	vbroadcast v30, $0x6;
	v46 =	vadd.s32 v3, v17;
	v0 =	vadd.f32 v29, v0;
	[tilespmem:$0x1FCE0] =	vst v12  }
0x252: {  	v28 =	vadd.f32 v31, v13;
	[tilespmem:v40+s18+$0x0] =	vst.idx.add.f32.msk $0xffff, v44;
	v13 =	vmul.f32 v41, v41  }
0x253: {  	v47 =	vbroadcast v30, $0x8;
	v42 =	vadd.s32 v3, v24;
	v17 =	vmul.f32 v10, v10;
	[tilespmem:v43+s18+$0x0] =	vst.idx.add.f32.msk $0xffff, v50  }
0x254: {  	v24 =	vmul.f32 v9, v9;
	v29 =	vadd.f32 v13, v0;
	v0 =	vmul.f32 v50, v50;
	v50 =	vld [tilespmem:$0x1FCE0]  }
0x255: {  	v27 =	vadd.s32 v3, v47;
	v34 =	vmul.f32 v5, v5;
	v47 =	vmul.f32 v14, v14  }
0x256: {  	v31 =	vmul.f32 v49, v49;
	v12 =	vbroadcast v30, $0xB  }
0x257: {  	v26 =	vmul.f32 v32, v32;
	v35 =	vmul.f32 v15, v15;
	[tilespmem:v45+s18+$0x0] =	vst.idx.add.f32.msk $0xffff, v49  }
0x258: {  	v28 =	vadd.f32 v31, v28;
	v12 =	vadd.s32 v3, v12;
	[tilespmem:v46+s18+$0x0] =	vst.idx.add.f32.msk $0xffff, v38  }
0x259: {  	[tilespmem:v42+s18+$0x0] =	vst.idx.add.f32.msk $0xffff, v41;
	v51 =	vadd.f32 v47, v29;
	v36 =	vadd.f32 v50, v48  }
0x25a: {  	v30 =	vbroadcast v30, $0xE;
	v13 =	vmul.f32 v23, v23;
	[tilespmem:v33+s18+$0x0] =	vst.idx.add.f32.msk $0xffff, v32;
	v29 =	vadd.f32 v0, v11  }
0x25b: {  	s25 =	simm.s32 $0x10;
	v11 =	vmul.f32 v22, v22;
	v0 =	vadd.f32 v34, v51;
	v31 =	vadd.f32 v35, v36  }
.LBB2_12:
0x25c: {  	p0 =	sne.s32 s25, $0x1F0  }
0x25d: {  	[tilespmem:v27+s18+$0x0] =	vst.idx.add.f32.msk $0xffff, v23;
	v23 =	vadd.s32 v3, v30;
	v13 =	vadd.f32 v13, v28;
	s24 =	sadd.s32 $0x10, s24;
	s26 =	smov.u32 s25;
	s25 =	sadd.s32 $0x10, s25  }
0x25e: {  	[tilespmem:v21+s18+$0x0] =	vst.idx.add.f32.msk $0xffff, v15;
	v15 =	vadd.f32 v26, v29;
	v28 =	vadd.f32 v24, v31  }
0x25f: {  	[tilespmem:v16+s18+$0x0] =	vst.idx.add.f32.msk $0xffff, v14;
	v14 =	vmul.f32 v25, v25;
	v11 =	vadd.f32 v11, v13  }
0x260: {  	[tilespmem:v12+s18+$0x0] =	vst.idx.add.f32.msk $0xffff, v25  }
0x261: {  	v12 =	vadd.s32 s26, v54;
	[tilespmem:v18+s18+$0x0] =	vst.idx.add.f32.msk $0xffff, v22;
	v13 =	vadd.f32 v14, v15  }
0x262: {  	v14 =	vadd.s32 s26, v55;
	[tilespmem:v19+s18+$0x0] =	vst.idx.add.f32.msk $0xffff, v9  }
0x263: {  	v9 =	vadd.s32 s26, v53;
	[tilespmem:v23+s18+$0x0] =	vst.idx.add.f32.msk $0xffff, v5  }
0x264: {  	v29 =	vadd.f32 v17, v13;
	[tilespmem:v20+s18+$0x0] =	vst.idx.add.f32.msk $0xffff, v10  }
0x265: {  	v13 =	vadd.s32 s26, v60;
	v30 =	vld [tilespmem:s24+$0x0]  }
0x266: {  	v16 =	vadd.s32 s26, v56;
	v15 =	vadd.s32 s26, v63  }
0x267: {  	v18 =	vadd.s32 s26, v62;
	v17 =	vadd.s32 s26, v6;
	v5 =	vld.idx.msk [tilespmem:v12+s14+$0x0], $0xffff  }
0x268: {  	v19 =	vadd.s32 s26, v58;
	v20 =	vadd.s32 s26, v57;
	v12 =	vadd.s32 s26, v7;
	v9 =	vld.idx.msk [tilespmem:v9+s14+$0x0], $0xffff  }
0x269: {  	v21 =	vadd.s32 s26, v61;
	v22 =	vadd.s32 s26, v52  }
0x26a: {  	v23 =	vadd.s32 s26, v8;
	v10 =	vld.idx.msk [tilespmem:v14+s14+$0x0], $0xffff;
	v24 =	vbroadcast v30, $0x0;
	v25 =	vbroadcast v30, $0x1  }
0x26b: {  	v26 =	vadd.s32 s26, v1;
	v27 =	vbroadcast v30, $0x4;
	v14 =	vld.idx.msk [tilespmem:v16+s14+$0x0], $0xffff;
	v16 =	vbroadcast v30, $0x3  }
0x26c: {  	v32 =	vbroadcast v30, $0x5;
	v31 =	vld.idx.msk [tilespmem:v18+s14+$0x0], $0xffff;
	v18 =	vbroadcast v30, $0x2;
	v33 =	vadd.s32 v3, v24  }
0x26d: {  	v35 =	vbroadcast v30, $0x8;
	v24 =	vbroadcast v30, $0xA;
	v36 =	vadd.s32 v3, v25;
	v34 =	vld.idx.msk [tilespmem:v15+s14+$0x0], $0xffff  }
0x26e: {  	v25 =	vbroadcast v30, $0x9;
	v37 =	vld.idx.msk [tilespmem:v17+s14+$0x0], $0xffff;
	v17 =	vbroadcast v30, $0x6;
	v38 =	vadd.s32 v3, v18  }
0x26f: {  	v39 =	vadd.s32 s26, v59;
	v40 =	vbroadcast v30, $0xB;
	v18 =	vbroadcast v30, $0x7;
	v15 =	vld.idx.msk [tilespmem:v19+s14+$0x0], $0xffff  }
0x270: {  	v41 =	vadd.s32 v3, v16;
	v16 =	vadd.s32 v3, v24;
	v19 =	vbroadcast v30, $0xC;
	v12 =	vld.idx.msk [tilespmem:v12+s14+$0x0], $0xffff  }
0x271: {  	v43 =	vadd.s32 v3, v27;
	v44 =	vadd.s32 v3, v18;
	v42 =	vld.idx.msk [tilespmem:v21+s14+$0x0], $0xffff;
	v21 =	vbroadcast v30, $0xD  }
0x272: {  	v32 =	vadd.s32 v3, v32;
	v46 =	vadd.s32 v3, v17;
	v18 =	vadd.s32 v3, v19;
	v45 =	vld.idx.msk [tilespmem:v23+s14+$0x0], $0xffff  }
0x273: {  	v17 =	vmul.f32 v10, v10;
	v23 =	vld.idx.msk [tilespmem:v26+s14+$0x0], $0xffff;
	v26 =	vbroadcast v30, $0xF;
	v19 =	vadd.s32 v3, v21  }
0x274: {  	v48 =	vmul.f32 v5, v5;
	v24 =	vmul.f32 v9, v9;
	v21 =	vadd.s32 v3, v25;
	v47 =	vld.idx.msk [tilespmem:v20+s14+$0x0], $0xffff  }
0x275: {  	v50 =	vmul.f32 v37, v37;
	v49 =	vld.idx.msk [tilespmem:v22+s14+$0x0], $0xffff;
	v20 =	vadd.s32 v3, v26;
	v26 =	vmul.f32 v31, v31  }
0x276: {  	v27 =	vadd.s32 v3, v35;
	v35 =	vmul.f32 v14, v14;
	v22 =	vld.idx.msk [tilespmem:v13+s14+$0x0], $0xffff;
	v13 =	vmul.f32 v12, v12  }
0x277: {  	v28 =	vadd.f32 v50, v28;
	v50 =	vmul.f32 v42, v42;
	v25 =	vld.idx.msk [tilespmem:v39+s14+$0x0], $0xffff;
	v39 =	vmul.f32 v34, v34  }
0x278: {  	[tilespmem:v33+s18+$0x0] =	vst.idx.add.f32.msk $0xffff, v34;
	v0 =	vadd.f32 v13, v0;
	v33 =	vmul.f32 v15, v15  }
0x279: {  	v13 =	vmul.f32 v45, v45;
	[tilespmem:v36+s18+$0x0] =	vst.idx.add.f32.msk $0xffff, v37;
	v11 =	vadd.f32 v39, v11  }
0x27a: {  	v34 =	vmul.f32 v47, v47;
	[tilespmem:v38+s18+$0x0] =	vst.idx.add.f32.msk $0xffff, v12;
	v12 =	vadd.s32 v3, v40  }
.Ltmp5:
0x27b: {  	v0 =	vadd.f32 v13, v0;
	v13 =	vmul.f32 v23, v23;
	[tilespmem:v41+s18+$0x0] =	vst.idx.add.f32.msk $0xffff, v49;
	(pc) =	sbr.rel @p0 .LBB2_12-.Ltmp5, $4  }
0x27c: {  	v37 =	vadd.f32 v50, v28;
	v36 =	vmul.f32 v49, v49;
	[tilespmem:v43+s18+$0x0] =	vst.idx.add.f32.msk $0xffff, v47  }
0x27d: {  	v28 =	vadd.f32 v34, v11;
	v0 =	vadd.f32 v35, v0;
	[tilespmem:v32+s18+$0x0] =	vst.idx.add.f32.msk $0xffff, v42  }
0x27e: {  	v30 =	vbroadcast v30, $0xE;
	v11 =	vmul.f32 v22, v22;
	v29 =	vadd.f32 v36, v29;
	[tilespmem:v46+s18+$0x0] =	vst.idx.add.f32.msk $0xffff, v45  }
0x27f: {  	v0 =	vadd.f32 v48, v0;
	[tilespmem:v44+s18+$0x0] =	vst.idx.add.f32.msk $0xffff, v31;
	v31 =	vadd.f32 v33, v37  }
0x280: {  	_ =	sdelay $0x2  }
0x281: {  	v1 =	vadd.f32 v13, v28  }
0x282: {  	[tilespmem:v27+s18+$0x0] =	vst.idx.add.f32.msk $0xffff, v23;
	v6 =	vadd.f32 v26, v29  }
0x283: {  	v8 =	vmul.f32 v25, v25;
	v7 =	vadd.f32 v24, v31;
	v1 =	vadd.f32 v11, v1  }
0x284: {  	v63 =	vadd.s32 v3, v30;
	[tilespmem:v21+s18+$0x0] =	vst.idx.add.f32.msk $0xffff, v15  }
0x285: {  	[tilespmem:v16+s18+$0x0] =	vst.idx.add.f32.msk $0xffff, v14;
	v6 =	vadd.f32 v8, v6;
	v1 =	vadd.f32 v7, v1  }
0x286: {  	[tilespmem:v12+s18+$0x0] =	vst.idx.add.f32.msk $0xffff, v25  }
0x287: {  	[tilespmem:v18+s18+$0x0] =	vst.idx.add.f32.msk $0xffff, v22;
	v6 =	vadd.f32 v17, v6;
	v0 =	vadd.f32 v0, v1  }
0x288: {  	[tilespmem:v19+s18+$0x0] =	vst.idx.add.f32.msk $0xffff, v9  }
0x289: {  	[tilespmem:v63+s18+$0x0] =	vst.idx.add.f32.msk $0xffff, v5;
	v0 =	vadd.f32 v6, v0  }
0x28a: {  	[tilespmem:v20+s18+$0x0] =	vst.idx.add.f32.msk $0xffff, v10  }
0x28b: {  	[tilespmem:$0x10B00] =	vst v0  }
0x28c: {  	[hbm4b:s8+s2] =	stream.linear.scatter [tilespmem:s18], [sflag:$0x6], $0x400, $0x38;
	[tilespmem:$0x10B10] =	vst v63  }
0x28d: {  	s24 =	sadd.s32 $0x80, s8;
	s25 =	simm.s32 $0x8E08  }
0x28e: {  	[hbm4b:s24+s2] =	stream.linear.scatter [tilespmem:s25], [sflag:$0x6], $0x400, $0x38;
	[tilespmem:$0x10B10] =	vst v63  }
0x28f: {  	s26 =	simm.s32 $0x9210;
	s25 =	sadd.s32 $0x100, s8  }
0x290: {  	[hbm4b:s25+s2] =	stream.linear.scatter [tilespmem:s26], [sflag:$0x6], $0x400, $0x38;
	[tilespmem:$0x10B10] =	vst v63  }
0x291: {  	s25 =	sadd.s32 $0x180, s8;
	s26 =	simm.s32 $0x9618  }
0x292: {  	[hbm4b:s25+s2] =	stream.linear.scatter [tilespmem:s26], [sflag:$0x6], $0x400, $0x38;
	[tilespmem:$0x10B10] =	vst v63  }
0x293: {  	s25 =	sadd.s32 $0x200, s8;
	s26 =	simm.s32 $0x9A20  }
0x294: {  	[hbm4b:s25+s2] =	stream.linear.scatter [tilespmem:s26], [sflag:$0x6], $0x400, $0x38;
	[tilespmem:$0x10B10] =	vst v63  }
0x295: {  	s25 =	sadd.s32 $0x280, s8;
	s26 =	simm.s32 $0x9E28  }
0x296: {  	[hbm4b:s25+s2] =	stream.linear.scatter [tilespmem:s26], [sflag:$0x6], $0x400, $0x38;
	[tilespmem:$0x10B10] =	vst v63  }
0x297: {  	s25 =	sadd.s32 $0x300, s8;
	s26 =	simm.s32 $0xA230  }
0x298: {  	[hbm4b:s25+s2] =	stream.linear.scatter [tilespmem:s26], [sflag:$0x6], $0x400, $0x38;
	[tilespmem:$0x10B10] =	vst v63  }
0x299: {  	s25 =	sadd.s32 $0x380, s8;
	s26 =	simm.s32 $0xA638  }
0x29a: {  	[hbm4b:s25+s2] =	stream.linear.scatter [tilespmem:s26], [sflag:$0x6], $0x400, $0x38;
	[tilespmem:$0x10B10] =	vst v63  }
0x29b: {  	s25 =	sadd.s32 $0x400, s8;
	s26 =	simm.s32 $0xAA40  }
0x29c: {  	[hbm4b:s25+s2] =	stream.linear.scatter [tilespmem:s26], [sflag:$0x6], $0x400, $0x38;
	[tilespmem:$0x10B10] =	vst v63  }
0x29d: {  	s25 =	sadd.s32 $0x480, s8;
	s26 =	simm.s32 $0xAE48  }
0x29e: {  	[hbm4b:s25+s2] =	stream.linear.scatter [tilespmem:s26], [sflag:$0x6], $0x400, $0x38;
	[tilespmem:$0x10B10] =	vst v63  }
0x29f: {  	s25 =	sadd.s32 $0x500, s8;
	s26 =	simm.s32 $0xB250  }
0x2a0: {  	[hbm4b:s25+s2] =	stream.linear.scatter [tilespmem:s26], [sflag:$0x6], $0x400, $0x38;
	[tilespmem:$0x10B10] =	vst v63  }
0x2a1: {  	s25 =	sadd.s32 $0x580, s8;
	s26 =	simm.s32 $0xB658  }
0x2a2: {  	[hbm4b:s25+s2] =	stream.linear.scatter [tilespmem:s26], [sflag:$0x6], $0x400, $0x38;
	[tilespmem:$0x10B10] =	vst v63  }
0x2a3: {  	s25 =	sadd.s32 $0x600, s8;
	s26 =	simm.s32 $0xBA60  }
0x2a4: {  	[hbm4b:s25+s2] =	stream.linear.scatter [tilespmem:s26], [sflag:$0x6], $0x400, $0x38;
	[tilespmem:$0x10B10] =	vst v63  }
0x2a5: {  	s25 =	sadd.s32 $0x680, s8;
	s26 =	simm.s32 $0xBE68  }
0x2a6: {  	[hbm4b:s25+s2] =	stream.linear.scatter [tilespmem:s26], [sflag:$0x6], $0x400, $0x38;
	[tilespmem:$0x10B10] =	vst v63  }
0x2a7: {  	s25 =	sadd.s32 $0x700, s8;
	s26 =	simm.s32 $0xC270  }
0x2a8: {  	[hbm4b:s25+s2] =	stream.linear.scatter [tilespmem:s26], [sflag:$0x6], $0x400, $0x38;
	[tilespmem:$0x10B10] =	vst v63  }
0x2a9: {  	s25 =	sadd.s32 $0x780, s8;
	s26 =	simm.s32 $0xC678  }
0x2aa: {  	[hbm4b:s25+s2] =	stream.linear.scatter [tilespmem:s26], [sflag:$0x6], $0x400, $0x38;
	[tilespmem:$0x10B10] =	vst v63  }
0x2ab: {  	_ =	swait.ge [sflag:s22], $0x4000  }
0x2ac: {  	[sflag:s22] =	ssyncset.done $0x0  }
0x2ad: {  	s26 =	rddreg [dreg:$0x8];
	[sflag:s22] =	ssyncadd.s32 $0xFFFFC000  }
0x2ae: {  	[hbm4b:s26+s2] =	stream.linear.scatter [tilespmem:s16], [sflag:$0x6], $0x400, $0x38;
	[tilespmem:$0x10B10] =	vst v63  }
0x2af: {  	_ =	swait.ge [sflag:s22], $0x400  }
0x2b0: {  	[sflag:s22] =	ssyncset.done $0x0  }
0x2b1: {  	s26 =	simm.s32 $0x10B00;
	s25 =	rddreg [dreg:$0x9];
	[sflag:s22] =	ssyncadd.s32 $0xFFFFFC00  }
0x2b2: {  	[hbm4b:s25+s2] =	stream.linear.scatter [tilespmem:s26], [sflag:$0x6], $0x10, $0x38;
	[tilespmem:$0x10B10] =	vst v63  }
0x2b3: {  	_ =	swait.ge [sflag:s22], $0x10  }
0x2b4: {  	v40 =	vld [tilespmem:$0x1FE00]  }
0x2b5: {  	v19 =	vld [tilespmem:$0x1FE10]  }
0x2b6: {  	v41 =	vld [tilespmem:$0x1FE20]  }
0x2b7: {  	v42 =	vld [tilespmem:$0x1FE30]  }
0x2b8: {  	v34 =	vld [tilespmem:$0x1FE40]  }
0x2b9: {  	v35 =	vld [tilespmem:$0x1FE50]  }
0x2ba: {  	v36 =	vld [tilespmem:$0x1FE60]  }
0x2bb: {  	v37 =	vld [tilespmem:$0x1FE70]  }
0x2bc: {  	v38 =	vld [tilespmem:$0x1FE80]  }
0x2bd: {  	v39 =	vld [tilespmem:$0x1FE90]  }
0x2be: {  	v33 =	vld [tilespmem:$0x1FEA0]  }
0x2bf: {  	v32 =	vld [tilespmem:$0x1FEB0]  }
0x2c0: {  	v43 =	vld [tilespmem:$0x1FEC0]  }
0x2c1: {  	v44 =	vld [tilespmem:$0x1FED0]  }
0x2c2: {  	v45 =	vld [tilespmem:$0x1FEE0]  }
0x2c3: {  	s23 =	sadd.s32 $0x1, s23;
	s26 =	rddreg [dreg:$0xa];
	v46 =	vld [tilespmem:$0x1FEF0]  }
0x2c4: {  	v47 =	vld [tilespmem:$0x1FF00];
	p0 =	sne.s32 s23, s26  }
.Ltmp6:
0x2c5: {  	v48 =	vld [tilespmem:$0x1FF10];
	(pc) =	sbr.rel @p0 .LBB2_1-.Ltmp6, $4  }
0x2c6: {  	v49 =	vld [tilespmem:$0x1FF20]  }
0x2c7: {  	v50 =	vld [tilespmem:$0x1FF30]  }
0x2c8: {  	[sflag:s22] =	ssyncset.done $0x0;
	v63 =	vld [tilespmem:$0x1FF40]  }
0x2c9: {  	v51 =	vld [tilespmem:$0x1FFD0];
	[sflag:s22] =	ssyncadd.s32 $0xFFFFFFF0  }
0x2ca: {  	_ =	sfence.sel $0x180000  }
0x2cb: {  	[bflag:$0x0] =	sbarrier.arrive $0xFFFF  }
0x2cc: {  	_ =	strace $0x90000047  }
0x2cd: {  	s0 =	stileid.u32;
	[bflag:$0x2] =	sbarrier.arrive $0xFFFF  }
0x2ce: {  	p0 =	sne.s32 s0, $0x0;
	s0 =	rddreg [dreg:$0x2]  }
0x2cf: {  	s0 =	sadd.s32 @!p0 $0x100000, s0  }
0x2d0: {  	[sflag:s0] =	ssyncadd.tile.s32 @!p0 $0x1;
	_ =	shalt  }
.Lfunc_end2:
_tile_overlayer_lowered:
.L_overlay_start_2:
0x2d1: {  	(tag) =	ssettag $0x2  }
0x2d2: {  	s0 =	rddreg [dreg:$0x0];
	s2 =	stileid.u32  }
0x2d3: {  	s1 =	rddreg [dreg:$0x1];
	p0 =	sne.s32 s2, $0x0  }
0x2d4: {  	s3 =	rddreg [dreg:$0x2];
	[bflag:$0x3] =	sbarrier.arrive $0xFFFF;
	s2 =	simm.s32 @!p0 $0x1C06  }
0x2d5: {  	[timem:s3], [sflag:s2] =	dma.local @!p0 [hbm:s0], s1  }
0x2d6: {  	s0 =	simm.s32 @!p0 $0x6  }
0x2d7: {  	_ =	swait.ge @!p0 [sflag:s0], s1  }
0x2d8: {  	s1 =	ssub.s32 @!p0 $0x0, s1;
	[sflag:s0] =	ssyncset.done @!p0 $0x0  }
0x2d9: {  	[sflag:s0] =	ssyncadd.s32 @!p0 s1  }
0x2da: {  	[bflag:$0x3] =	sbarrier.arrive $0xFFFF  }
0x2db: {  	_ =	shalt  }

</sc_bundles>
